<compile_context>
chip_gen: v7x
topology: tpu7x:2x2x1
jax: 0.10.2.dev20260603
libtpu: 0.0.44.dev20260713+nightly
codegen_flags: <defaults>
</compile_context>

<pallas_src>
import functools

import jax
import jax.numpy as jnp
from jax import lax
from jax.experimental import pallas as pl
from jax.experimental.pallas import tpu as pltpu
from jax.experimental.pallas import tpu_sc as plsc

N = 10000
E = 320000
B = 100000
H = 128
PROX_W = 0.3

NC, NS = 2, 16
NW = NC * NS

E_PER_TILE = E // NW
EC = 80
NCH_E = E_PER_TILE // EC

BPAD = 102400
BC = 80
NCH0 = 80
B_PER_TILE = BPAD // NW

N_PAD = 10016
NP_TILE = N_PAD // NS

_sc_built = {}


def _sc_mesh():
    return plsc.VectorSubcoreMesh(
        core_axis_name="c", subcore_axis_name="s", num_cores=NC, num_subcores=NS
    )


def _sc_deg_body(dst_hbm, out_hbm, dst_v, cnt_v):
    c = lax.axis_index("c")
    s = lax.axis_index("s")
    wid = c * NS + s
    pltpu.sync_copy(dst_hbm.at[pl.ds(wid * E_PER_TILE, E_PER_TILE)], dst_v)

    def zbody(i, carry):
        cnt_v[pl.ds(i * 16, 16)] = jnp.zeros((16,), jnp.float32)
        return carry

    lax.fori_loop(0, N_PAD // 16, zbody, 0)
    ones16 = jnp.full((16,), 1.0, jnp.float32)

    def body(i, carry):
        idx = dst_v[pl.ds(i * 16, 16)]
        plsc.addupdate_scatter(cnt_v, [idx], ones16)
        return carry

    lax.fori_loop(0, E_PER_TILE // 16, body, 0)
    pltpu.sync_copy(cnt_v, out_hbm.at[pl.ds(wid * N_PAD, N_PAD)])


def _sc_deg(dst_flat):
    fn = _sc_built.get("deg")
    if fn is None:
        fn = pl.kernel(
            _sc_deg_body,
            out_type=jax.ShapeDtypeStruct((NW * N_PAD,), jnp.float32),
            mesh=_sc_mesh(),
            scratch_types=[
                pltpu.VMEM((E_PER_TILE,), jnp.int32),
                pltpu.VMEM((N_PAD,), jnp.float32),
            ],
            compiler_params=pltpu.CompilerParams(use_tc_tiling_on_sc=False, needs_layout_passes=False),
        )
        _sc_built["deg"] = fn
    return fn(dst_flat)


def _sc_agg_body(g_hbm, src_hbm, dst_hbm, z2_hbm, out_hbm, src_v, dst_v,
                 rows_a, rows_b, rows_c, acc, sem_a, sem_b, sem_c):
    c = lax.axis_index("c")
    s = lax.axis_index("s")
    wid = c * NS + s
    pltpu.sync_copy(src_hbm.at[wid], src_v)
    pltpu.sync_copy(dst_hbm.at[wid], dst_v)
    pltpu.sync_copy(z2_hbm, acc.at[pl.ds(s * NP_TILE, NP_TILE)])
    plsc.subcore_barrier()

    def start(j, buf, sem):
        return pltpu.async_copy(g_hbm.at[src_v.at[j]], buf, sem)

    def wait_sc(j, buf, sem):
        pltpu.make_async_copy(g_hbm.at[src_v.at[j]], buf, sem).wait()
        pltpu.sync_copy(buf, acc.at[dst_v.at[j]], add=True)

    start(0, rows_a, sem_a)
    start(1, rows_b, sem_b)
    start(2, rows_c, sem_c)

    def body(g, carry):
        c0 = 3 * g
        wait_sc(c0, rows_a, sem_a)
        start(c0 + 3, rows_a, sem_a)
        wait_sc(c0 + 1, rows_b, sem_b)
        start(c0 + 4, rows_b, sem_b)
        wait_sc(c0 + 2, rows_c, sem_c)
        start(c0 + 5, rows_c, sem_c)
        return carry

    lax.fori_loop(0, NCH_E // 3 - 1, body, 0)
    t0 = 3 * (NCH_E // 3 - 1)
    wait_sc(t0, rows_a, sem_a)
    start(t0 + 3, rows_a, sem_a)
    wait_sc(t0 + 1, rows_b, sem_b)
    start(t0 + 4, rows_b, sem_b)
    wait_sc(t0 + 2, rows_c, sem_c)
    wait_sc(t0 + 3, rows_a, sem_a)
    wait_sc(t0 + 4, rows_b, sem_b)
    plsc.subcore_barrier()
    pltpu.sync_copy(
        acc.at[pl.ds(s * NP_TILE, NP_TILE)],
        out_hbm.at[c, pl.ds(s * NP_TILE, NP_TILE)],
    )


def _sc_agg(g, src, dst, z2):
    fn = _sc_built.get("agg")
    if fn is None:
        fn = pl.kernel(
            _sc_agg_body,
            out_type=jax.ShapeDtypeStruct((NC, N_PAD, H), jnp.float32),
            mesh=_sc_mesh(),
            scratch_types=[
                pltpu.VMEM((NCH_E, EC), jnp.int32),
                pltpu.VMEM((NCH_E, EC), jnp.int32),
                pltpu.VMEM((EC, H), jnp.float32),
                pltpu.VMEM((EC, H), jnp.float32),
                pltpu.VMEM((EC, H), jnp.float32),
                pltpu.VMEM_SHARED((N_PAD, H), jnp.float32),
                pltpu.SemaphoreType.DMA,
                pltpu.SemaphoreType.DMA,
                pltpu.SemaphoreType.DMA,
            ],
            compiler_params=pltpu.CompilerParams(use_tc_tiling_on_sc=False,
                                                 needs_layout_passes=False),
        )
        _sc_built["agg"] = fn
    return fn(g, src, dst, z2)


def _sc_gather_body(t_hbm, e0_hbm, e1_hbm, out0, out1,
                    e0_v, e1_v, a0, a1, b0, b1, sa0, sa1, sb0, sb1):
    c = lax.axis_index("c")
    s = lax.axis_index("s")
    base = s * (NCH0 * BC)

    def start(j, d0, d1, s0, s1):
        o = j * BC
        pltpu.async_copy(t_hbm.at[e0_v.at[pl.ds(o, BC)]], d0, s0)
        pltpu.async_copy(t_hbm.at[e1_v.at[pl.ds(o, BC)]], d1, s1)

    def wait(j, d0, d1, s0, s1):
        o = j * BC
        pltpu.make_async_copy(t_hbm.at[e0_v.at[pl.ds(o, BC)]], d0, s0).wait()
        pltpu.make_async_copy(t_hbm.at[e1_v.at[pl.ds(o, BC)]], d1, s1).wait()

    def copyout(j, d0, d1):
        o = j * BC
        pltpu.sync_copy(d0, out0.at[pl.ds(base + o, BC)])
        pltpu.sync_copy(d1, out1.at[pl.ds(base + o, BC)])

    @pl.when(c == 0)
    def _():
        pltpu.sync_copy(e0_hbm.at[pl.ds(base, NCH0 * BC)], e0_v)
        pltpu.sync_copy(e1_hbm.at[pl.ds(base, NCH0 * BC)], e1_v)
        start(0, a0, a1, sa0, sa1)

        def body(g, carry):
            c0 = 2 * g
            start(c0 + 1, b0, b1, sb0, sb1)
            wait(c0, a0, a1, sa0, sa1)
            copyout(c0, a0, a1)

            @pl.when(g < NCH0 // 2 - 1)
            def _():
                start(c0 + 2, a0, a1, sa0, sa1)

            wait(c0 + 1, b0, b1, sb0, sb1)
            copyout(c0 + 1, b0, b1)
            return carry

        lax.fori_loop(0, NCH0 // 2, body, 0)


def _sc_gather(t_tab, e0p, e1p):
    fn = _sc_built.get("gather")
    if fn is None:
        fn = pl.kernel(
            _sc_gather_body,
            out_type=(
                jax.ShapeDtypeStruct((BPAD, H), jnp.uint32),
                jax.ShapeDtypeStruct((BPAD, H), jnp.uint32),
            ),
            mesh=_sc_mesh(),
            scratch_types=[
                pltpu.VMEM((NCH0 * BC,), jnp.int32),
                pltpu.VMEM((NCH0 * BC,), jnp.int32),
                pltpu.VMEM((BC, H), jnp.uint32),
                pltpu.VMEM((BC, H), jnp.uint32),
                pltpu.VMEM((BC, H), jnp.uint32),
                pltpu.VMEM((BC, H), jnp.uint32),
                pltpu.SemaphoreType.DMA,
                pltpu.SemaphoreType.DMA,
                pltpu.SemaphoreType.DMA,
                pltpu.SemaphoreType.DMA,
            ],
        )
        _sc_built["gather"] = fn
    return fn(t_tab, e0p, e1p)


def _sc_sp_body(s_hbm, p_hbm, ix_hbm, outs, outp, tab_v, ix_v, ov):
    c = lax.axis_index("c")
    s = lax.axis_index("s")
    wid = c * NS + s
    base = wid * B_PER_TILE
    pltpu.sync_copy(ix_hbm.at[pl.ds(base, B_PER_TILE)], ix_v)

    def gbody(i, carry):
        idx = ix_v[pl.ds(i * 16, 16)]
        ov[pl.ds(i * 16, 16)] = plsc.load_gather(tab_v, [idx])
        return carry

    pltpu.sync_copy(s_hbm, tab_v)
    lax.fori_loop(0, B_PER_TILE // 16, gbody, 0)
    pltpu.sync_copy(ov, outs.at[pl.ds(base, B_PER_TILE)])
    pltpu.sync_copy(p_hbm, tab_v)
    lax.fori_loop(0, B_PER_TILE // 16, gbody, 0)
    pltpu.sync_copy(ov, outp.at[pl.ds(base, B_PER_TILE)])


def _sc_sp(train_s, train_p, ixp):
    fn = _sc_built.get("sp")
    if fn is None:
        fn = pl.kernel(
            _sc_sp_body,
            out_type=(
                jax.ShapeDtypeStruct((BPAD,), jnp.float32),
                jax.ShapeDtypeStruct((BPAD,), jnp.float32),
            ),
            mesh=_sc_mesh(),
            scratch_types=[
                pltpu.VMEM((B,), jnp.float32),
                pltpu.VMEM((B_PER_TILE,), jnp.int32),
                pltpu.VMEM((B_PER_TILE,), jnp.float32),
            ],
            compiler_params=pltpu.CompilerParams(use_tc_tiling_on_sc=False, needs_layout_passes=False),
        )
        _sc_built["sp"] = fn
    return fn(train_s, train_p, ixp)


_R = 1000


def _tca_body(x_ref, w_ref, degs_ref, g_ref, dinv_ref):
    deg = jnp.sum(degs_ref[...], axis=1, keepdims=True) + 1.0
    dinv = lax.rsqrt(jnp.maximum(deg, 1.0))
    g_ref[...] = jnp.dot(x_ref[...], w_ref[...],
                         preferred_element_type=jnp.float32) * dinv
    dinv_ref[...] = dinv


_tc_a = pl.pallas_call(
    _tca_body,
    grid=(N // _R,),
    in_specs=[
        pl.BlockSpec((_R, H), lambda i: (i, 0)),
        pl.BlockSpec((H, H), lambda i: (0, 0)),
        pl.BlockSpec((_R, NW), lambda i: (i, 0)),
    ],
    out_specs=[
        pl.BlockSpec((_R, H), lambda i: (i, 0)),
        pl.BlockSpec((_R, 1), lambda i: (i, 0)),
    ],
    out_shape=[
        jax.ShapeDtypeStruct((N, H), jnp.float32),
        jax.ShapeDtypeStruct((N, 1), jnp.float32),
    ],
)


def _tcb_body(p0_ref, p1_ref, g1_ref, dinv_ref, b1_ref, w2_ref, g2_ref):
    dinv = dinv_ref[...]
    h1 = jnp.tanh(dinv * (p0_ref[...] + p1_ref[...] + g1_ref[...]) + b1_ref[...])
    g2_ref[...] = jnp.dot(h1, w2_ref[...],
                          preferred_element_type=jnp.float32) * dinv


_tc_b = pl.pallas_call(
    _tcb_body,
    grid=(N // _R,),
    in_specs=[
        pl.BlockSpec((_R, H), lambda i: (i, 0)),
        pl.BlockSpec((_R, H), lambda i: (i, 0)),
        pl.BlockSpec((_R, H), lambda i: (i, 0)),
        pl.BlockSpec((_R, 1), lambda i: (i, 0)),
        pl.BlockSpec((1, H), lambda i: (0, 0)),
        pl.BlockSpec((H, H), lambda i: (0, 0)),
    ],
    out_specs=pl.BlockSpec((_R, H), lambda i: (i, 0)),
    out_shape=jax.ShapeDtypeStruct((N, H), jnp.float32),
)


def _tcc_body(p0_ref, p1_ref, g2_ref, dinv_ref, b2_ref, wv_ref, linw_ref,
              linb_ref, msl_ref, redw_ref, redb_ref, wlin_ref,
              t_ref, sym_ref):
    emb0 = jnp.tanh(dinv_ref[...] * (p0_ref[...] + p1_ref[...] + g2_ref[...])
                    + b2_ref[...])
    attn = jnp.dot(emb0, wv_ref[...], preferred_element_type=jnp.float32)
    emb = jnp.tanh(
        jnp.dot(emb0, linw_ref[0:H, :], preferred_element_type=jnp.float32)
        + jnp.dot(attn, linw_ref[H:2 * H, :], preferred_element_type=jnp.float32)
        + linb_ref[...]
    )
    red = jnp.tanh(
        jnp.dot(msl_ref[...], redw_ref[...], preferred_element_type=jnp.float32)
        + redb_ref[...]
    )
    emb_u = lax.bitcast_convert_type(
        emb.astype(jnp.bfloat16).astype(jnp.float32), jnp.uint32)
    red_u = lax.bitcast_convert_type(
        red.astype(jnp.bfloat16).astype(jnp.float32), jnp.uint32)
    t_ref[...] = (emb_u >> 16) | (red_u & jnp.uint32(0xFFFF0000))

    @pl.when(pl.program_id(0) == 0)
    def _():
        w = wlin_ref[...]
        sym_ref[...] = (w + w.T) * 0.5


_tc_c = pl.pallas_call(
    _tcc_body,
    grid=(N // _R,),
    in_specs=[
        pl.BlockSpec((_R, H), lambda i: (i, 0)),
        pl.BlockSpec((_R, H), lambda i: (i, 0)),
        pl.BlockSpec((_R, H), lambda i: (i, 0)),
        pl.BlockSpec((_R, 1), lambda i: (i, 0)),
        pl.BlockSpec((1, H), lambda i: (0, 0)),
        pl.BlockSpec((H, H), lambda i: (0, 0)),
        pl.BlockSpec((2 * H, H), lambda i: (0, 0)),
        pl.BlockSpec((1, H), lambda i: (0, 0)),
        pl.BlockSpec((_R, 64), lambda i: (i, 0)),
        pl.BlockSpec((64, H), lambda i: (0, 0)),
        pl.BlockSpec((1, H), lambda i: (0, 0)),
        pl.BlockSpec((H, H), lambda i: (0, 0)),
    ],
    out_specs=[
        pl.BlockSpec((_R, H), lambda i: (i, 0)),
        pl.BlockSpec((H, H), lambda i: (0, 0)),
    ],
    out_shape=[
        jax.ShapeDtypeStruct((N, H), jnp.uint32),
        jax.ShapeDtypeStruct((H, H), jnp.float32),
    ],
)

_RB = 512


def _tce_body(g0_ref, g1_ref, s_ref, p_ref, sym_ref, mlw1_ref, mlb1_ref,
              mlw2_ref, msw1_ref, msb1_ref, msw2_ref, blin_ref, sc2_ref,
              out_ref):
    u0 = g0_ref[...]
    u1 = g1_ref[...]
    a = lax.bitcast_convert_type(u0 << 16, jnp.float32)
    ra = lax.bitcast_convert_type(u0 & jnp.uint32(0xFFFF0000), jnp.float32)
    b = lax.bitcast_convert_type(u1 << 16, jnp.float32)
    rb = lax.bitcast_convert_type(u1 & jnp.uint32(0xFFFF0000), jnp.float32)

    def dot(x, w):
        return jnp.dot(x, w, preferred_element_type=jnp.float32)

    def rowsum_t(x, w_col):
        return lax.dot_general(w_col, x, (((0,), (1,)), ((), ())),
                               preferred_element_type=jnp.float32)

    ones_col = jnp.ones((H, 1), jnp.float32)
    asym = dot(a, sym_ref[...])
    sim = rowsum_t(asym * b, ones_col) + jnp.sum(blin_ref[...])
    ml_s = jax.nn.sigmoid(sim)
    mlh = jnp.tanh(
        dot((a + b) * 0.5, mlw1_ref[0:H, :])
        + dot(jnp.maximum(a, b), mlw1_ref[H:2 * H, :])
        + mlb1_ref[...]
    )
    ml_w = jnp.tanh(rowsum_t(mlh, mlw2_ref[...]) + sc2_ref[0:1, 0:1])
    msh = jnp.tanh(
        dot((ra + rb) * 0.5, msw1_ref[0:H, :])
        + dot(jnp.maximum(ra, rb), msw1_ref[H:2 * H, :])
        + msb1_ref[...]
    )
    ms_w = jnp.tanh(rowsum_t(msh, msw2_ref[...]) + sc2_ref[0:1, 1:2])
    m = jnp.maximum(jnp.maximum(ml_w, ms_w), PROX_W)
    e_ml = jnp.exp(ml_w - m)
    e_ms = jnp.exp(ms_w - m)
    e_pw = jnp.exp(PROX_W - m)
    z = e_ml + e_ms + e_pw
    res = (ml_s * e_ml + s_ref[0, :, :] * e_ms + p_ref[0, :, :] * e_pw) / z
    out_ref[...] = jnp.clip(res, 0.0, 1.0).reshape(1, 1, _RB)


_tc_edge = pl.pallas_call(
    _tce_body,
    grid=(BPAD // _RB,),
    in_specs=[
        pl.BlockSpec((_RB, H), lambda i: (i, 0)),
        pl.BlockSpec((_RB, H), lambda i: (i, 0)),
        pl.BlockSpec((1, 1, _RB), lambda i: (i, 0, 0)),
        pl.BlockSpec((1, 1, _RB), lambda i: (i, 0, 0)),
        pl.BlockSpec((H, H), lambda i: (0, 0)),
        pl.BlockSpec((2 * H, H), lambda i: (0, 0)),
        pl.BlockSpec((1, H), lambda i: (0, 0)),
        pl.BlockSpec((H, 1), lambda i: (0, 0)),
        pl.BlockSpec((2 * H, H), lambda i: (0, 0)),
        pl.BlockSpec((1, H), lambda i: (0, 0)),
        pl.BlockSpec((H, 1), lambda i: (0, 0)),
        pl.BlockSpec((1, H), lambda i: (0, 0)),
        pl.BlockSpec((1, 2), lambda i: (0, 0)),
    ],
    out_specs=pl.BlockSpec((1, 1, _RB), lambda i: (i, 0, 0)),
    out_shape=jax.ShapeDtypeStruct((BPAD // _RB, 1, _RB), jnp.float32),
)


def kernel(x, mp_adj, edges, index, prev_embs, gc1_W, gc1_b, gc2_W, gc2_b,
           lin_W, lin_b, weight_lin, bias_lin, w_v, train_s, train_p,
           ms_logits, ml_W1, ml_b1, ml_W2, ml_b2, ms_W1, ms_b1, ms_W2, ms_b2,
           red_W, red_b):
    src = mp_adj[0].astype(jnp.int32).reshape(NW, NCH_E, EC)
    dst = mp_adj[1].astype(jnp.int32).reshape(NW, NCH_E, EC)
    dst_flat = mp_adj[1].astype(jnp.int32)
    z2 = jnp.zeros((NP_TILE, H), jnp.float32)

    degp = _sc_deg(dst_flat)
    degs_t = degp.reshape(NW, N_PAD).T[:N]

    g1, dinv = _tc_a(x, gc1_W, degs_t)
    parts1 = _sc_agg(g1, src, dst, z2)
    g2 = _tc_b(parts1[0, :N], parts1[1, :N], g1, dinv,
               gc1_b.reshape(1, H), gc2_W)
    parts2 = _sc_agg(g2, src, dst, z2)
    t_tab, sym = _tc_c(parts2[0, :N], parts2[1, :N], g2, dinv,
                       gc2_b.reshape(1, H), w_v, lin_W, lin_b.reshape(1, H),
                       ms_logits, red_W, red_b.reshape(1, H), weight_lin)

    e0p = jnp.pad(edges[0].astype(jnp.int32), (0, BPAD - B))
    e1p = jnp.pad(edges[1].astype(jnp.int32), (0, BPAD - B))
    ixp = jnp.pad(index.astype(jnp.int32), (0, BPAD - B))

    g0, g1e = _sc_gather(t_tab, e0p, e1p)
    sg, pg = _sc_sp(train_s, train_p, ixp)

    sc2 = jnp.stack([ml_b2[0], ms_b2[0]]).reshape(1, 2)
    out = _tc_edge(g0, g1e, sg.reshape(BPAD // _RB, 1, _RB),
                   pg.reshape(BPAD // _RB, 1, _RB), sym,
                   ml_W1, ml_b1.reshape(1, H), ml_W2, ms_W1,
                   ms_b1.reshape(1, H), ms_W2,
                   bias_lin.reshape(1, H), sc2)
    return out.reshape(BPAD)[:B]

# --- scband reference (transcript-rebuilt; emitter-appended) ---
"""Pipeline reference for scband-ti-ger-model-3607772529226 (READ-ONLY COPY).

The authoritative reference and input builder live on the scoring server;
editing this copy changes nothing except your own understanding.
"""

import jax, jax.numpy as jnp
import numpy as np

N = 10000
E = 320000
B = 100000
F = 128
H = 128
L = 64
PROX_W = 0.3


def _xavier(k, shape):
    lim = np.sqrt(6.0 / (shape[0] + shape[1]))
    return jax.random.uniform(k, shape, jnp.float32, -lim, lim)


def setup_inputs(seed: int = 0) -> dict:
    key = jax.random.key(seed)
    ks = jax.random.split(key, 24)
    inp = {
        "x": jax.random.normal(ks[0], (N, F), jnp.float32),
        "mp_adj": jax.random.randint(ks[1], (2, E), 0, N),
        "edges": jax.random.randint(ks[2], (2, B), 0, N),
        "index": jax.random.randint(ks[3], (B,), 0, B),
        "prev_embs": jnp.zeros((0, H), jnp.float32),
        "gc1_W": _xavier(ks[4], (F, H)), "gc1_b": jnp.zeros((H,), jnp.float32),
        "gc2_W": _xavier(ks[5], (H, H)), "gc2_b": jnp.zeros((H,), jnp.float32),
        "lin_W": _xavier(ks[6], (2 * H, H)), "lin_b": jnp.zeros((H,), jnp.float32),
        "weight_lin": _xavier(ks[7], (H, H)), "bias_lin": jnp.zeros((H,), jnp.float32),
        "w_v": _xavier(ks[8], (H, H)),
        "train_s": jax.random.uniform(ks[9], (B,), jnp.float32),
        "train_p": jax.random.uniform(ks[10], (B,), jnp.float32),
        "ms_logits": jax.random.normal(ks[11], (N, L), jnp.float32),
        "ml_W1": _xavier(ks[12], (2 * H, H)), "ml_b1": jnp.zeros((H,), jnp.float32),
        "ml_W2": _xavier(ks[13], (H, 1)), "ml_b2": jnp.zeros((1,), jnp.float32),
        "ms_W1": _xavier(ks[14], (2 * H, H)), "ms_b1": jnp.zeros((H,), jnp.float32),
        "ms_W2": _xavier(ks[15], (H, 1)), "ms_b2": jnp.zeros((1,), jnp.float32),
        "red_W": _xavier(ks[16], (L, H)), "red_b": jnp.zeros((H,), jnp.float32),
    }
    return inp


def _gcn(x, ei, W, b):
    n = x.shape[0]
    loop = jnp.arange(n)
    src = jnp.concatenate([ei[0], loop])
    dst = jnp.concatenate([ei[1], loop])
    h = x @ W
    deg = jnp.zeros((n,), h.dtype).at[dst].add(1.0)
    dinv = 1.0 / jnp.sqrt(jnp.maximum(deg, 1.0))
    norm = (dinv[src] * dinv[dst])[:, None]
    out = jnp.zeros((n, W.shape[1]), h.dtype).at[dst].add(h[src] * norm)
    return out + b


def _mmp(a, b):
    return jnp.concatenate([(a + b) / 2.0, jnp.maximum(a, b)], axis=1)


def reference(x, mp_adj, edges, index, prev_embs,
              gc1_W, gc1_b, gc2_W, gc2_b, lin_W, lin_b,
              weight_lin, bias_lin, w_v,
              train_s, train_p, ms_logits,
              ml_W1, ml_b1, ml_W2, ml_b2,
              ms_W1, ms_b1, ms_W2, ms_b2,
              red_W, red_b):
    # Module_L (dropout in eval mode = identity; prev_embs empty -> attn = emb @ w_v)
    h = jnp.tanh(_gcn(x, mp_adj, gc1_W, gc1_b))
    h = jnp.tanh(_gcn(h, mp_adj, gc2_W, gc2_b))
    emb0 = h
    attn_emb = emb0 @ w_v
    emb = jnp.tanh(jnp.concatenate([emb0, attn_emb], axis=1) @ lin_W + lin_b)
    sym = (weight_lin + weight_lin.T) / 2.0
    e0, e1 = edges[0], edges[1]
    sim = ((emb[e0] @ sym) * emb[e1] + bias_lin).sum(axis=1)
    ml_scores = jax.nn.sigmoid(sim)
    # Module_S / Proximity (mode='train')
    ms_scores = train_s[index]
    prox_scores = train_p[index]
    scores = jnp.stack([ml_scores, ms_scores, prox_scores], axis=1)
    # ensemble
    ml_p = _mmp(emb[e0], emb[e1])
    ml_w = jnp.tanh(jnp.tanh(ml_p @ ml_W1 + ml_b1) @ ml_W2 + ml_b2)
    ra = jnp.tanh(ms_logits[e0] @ red_W + red_b)
    rb = jnp.tanh(ms_logits[e1] @ red_W + red_b)
    ms_p = _mmp(ra, rb)
    ms_w = jnp.tanh(jnp.tanh(ms_p @ ms_W1 + ms_b1) @ ms_W2 + ms_b2)
    pw = jnp.ones_like(ml_w) * PROX_W
    attn = jax.nn.softmax(jnp.concatenate([ml_w, ms_w, pw], axis=1), axis=1)
    final = jnp.clip((scores * attn).sum(axis=1), 0.0, 1.0)
    return final

if __name__ == "__main__":
    import jax
    _d = setup_inputs()
    print(jax.jit(kernel)(*tuple(_d.values())))

</pallas_src>

<mosaic_0001>
#map = affine_map<(d0, d1) -> (0)>
module attributes {stable_mosaic.version = 14 : i64} {
  func.func @_sc_deg_body(%arg0: i32, %arg1: i32, %arg2: memref<320000xi32, #tpu.memory_space<hbm>>, %arg3: memref<320512xf32, #tpu.memory_space<hbm>>, %arg4: memref<10000xi32, #tpu.memory_space<vmem>>, %arg5: memref<10016xf32, #tpu.memory_space<vmem>>) attributes {dimension_semantics = [#tpu.dimension_semantics<core_parallel>, #tpu.dimension_semantics<subcore_parallel>], iteration_bounds = array<i64: 2, 16>, scalar_prefetch = 0 : i64, scratch_operands = 2 : i64, tpu.core_type = #tpu.core_type<sc_vector_subcore>, window_params = [{transform_indices = #map}, {transform_indices = #map}]} {
    %mul3A = arith.constant 16 : i32
    %mul3A_0 = arith.muli %arg0, %mul3A : i32
    %add3A = arith.addi %mul3A_0, %arg1 : i32
    %mul3A_1 = arith.constant 10000 : i32
    %mul3A_2 = arith.muli %add3A, %mul3A_1 : i32
    "tpu.region"() ({
      %run_scoped3A = tpu.sem_alloc : memref<!tpu.dma_semaphore, #tpu.memory_space<semaphore_mem>>
      %dma_start3A = tpu.memref_slice %arg2[%mul3A_2] : memref<320000xi32, #tpu.memory_space<hbm>> -> memref<10000xi32, #tpu.memory_space<hbm>>
      %dma_start3A_17 = tpu.memref_slice %arg2[%mul3A_2] : memref<320000xi32, #tpu.memory_space<hbm>> -> memref<10000xi32, #tpu.memory_space<hbm>>
      tpu.enqueue_dma source(%dma_start3A_17 : memref<10000xi32, #tpu.memory_space<hbm>>) target(%arg4 : memref<10000xi32, #tpu.memory_space<vmem>>) target_semaphore(%run_scoped3A : memref<!tpu.dma_semaphore, #tpu.memory_space<semaphore_mem>>)
      %dma_wait3A = tpu.memref_slice %arg2[%mul3A_2] : memref<320000xi32, #tpu.memory_space<hbm>> -> memref<10000xi32, #tpu.memory_space<hbm>>
      %dma_wait3A_18 = tpu.memref_slice %arg2[%mul3A_2] : memref<320000xi32, #tpu.memory_space<hbm>> -> memref<10000xi32, #tpu.memory_space<hbm>>
      tpu.wait_dma2 semaphore(%run_scoped3A : memref<!tpu.dma_semaphore, #tpu.memory_space<semaphore_mem>>) src(%dma_wait3A_18 : memref<10000xi32, #tpu.memory_space<hbm>>) dst(%arg4 : memref<10000xi32, #tpu.memory_space<vmem>>)
      tpu.yield
    }) : () -> ()
    %scan3A = arith.constant 0 : i32
    %scan3A_3 = arith.constant 0 : i32
    %scan3A_4 = arith.constant 626 : i32
    %scan3A_5 = arith.addi %scan3A_3, %scan3A_4 : i32
    %scan3A_6 = arith.constant 1 : i32
    scf.for %scan3A_17 = %scan3A_3 to %scan3A_5 step %scan3A_6  : i32 {
      %broadcast_in_dim3A_18 = arith.constant 0.000000e+00 : f32
      %broadcast_in_dim3A_19 = vector.broadcast %broadcast_in_dim3A_18 : f32 to vector<16xf32>
      %mul3A_20 = arith.constant 16 : i32
      %mul3A_21 = arith.muli %scan3A_17, %mul3A_20 : i32
      %swap3A = arith.index_cast %mul3A_21 : i32 to index
      %swap3A_22 = tpu.vector_load %arg5[%swap3A] {strides = array<i32>} : memref<10016xf32, #tpu.memory_space<vmem>>, vector<16xf32>,
      tpu.vector_store %arg5[%swap3A], %broadcast_in_dim3A_19 {strides = array<i32>} : memref<10016xf32, #tpu.memory_space<vmem>>, vector<16xf32>,
    }
    %scan3A_7 = arith.constant 626 : i32
    %broadcast_in_dim3A = arith.constant 1.000000e+00 : f32
    %broadcast_in_dim3A_8 = vector.broadcast %broadcast_in_dim3A : f32 to vector<16xf32>
    %scan3A_9 = arith.constant 0 : i32
    %scan3A_10 = arith.constant 0 : i32
    %scan3A_11 = arith.constant 625 : i32
    %scan3A_12 = arith.addi %scan3A_10, %scan3A_11 : i32
    %scan3A_13 = arith.constant 1 : i32
    scf.for %scan3A_17 = %scan3A_10 to %scan3A_12 step %scan3A_13  : i32 {
      %mul3A_18 = arith.constant 16 : i32
      %mul3A_19 = arith.muli %scan3A_17, %mul3A_18 : i32
      %get3A = arith.index_cast %mul3A_19 : i32 to index
      %get3A_20 = tpu.vector_load %arg4[%get3A] {strides = array<i32>} : memref<10000xi32, #tpu.memory_space<vmem>>, vector<16xi32>,
      tpu.vector_store_idx %arg5[%get3A_20], %broadcast_in_dim3A_8 {add = true} : memref<10016xf32, #tpu.memory_space<vmem>>[vector<16xi32>], vector<16xf32>,
    }
    %scan3A_14 = arith.constant 625 : i32
    %mul3A_15 = arith.constant 10016 : i32
    %mul3A_16 = arith.muli %add3A, %mul3A_15 : i32
    "tpu.region"() ({
      %run_scoped3A = tpu.sem_alloc : memref<!tpu.dma_semaphore, #tpu.memory_space<semaphore_mem>>
      %dma_start3A = tpu.memref_slice %arg3[%mul3A_16] : memref<320512xf32, #tpu.memory_space<hbm>> -> memref<10016xf32, #tpu.memory_space<hbm>>
      %dma_start3A_17 = tpu.memref_slice %arg3[%mul3A_16] : memref<320512xf32, #tpu.memory_space<hbm>> -> memref<10016xf32, #tpu.memory_space<hbm>>
      tpu.enqueue_dma source(%arg5 : memref<10016xf32, #tpu.memory_space<vmem>>) target(%dma_start3A_17 : memref<10016xf32, #tpu.memory_space<hbm>>) target_semaphore(%run_scoped3A : memref<!tpu.dma_semaphore, #tpu.memory_space<semaphore_mem>>)
      %dma_wait3A = tpu.memref_slice %arg3[%mul3A_16] : memref<320512xf32, #tpu.memory_space<hbm>> -> memref<10016xf32, #tpu.memory_space<hbm>>
      %dma_wait3A_18 = tpu.memref_slice %arg3[%mul3A_16] : memref<320512xf32, #tpu.memory_space<hbm>> -> memref<10016xf32, #tpu.memory_space<hbm>>
      tpu.wait_dma2 semaphore(%run_scoped3A : memref<!tpu.dma_semaphore, #tpu.memory_space<semaphore_mem>>) src(%arg5 : memref<10016xf32, #tpu.memory_space<vmem>>) dst(%dma_wait3A_18 : memref<10016xf32, #tpu.memory_space<hbm>>)
      tpu.yield
    }) : () -> ()
    return
  }
}

#map = affine_map<(d0, d1) -> (0, 0)>
#map1 = affine_map<(d0, d1) -> (0, 0, 0)>
module attributes {stable_mosaic.version = 14 : i64} {
  func.func @_sc_agg_body(%arg0: i32, %arg1: i32, %arg2: memref<10000x128xf32, #tpu.memory_space<hbm>>, %arg3: memref<32x125x80xi32, #tpu.memory_space<hbm>>, %arg4: memref<32x125x80xi32, #tpu.memory_space<hbm>>, %arg5: memref<626x128xf32, #tpu.memory_space<hbm>>, %arg6: memref<2x10016x128xf32, #tpu.memory_space<hbm>>, %arg7: memref<125x80xi32, #tpu.memory_space<vmem>>, %arg8: memref<125x80xi32, #tpu.memory_space<vmem>>, %arg9: memref<80x128xf32, #tpu.memory_space<vmem>>, %arg10: memref<80x128xf32, #tpu.memory_space<vmem>>, %arg11: memref<80x128xf32, #tpu.memory_space<vmem>>, %arg12: memref<10016x128xf32, #tpu.memory_space<vmem_shared>>, %arg13: memref<!tpu.dma_semaphore, #tpu.memory_space<semaphore_mem>>, %arg14: memref<!tpu.dma_semaphore, #tpu.memory_space<semaphore_mem>>, %arg15: memref<!tpu.dma_semaphore, #tpu.memory_space<semaphore_mem>>) attributes {dimension_semantics = [#tpu.dimension_semantics<core_parallel>, #tpu.dimension_semantics<subcore_parallel>], iteration_bounds = array<i64: 2, 16>, scalar_prefetch = 0 : i64, scratch_operands = 9 : i64, tpu.core_type = #tpu.core_type<sc_vector_subcore>, window_params = [{transform_indices = #map}, {transform_indices = #map1}, {transform_indices = #map1}, {transform_indices = #map}, {transform_indices = #map1}]} {
    %mul3A = arith.constant 16 : i32
    %mul3A_0 = arith.muli %arg0, %mul3A : i32
    %add3A = arith.addi %mul3A_0, %arg1 : i32
    "tpu.region"() ({
      %run_scoped3A_85 = tpu.sem_alloc : memref<!tpu.dma_semaphore, #tpu.memory_space<semaphore_mem>>
      %dma_start3A_86 = arith.constant 0 : i32
      %dma_start3A_87 = arith.constant 0 : i32
      %dma_start3A_88 = tpu.memref_slice %arg3[%add3A, %dma_start3A_86, %dma_start3A_87] : memref<32x125x80xi32, #tpu.memory_space<hbm>> -> memref<1x125x80xi32, #tpu.memory_space<hbm>>
      %dma_start3A_89 = tpu.memref_squeeze %dma_start3A_88 : memref<1x125x80xi32, #tpu.memory_space<hbm>> -> memref<125x80xi32, #tpu.memory_space<hbm>>
      %dma_start3A_90 = arith.constant 0 : i32
      %dma_start3A_91 = arith.constant 0 : i32
      %dma_start3A_92 = tpu.memref_slice %arg3[%add3A, %dma_start3A_90, %dma_start3A_91] : memref<32x125x80xi32, #tpu.memory_space<hbm>> -> memref<1x125x80xi32, #tpu.memory_space<hbm>>
      %dma_start3A_93 = tpu.memref_squeeze %dma_start3A_92 : memref<1x125x80xi32, #tpu.memory_space<hbm>> -> memref<125x80xi32, #tpu.memory_space<hbm>>
      tpu.enqueue_dma source(%dma_start3A_93 : memref<125x80xi32, #tpu.memory_space<hbm>>) target(%arg7 : memref<125x80xi32, #tpu.memory_space<vmem>>) target_semaphore(%run_scoped3A_85 : memref<!tpu.dma_semaphore, #tpu.memory_space<semaphore_mem>>)
      %dma_wait3A_94 = arith.constant 0 : i32
      %dma_wait3A_95 = arith.constant 0 : i32
      %dma_wait3A_96 = tpu.memref_slice %arg3[%add3A, %dma_wait3A_94, %dma_wait3A_95] : memref<32x125x80xi32, #tpu.memory_space<hbm>> -> memref<1x125x80xi32, #tpu.memory_space<hbm>>
      %dma_wait3A_97 = tpu.memref_squeeze %dma_wait3A_96 : memref<1x125x80xi32, #tpu.memory_space<hbm>> -> memref<125x80xi32, #tpu.memory_space<hbm>>
      %dma_wait3A_98 = arith.constant 0 : i32
      %dma_wait3A_99 = arith.constant 0 : i32
      %dma_wait3A_100 = tpu.memref_slice %arg3[%add3A, %dma_wait3A_98, %dma_wait3A_99] : memref<32x125x80xi32, #tpu.memory_space<hbm>> -> memref<1x125x80xi32, #tpu.memory_space<hbm>>
      %dma_wait3A_101 = tpu.memref_squeeze %dma_wait3A_100 : memref<1x125x80xi32, #tpu.memory_space<hbm>> -> memref<125x80xi32, #tpu.memory_space<hbm>>
      tpu.wait_dma2 semaphore(%run_scoped3A_85 : memref<!tpu.dma_semaphore, #tpu.memory_space<semaphore_mem>>) src(%dma_wait3A_101 : memref<125x80xi32, #tpu.memory_space<hbm>>) dst(%arg7 : memref<125x80xi32, #tpu.memory_space<vmem>>)
      tpu.yield
    }) : () -> ()
    "tpu.region"() ({
      %run_scoped3A_85 = tpu.sem_alloc : memref<!tpu.dma_semaphore, #tpu.memory_space<semaphore_mem>>
      %dma_start3A_86 = arith.constant 0 : i32
      %dma_start3A_87 = arith.constant 0 : i32
      %dma_start3A_88 = tpu.memref_slice %arg4[%add3A, %dma_start3A_86, %dma_start3A_87] : memref<32x125x80xi32, #tpu.memory_space<hbm>> -> memref<1x125x80xi32, #tpu.memory_space<hbm>>
      %dma_start3A_89 = tpu.memref_squeeze %dma_start3A_88 : memref<1x125x80xi32, #tpu.memory_space<hbm>> -> memref<125x80xi32, #tpu.memory_space<hbm>>
      %dma_start3A_90 = arith.constant 0 : i32
      %dma_start3A_91 = arith.constant 0 : i32
      %dma_start3A_92 = tpu.memref_slice %arg4[%add3A, %dma_start3A_90, %dma_start3A_91] : memref<32x125x80xi32, #tpu.memory_space<hbm>> -> memref<1x125x80xi32, #tpu.memory_space<hbm>>
      %dma_start3A_93 = tpu.memref_squeeze %dma_start3A_92 : memref<1x125x80xi32, #tpu.memory_space<hbm>> -> memref<125x80xi32, #tpu.memory_space<hbm>>
      tpu.enqueue_dma source(%dma_start3A_93 : memref<125x80xi32, #tpu.memory_space<hbm>>) target(%arg8 : memref<125x80xi32, #tpu.memory_space<vmem>>) target_semaphore(%run_scoped3A_85 : memref<!tpu.dma_semaphore, #tpu.memory_space<semaphore_mem>>)
      %dma_wait3A_94 = arith.constant 0 : i32
      %dma_wait3A_95 = arith.constant 0 : i32
      %dma_wait3A_96 = tpu.memref_slice %arg4[%add3A, %dma_wait3A_94, %dma_wait3A_95] : memref<32x125x80xi32, #tpu.memory_space<hbm>> -> memref<1x125x80xi32, #tpu.memory_space<hbm>>
      %dma_wait3A_97 = tpu.memref_squeeze %dma_wait3A_96 : memref<1x125x80xi32, #tpu.memory_space<hbm>> -> memref<125x80xi32, #tpu.memory_space<hbm>>
      %dma_wait3A_98 = arith.constant 0 : i32
      %dma_wait3A_99 = arith.constant 0 : i32
      %dma_wait3A_100 = tpu.memref_slice %arg4[%add3A, %dma_wait3A_98, %dma_wait3A_99] : memref<32x125x80xi32, #tpu.memory_space<hbm>> -> memref<1x125x80xi32, #tpu.memory_space<hbm>>
      %dma_wait3A_101 = tpu.memref_squeeze %dma_wait3A_100 : memref<1x125x80xi32, #tpu.memory_space<hbm>> -> memref<125x80xi32, #tpu.memory_space<hbm>>
      tpu.wait_dma2 semaphore(%run_scoped3A_85 : memref<!tpu.dma_semaphore, #tpu.memory_space<semaphore_mem>>) src(%dma_wait3A_101 : memref<125x80xi32, #tpu.memory_space<hbm>>) dst(%arg8 : memref<125x80xi32, #tpu.memory_space<vmem>>)
      tpu.yield
    }) : () -> ()
    %mul3A_1 = arith.constant 626 : i32
    %mul3A_2 = arith.muli %arg1, %mul3A_1 : i32
    "tpu.region"() ({
      %run_scoped3A_85 = tpu.sem_alloc : memref<!tpu.dma_semaphore, #tpu.memory_space<semaphore_mem>>
      %dma_start3A_86 = arith.constant 0 : i32
      %dma_start3A_87 = tpu.memref_slice %arg12[%mul3A_2, %dma_start3A_86] : memref<10016x128xf32, #tpu.memory_space<vmem_shared>> -> memref<626x128xf32, #tpu.memory_space<vmem_shared>>
      tpu.enqueue_dma source(%arg5 : memref<626x128xf32, #tpu.memory_space<hbm>>) target(%dma_start3A_87 : memref<626x128xf32, #tpu.memory_space<vmem_shared>>) target_semaphore(%run_scoped3A_85 : memref<!tpu.dma_semaphore, #tpu.memory_space<semaphore_mem>>)
      %dma_wait3A_88 = arith.constant 0 : i32
      %dma_wait3A_89 = tpu.memref_slice %arg12[%mul3A_2, %dma_wait3A_88] : memref<10016x128xf32, #tpu.memory_space<vmem_shared>> -> memref<626x128xf32, #tpu.memory_space<vmem_shared>>
      tpu.wait_dma2 semaphore(%run_scoped3A_85 : memref<!tpu.dma_semaphore, #tpu.memory_space<semaphore_mem>>) src(%arg5 : memref<626x128xf32, #tpu.memory_space<hbm>>) dst(%dma_wait3A_89 : memref<626x128xf32, #tpu.memory_space<vmem_shared>>)
      tpu.yield
    }) : () -> ()
    %barrier3A = arith.constant 0 : index
    tpu.barrier barrier_id(%barrier3A)
    %dma_start3A = arith.constant 0 : i32
    %dma_start3A_3 = arith.constant 0 : i32
    %dma_start3A_4 = tpu.memref_slice %arg7[%dma_start3A, %dma_start3A_3] : memref<125x80xi32, #tpu.memory_space<vmem>> -> memref<1x80xi32, #tpu.memory_space<vmem>>
    %dma_start3A_5 = tpu.memref_squeeze %dma_start3A_4 : memref<1x80xi32, #tpu.memory_space<vmem>> -> memref<80xi32, #tpu.memory_space<vmem>>
    %dma_start3A_6 = arith.constant 0 : i32
    %dma_start3A_7 = arith.constant 0 : i32
    %dma_start3A_8 = tpu.memref_slice %arg2[%dma_start3A_6, %dma_start3A_7] : memref<10000x128xf32, #tpu.memory_space<hbm>> -> memref<10000x128xf32, #tpu.memory_space<hbm>>
    tpu.enqueue_indirect_dma source(%dma_start3A_8 : memref<10000x128xf32, #tpu.memory_space<hbm>>) target(%arg9 : memref<80x128xf32, #tpu.memory_space<vmem>>) offsets(%dma_start3A_5 : memref<80xi32, #tpu.memory_space<vmem>>) semaphore(%arg13 : memref<!tpu.dma_semaphore, #tpu.memory_space<semaphore_mem>>)
    %dma_start3A_9 = arith.constant 1 : i32
    %dma_start3A_10 = arith.constant 0 : i32
    %dma_start3A_11 = tpu.memref_slice %arg7[%dma_start3A_9, %dma_start3A_10] : memref<125x80xi32, #tpu.memory_space<vmem>> -> memref<1x80xi32, #tpu.memory_space<vmem>>
    %dma_start3A_12 = tpu.memref_squeeze %dma_start3A_11 : memref<1x80xi32, #tpu.memory_space<vmem>> -> memref<80xi32, #tpu.memory_space<vmem>>
    %dma_start3A_13 = arith.constant 0 : i32
    %dma_start3A_14 = arith.constant 0 : i32
    %dma_start3A_15 = tpu.memref_slice %arg2[%dma_start3A_13, %dma_start3A_14] : memref<10000x128xf32, #tpu.memory_space<hbm>> -> memref<10000x128xf32, #tpu.memory_space<hbm>>
    tpu.enqueue_indirect_dma source(%dma_start3A_15 : memref<10000x128xf32, #tpu.memory_space<hbm>>) target(%arg10 : memref<80x128xf32, #tpu.memory_space<vmem>>) offsets(%dma_start3A_12 : memref<80xi32, #tpu.memory_space<vmem>>) semaphore(%arg14 : memref<!tpu.dma_semaphore, #tpu.memory_space<semaphore_mem>>)
    %dma_start3A_16 = arith.constant 2 : i32
    %dma_start3A_17 = arith.constant 0 : i32
    %dma_start3A_18 = tpu.memref_slice %arg7[%dma_start3A_16, %dma_start3A_17] : memref<125x80xi32, #tpu.memory_space<vmem>> -> memref<1x80xi32, #tpu.memory_space<vmem>>
    %dma_start3A_19 = tpu.memref_squeeze %dma_start3A_18 : memref<1x80xi32, #tpu.memory_space<vmem>> -> memref<80xi32, #tpu.memory_space<vmem>>
    %dma_start3A_20 = arith.constant 0 : i32
    %dma_start3A_21 = arith.constant 0 : i32
    %dma_start3A_22 = tpu.memref_slice %arg2[%dma_start3A_20, %dma_start3A_21] : memref<10000x128xf32, #tpu.memory_space<hbm>> -> memref<10000x128xf32, #tpu.memory_space<hbm>>
    tpu.enqueue_indirect_dma source(%dma_start3A_22 : memref<10000x128xf32, #tpu.memory_space<hbm>>) target(%arg11 : memref<80x128xf32, #tpu.memory_space<vmem>>) offsets(%dma_start3A_19 : memref<80xi32, #tpu.memory_space<vmem>>) semaphore(%arg15 : memref<!tpu.dma_semaphore, #tpu.memory_space<semaphore_mem>>)
    %scan3A = arith.constant 0 : i32
    %scan3A_23 = arith.constant 0 : i32
    %scan3A_24 = arith.constant 40 : i32
    %scan3A_25 = arith.addi %scan3A_23, %scan3A_24 : i32
    %scan3A_26 = arith.constant 1 : i32
    scf.for %scan3A_85 = %scan3A_23 to %scan3A_25 step %scan3A_26  : i32 {
      %mul3A_86 = arith.constant 3 : i32
      %mul3A_87 = arith.muli %mul3A_86, %scan3A_85 : i32
      %dma_wait3A_88 = arith.constant 0 : i32
      %dma_wait3A_89 = tpu.memref_slice %arg7[%mul3A_87, %dma_wait3A_88] : memref<125x80xi32, #tpu.memory_space<vmem>> -> memref<1x80xi32, #tpu.memory_space<vmem>>
      %dma_wait3A_90 = tpu.memref_squeeze %dma_wait3A_89 : memref<1x80xi32, #tpu.memory_space<vmem>> -> memref<80xi32, #tpu.memory_space<vmem>>
      %dma_wait3A_91 = arith.constant 0 : i32
      %dma_wait3A_92 = arith.constant 0 : i32
      %dma_wait3A_93 = tpu.memref_slice %arg2[%dma_wait3A_91, %dma_wait3A_92] : memref<10000x128xf32, #tpu.memory_space<hbm>> -> memref<10000x128xf32, #tpu.memory_space<hbm>>
      tpu.wait_indirect_dma semaphore(%arg13 : memref<!tpu.dma_semaphore, #tpu.memory_space<semaphore_mem>>) src(%dma_wait3A_93 : memref<10000x128xf32, #tpu.memory_space<hbm>>) dst(%arg9 : memref<80x128xf32, #tpu.memory_space<vmem>>)
      "tpu.region"() ({
        %run_scoped3A_134 = tpu.sem_alloc : memref<!tpu.dma_semaphore, #tpu.memory_space<semaphore_mem>>
        %dma_start3A_135 = arith.constant 0 : i32
        %dma_start3A_136 = tpu.memref_slice %arg8[%mul3A_87, %dma_start3A_135] : memref<125x80xi32, #tpu.memory_space<vmem>> -> memref<1x80xi32, #tpu.memory_space<vmem>>
        %dma_start3A_137 = tpu.memref_squeeze %dma_start3A_136 : memref<1x80xi32, #tpu.memory_space<vmem>> -> memref<80xi32, #tpu.memory_space<vmem>>
        %dma_start3A_138 = arith.constant 0 : i32
        %dma_start3A_139 = arith.constant 0 : i32
        %dma_start3A_140 = tpu.memref_slice %arg12[%dma_start3A_138, %dma_start3A_139] : memref<10016x128xf32, #tpu.memory_space<vmem_shared>> -> memref<10016x128xf32, #tpu.memory_space<vmem_shared>>
        tpu.enqueue_indirect_dma source(%arg9 : memref<80x128xf32, #tpu.memory_space<vmem>>) target(%dma_start3A_140 : memref<10016x128xf32, #tpu.memory_space<vmem_shared>>) offsets(%dma_start3A_137 : memref<80xi32, #tpu.memory_space<vmem>>) semaphore(%run_scoped3A_134 : memref<!tpu.dma_semaphore, #tpu.memory_space<semaphore_mem>>) {add = true}
        %dma_wait3A_141 = arith.constant 0 : i32
        %dma_wait3A_142 = tpu.memref_slice %arg8[%mul3A_87, %dma_wait3A_141] : memref<125x80xi32, #tpu.memory_space<vmem>> -> memref<1x80xi32, #tpu.memory_space<vmem>>
        %dma_wait3A_143 = tpu.memref_squeeze %dma_wait3A_142 : memref<1x80xi32, #tpu.memory_space<vmem>> -> memref<80xi32, #tpu.memory_space<vmem>>
        %dma_wait3A_144 = arith.constant 0 : i32
        %dma_wait3A_145 = arith.constant 0 : i32
        %dma_wait3A_146 = tpu.memref_slice %arg12[%dma_wait3A_144, %dma_wait3A_145] : memref<10016x128xf32, #tpu.memory_space<vmem_shared>> -> memref<10016x128xf32, #tpu.memory_space<vmem_shared>>
        tpu.wait_indirect_dma semaphore(%run_scoped3A_134 : memref<!tpu.dma_semaphore, #tpu.memory_space<semaphore_mem>>) src(%arg9 : memref<80x128xf32, #tpu.memory_space<vmem>>) dst(%dma_wait3A_146 : memref<10016x128xf32, #tpu.memory_space<vmem_shared>>)
        tpu.yield
      }) : () -> ()
      %add3A_94 = arith.constant 3 : i32
      %add3A_95 = arith.addi %mul3A_87, %add3A_94 : i32
      %dma_start3A_96 = arith.constant 0 : i32
      %dma_start3A_97 = tpu.memref_slice %arg7[%add3A_95, %dma_start3A_96] : memref<125x80xi32, #tpu.memory_space<vmem>> -> memref<1x80xi32, #tpu.memory_space<vmem>>
      %dma_start3A_98 = tpu.memref_squeeze %dma_start3A_97 : memref<1x80xi32, #tpu.memory_space<vmem>> -> memref<80xi32, #tpu.memory_space<vmem>>
      %dma_start3A_99 = arith.constant 0 : i32
      %dma_start3A_100 = arith.constant 0 : i32
      %dma_start3A_101 = tpu.memref_slice %arg2[%dma_start3A_99, %dma_start3A_100] : memref<10000x128xf32, #tpu.memory_space<hbm>> -> memref<10000x128xf32, #tpu.memory_space<hbm>>
      tpu.enqueue_indirect_dma source(%dma_start3A_101 : memref<10000x128xf32, #tpu.memory_space<hbm>>) target(%arg9 : memref<80x128xf32, #tpu.memory_space<vmem>>) offsets(%dma_start3A_98 : memref<80xi32, #tpu.memory_space<vmem>>) semaphore(%arg13 : memref<!tpu.dma_semaphore, #tpu.memory_space<semaphore_mem>>)
      %add3A_102 = arith.constant 1 : i32
      %add3A_103 = arith.addi %mul3A_87, %add3A_102 : i32
      %dma_wait3A_104 = arith.constant 0 : i32
      %dma_wait3A_105 = tpu.memref_slice %arg7[%add3A_103, %dma_wait3A_104] : memref<125x80xi32, #tpu.memory_space<vmem>> -> memref<1x80xi32, #tpu.memory_space<vmem>>
      %dma_wait3A_106 = tpu.memref_squeeze %dma_wait3A_105 : memref<1x80xi32, #tpu.memory_space<vmem>> -> memref<80xi32, #tpu.memory_space<vmem>>
      %dma_wait3A_107 = arith.constant 0 : i32
      %dma_wait3A_108 = arith.constant 0 : i32
      %dma_wait3A_109 = tpu.memref_slice %arg2[%dma_wait3A_107, %dma_wait3A_108] : memref<10000x128xf32, #tpu.memory_space<hbm>> -> memref<10000x128xf32, #tpu.memory_space<hbm>>
      tpu.wait_indirect_dma semaphore(%arg14 : memref<!tpu.dma_semaphore, #tpu.memory_space<semaphore_mem>>) src(%dma_wait3A_109 : memref<10000x128xf32, #tpu.memory_space<hbm>>) dst(%arg10 : memref<80x128xf32, #tpu.memory_space<vmem>>)
      "tpu.region"() ({
        %run_scoped3A_134 = tpu.sem_alloc : memref<!tpu.dma_semaphore, #tpu.memory_space<semaphore_mem>>
        %dma_start3A_135 = arith.constant 0 : i32
        %dma_start3A_136 = tpu.memref_slice %arg8[%add3A_103, %dma_start3A_135] : memref<125x80xi32, #tpu.memory_space<vmem>> -> memref<1x80xi32, #tpu.memory_space<vmem>>
        %dma_start3A_137 = tpu.memref_squeeze %dma_start3A_136 : memref<1x80xi32, #tpu.memory_space<vmem>> -> memref<80xi32, #tpu.memory_space<vmem>>
        %dma_start3A_138 = arith.constant 0 : i32
        %dma_start3A_139 = arith.constant 0 : i32
        %dma_start3A_140 = tpu.memref_slice %arg12[%dma_start3A_138, %dma_start3A_139] : memref<10016x128xf32, #tpu.memory_space<vmem_shared>> -> memref<10016x128xf32, #tpu.memory_space<vmem_shared>>
        tpu.enqueue_indirect_dma source(%arg10 : memref<80x128xf32, #tpu.memory_space<vmem>>) target(%dma_start3A_140 : memref<10016x128xf32, #tpu.memory_space<vmem_shared>>) offsets(%dma_start3A_137 : memref<80xi32, #tpu.memory_space<vmem>>) semaphore(%run_scoped3A_134 : memref<!tpu.dma_semaphore, #tpu.memory_space<semaphore_mem>>) {add = true}
        %dma_wait3A_141 = arith.constant 0 : i32
        %dma_wait3A_142 = tpu.memref_slice %arg8[%add3A_103, %dma_wait3A_141] : memref<125x80xi32, #tpu.memory_space<vmem>> -> memref<1x80xi32, #tpu.memory_space<vmem>>
        %dma_wait3A_143 = tpu.memref_squeeze %dma_wait3A_142 : memref<1x80xi32, #tpu.memory_space<vmem>> -> memref<80xi32, #tpu.memory_space<vmem>>
        %dma_wait3A_144 = arith.constant 0 : i32
        %dma_wait3A_145 = arith.constant 0 : i32
        %dma_wait3A_146 = tpu.memref_slice %arg12[%dma_wait3A_144, %dma_wait3A_145] : memref<10016x128xf32, #tpu.memory_space<vmem_shared>> -> memref<10016x128xf32, #tpu.memory_space<vmem_shared>>
        tpu.wait_indirect_dma semaphore(%run_scoped3A_134 : memref<!tpu.dma_semaphore, #tpu.memory_space<semaphore_mem>>) src(%arg10 : memref<80x128xf32, #tpu.memory_space<vmem>>) dst(%dma_wait3A_146 : memref<10016x128xf32, #tpu.memory_space<vmem_shared>>)
        tpu.yield
      }) : () -> ()
      %add3A_110 = arith.constant 4 : i32
      %add3A_111 = arith.addi %mul3A_87, %add3A_110 : i32
      %dma_start3A_112 = arith.constant 0 : i32
      %dma_start3A_113 = tpu.memref_slice %arg7[%add3A_111, %dma_start3A_112] : memref<125x80xi32, #tpu.memory_space<vmem>> -> memref<1x80xi32, #tpu.memory_space<vmem>>
      %dma_start3A_114 = tpu.memref_squeeze %dma_start3A_113 : memref<1x80xi32, #tpu.memory_space<vmem>> -> memref<80xi32, #tpu.memory_space<vmem>>
      %dma_start3A_115 = arith.constant 0 : i32
      %dma_start3A_116 = arith.constant 0 : i32
      %dma_start3A_117 = tpu.memref_slice %arg2[%dma_start3A_115, %dma_start3A_116] : memref<10000x128xf32, #tpu.memory_space<hbm>> -> memref<10000x128xf32, #tpu.memory_space<hbm>>
      tpu.enqueue_indirect_dma source(%dma_start3A_117 : memref<10000x128xf32, #tpu.memory_space<hbm>>) target(%arg10 : memref<80x128xf32, #tpu.memory_space<vmem>>) offsets(%dma_start3A_114 : memref<80xi32, #tpu.memory_space<vmem>>) semaphore(%arg14 : memref<!tpu.dma_semaphore, #tpu.memory_space<semaphore_mem>>)
      %add3A_118 = arith.constant 2 : i32
      %add3A_119 = arith.addi %mul3A_87, %add3A_118 : i32
      %dma_wait3A_120 = arith.constant 0 : i32
      %dma_wait3A_121 = tpu.memref_slice %arg7[%add3A_119, %dma_wait3A_120] : memref<125x80xi32, #tpu.memory_space<vmem>> -> memref<1x80xi32, #tpu.memory_space<vmem>>
      %dma_wait3A_122 = tpu.memref_squeeze %dma_wait3A_121 : memref<1x80xi32, #tpu.memory_space<vmem>> -> memref<80xi32, #tpu.memory_space<vmem>>
      %dma_wait3A_123 = arith.constant 0 : i32
      %dma_wait3A_124 = arith.constant 0 : i32
      %dma_wait3A_125 = tpu.memref_slice %arg2[%dma_wait3A_123, %dma_wait3A_124] : memref<10000x128xf32, #tpu.memory_space<hbm>> -> memref<10000x128xf32, #tpu.memory_space<hbm>>
      tpu.wait_indirect_dma semaphore(%arg15 : memref<!tpu.dma_semaphore, #tpu.memory_space<semaphore_mem>>) src(%dma_wait3A_125 : memref<10000x128xf32, #tpu.memory_space<hbm>>) dst(%arg11 : memref<80x128xf32, #tpu.memory_space<vmem>>)
      "tpu.region"() ({
        %run_scoped3A_134 = tpu.sem_alloc : memref<!tpu.dma_semaphore, #tpu.memory_space<semaphore_mem>>
        %dma_start3A_135 = arith.constant 0 : i32
        %dma_start3A_136 = tpu.memref_slice %arg8[%add3A_119, %dma_start3A_135] : memref<125x80xi32, #tpu.memory_space<vmem>> -> memref<1x80xi32, #tpu.memory_space<vmem>>
        %dma_start3A_137 = tpu.memref_squeeze %dma_start3A_136 : memref<1x80xi32, #tpu.memory_space<vmem>> -> memref<80xi32, #tpu.memory_space<vmem>>
        %dma_start3A_138 = arith.constant 0 : i32
        %dma_start3A_139 = arith.constant 0 : i32
        %dma_start3A_140 = tpu.memref_slice %arg12[%dma_start3A_138, %dma_start3A_139] : memref<10016x128xf32, #tpu.memory_space<vmem_shared>> -> memref<10016x128xf32, #tpu.memory_space<vmem_shared>>
        tpu.enqueue_indirect_dma source(%arg11 : memref<80x128xf32, #tpu.memory_space<vmem>>) target(%dma_start3A_140 : memref<10016x128xf32, #tpu.memory_space<vmem_shared>>) offsets(%dma_start3A_137 : memref<80xi32, #tpu.memory_space<vmem>>) semaphore(%run_scoped3A_134 : memref<!tpu.dma_semaphore, #tpu.memory_space<semaphore_mem>>) {add = true}
        %dma_wait3A_141 = arith.constant 0 : i32
        %dma_wait3A_142 = tpu.memref_slice %arg8[%add3A_119, %dma_wait3A_141] : memref<125x80xi32, #tpu.memory_space<vmem>> -> memref<1x80xi32, #tpu.memory_space<vmem>>
        %dma_wait3A_143 = tpu.memref_squeeze %dma_wait3A_142 : memref<1x80xi32, #tpu.memory_space<vmem>> -> memref<80xi32, #tpu.memory_space<vmem>>
        %dma_wait3A_144 = arith.constant 0 : i32
        %dma_wait3A_145 = arith.constant 0 : i32
        %dma_wait3A_146 = tpu.memref_slice %arg12[%dma_wait3A_144, %dma_wait3A_145] : memref<10016x128xf32, #tpu.memory_space<vmem_shared>> -> memref<10016x128xf32, #tpu.memory_space<vmem_shared>>
        tpu.wait_indirect_dma semaphore(%run_scoped3A_134 : memref<!tpu.dma_semaphore, #tpu.memory_space<semaphore_mem>>) src(%arg11 : memref<80x128xf32, #tpu.memory_space<vmem>>) dst(%dma_wait3A_146 : memref<10016x128xf32, #tpu.memory_space<vmem_shared>>)
        tpu.yield
      }) : () -> ()
      %add3A_126 = arith.constant 5 : i32
      %add3A_127 = arith.addi %mul3A_87, %add3A_126 : i32
      %dma_start3A_128 = arith.constant 0 : i32
      %dma_start3A_129 = tpu.memref_slice %arg7[%add3A_127, %dma_start3A_128] : memref<125x80xi32, #tpu.memory_space<vmem>> -> memref<1x80xi32, #tpu.memory_space<vmem>>
      %dma_start3A_130 = tpu.memref_squeeze %dma_start3A_129 : memref<1x80xi32, #tpu.memory_space<vmem>> -> memref<80xi32, #tpu.memory_space<vmem>>
      %dma_start3A_131 = arith.constant 0 : i32
      %dma_start3A_132 = arith.constant 0 : i32
      %dma_start3A_133 = tpu.memref_slice %arg2[%dma_start3A_131, %dma_start3A_132] : memref<10000x128xf32, #tpu.memory_space<hbm>> -> memref<10000x128xf32, #tpu.memory_space<hbm>>
      tpu.enqueue_indirect_dma source(%dma_start3A_133 : memref<10000x128xf32, #tpu.memory_space<hbm>>) target(%arg11 : memref<80x128xf32, #tpu.memory_space<vmem>>) offsets(%dma_start3A_130 : memref<80xi32, #tpu.memory_space<vmem>>) semaphore(%arg15 : memref<!tpu.dma_semaphore, #tpu.memory_space<semaphore_mem>>)
    }
    %scan3A_27 = arith.constant 40 : i32
    %dma_wait3A = arith.constant 120 : i32
    %dma_wait3A_28 = arith.constant 0 : i32
    %dma_wait3A_29 = tpu.memref_slice %arg7[%dma_wait3A, %dma_wait3A_28] : memref<125x80xi32, #tpu.memory_space<vmem>> -> memref<1x80xi32, #tpu.memory_space<vmem>>
    %dma_wait3A_30 = tpu.memref_squeeze %dma_wait3A_29 : memref<1x80xi32, #tpu.memory_space<vmem>> -> memref<80xi32, #tpu.memory_space<vmem>>
    %dma_wait3A_31 = arith.constant 0 : i32
    %dma_wait3A_32 = arith.constant 0 : i32
    %dma_wait3A_33 = tpu.memref_slice %arg2[%dma_wait3A_31, %dma_wait3A_32] : memref<10000x128xf32, #tpu.memory_space<hbm>> -> memref<10000x128xf32, #tpu.memory_space<hbm>>
    tpu.wait_indirect_dma semaphore(%arg13 : memref<!tpu.dma_semaphore, #tpu.memory_space<semaphore_mem>>) src(%dma_wait3A_33 : memref<10000x128xf32, #tpu.memory_space<hbm>>) dst(%arg9 : memref<80x128xf32, #tpu.memory_space<vmem>>)
    %run_scoped3A = arith.constant 120 : i32
    "tpu.region"() ({
      %run_scoped3A_85 = tpu.sem_alloc : memref<!tpu.dma_semaphore, #tpu.memory_space<semaphore_mem>>
      %dma_start3A_86 = arith.constant 0 : i32
      %dma_start3A_87 = tpu.memref_slice %arg8[%run_scoped3A, %dma_start3A_86] : memref<125x80xi32, #tpu.memory_space<vmem>> -> memref<1x80xi32, #tpu.memory_space<vmem>>
      %dma_start3A_88 = tpu.memref_squeeze %dma_start3A_87 : memref<1x80xi32, #tpu.memory_space<vmem>> -> memref<80xi32, #tpu.memory_space<vmem>>
      %dma_start3A_89 = arith.constant 0 : i32
      %dma_start3A_90 = arith.constant 0 : i32
      %dma_start3A_91 = tpu.memref_slice %arg12[%dma_start3A_89, %dma_start3A_90] : memref<10016x128xf32, #tpu.memory_space<vmem_shared>> -> memref<10016x128xf32, #tpu.memory_space<vmem_shared>>
      tpu.enqueue_indirect_dma source(%arg9 : memref<80x128xf32, #tpu.memory_space<vmem>>) target(%dma_start3A_91 : memref<10016x128xf32, #tpu.memory_space<vmem_shared>>) offsets(%dma_start3A_88 : memref<80xi32, #tpu.memory_space<vmem>>) semaphore(%run_scoped3A_85 : memref<!tpu.dma_semaphore, #tpu.memory_space<semaphore_mem>>) {add = true}
      %dma_wait3A_92 = arith.constant 0 : i32
      %dma_wait3A_93 = tpu.memref_slice %arg8[%run_scoped3A, %dma_wait3A_92] : memref<125x80xi32, #tpu.memory_space<vmem>> -> memref<1x80xi32, #tpu.memory_space<vmem>>
      %dma_wait3A_94 = tpu.memref_squeeze %dma_wait3A_93 : memref<1x80xi32, #tpu.memory_space<vmem>> -> memref<80xi32, #tpu.memory_space<vmem>>
      %dma_wait3A_95 = arith.constant 0 : i32
      %dma_wait3A_96 = arith.constant 0 : i32
      %dma_wait3A_97 = tpu.memref_slice %arg12[%dma_wait3A_95, %dma_wait3A_96] : memref<10016x128xf32, #tpu.memory_space<vmem_shared>> -> memref<10016x128xf32, #tpu.memory_space<vmem_shared>>
      tpu.wait_indirect_dma semaphore(%run_scoped3A_85 : memref<!tpu.dma_semaphore, #tpu.memory_space<semaphore_mem>>) src(%arg9 : memref<80x128xf32, #tpu.memory_space<vmem>>) dst(%dma_wait3A_97 : memref<10016x128xf32, #tpu.memory_space<vmem_shared>>)
      tpu.yield
    }) : () -> ()
    %dma_start3A_34 = arith.constant 123 : i32
    %dma_start3A_35 = arith.constant 0 : i32
    %dma_start3A_36 = tpu.memref_slice %arg7[%dma_start3A_34, %dma_start3A_35] : memref<125x80xi32, #tpu.memory_space<vmem>> -> memref<1x80xi32, #tpu.memory_space<vmem>>
    %dma_start3A_37 = tpu.memref_squeeze %dma_start3A_36 : memref<1x80xi32, #tpu.memory_space<vmem>> -> memref<80xi32, #tpu.memory_space<vmem>>
    %dma_start3A_38 = arith.constant 0 : i32
    %dma_start3A_39 = arith.constant 0 : i32
    %dma_start3A_40 = tpu.memref_slice %arg2[%dma_start3A_38, %dma_start3A_39] : memref<10000x128xf32, #tpu.memory_space<hbm>> -> memref<10000x128xf32, #tpu.memory_space<hbm>>
    tpu.enqueue_indirect_dma source(%dma_start3A_40 : memref<10000x128xf32, #tpu.memory_space<hbm>>) target(%arg9 : memref<80x128xf32, #tpu.memory_space<vmem>>) offsets(%dma_start3A_37 : memref<80xi32, #tpu.memory_space<vmem>>) semaphore(%arg13 : memref<!tpu.dma_semaphore, #tpu.memory_space<semaphore_mem>>)
    %dma_wait3A_41 = arith.constant 121 : i32
    %dma_wait3A_42 = arith.constant 0 : i32
    %dma_wait3A_43 = tpu.memref_slice %arg7[%dma_wait3A_41, %dma_wait3A_42] : memref<125x80xi32, #tpu.memory_space<vmem>> -> memref<1x80xi32, #tpu.memory_space<vmem>>
    %dma_wait3A_44 = tpu.memref_squeeze %dma_wait3A_43 : memref<1x80xi32, #tpu.memory_space<vmem>> -> memref<80xi32, #tpu.memory_space<vmem>>
    %dma_wait3A_45 = arith.constant 0 : i32
    %dma_wait3A_46 = arith.constant 0 : i32
    %dma_wait3A_47 = tpu.memref_slice %arg2[%dma_wait3A_45, %dma_wait3A_46] : memref<10000x128xf32, #tpu.memory_space<hbm>> -> memref<10000x128xf32, #tpu.memory_space<hbm>>
    tpu.wait_indirect_dma semaphore(%arg14 : memref<!tpu.dma_semaphore, #tpu.memory_space<semaphore_mem>>) src(%dma_wait3A_47 : memref<10000x128xf32, #tpu.memory_space<hbm>>) dst(%arg10 : memref<80x128xf32, #tpu.memory_space<vmem>>)
    %run_scoped3A_48 = arith.constant 121 : i32
    "tpu.region"() ({
      %run_scoped3A_85 = tpu.sem_alloc : memref<!tpu.dma_semaphore, #tpu.memory_space<semaphore_mem>>
      %dma_start3A_86 = arith.constant 0 : i32
      %dma_start3A_87 = tpu.memref_slice %arg8[%run_scoped3A_48, %dma_start3A_86] : memref<125x80xi32, #tpu.memory_space<vmem>> -> memref<1x80xi32, #tpu.memory_space<vmem>>
      %dma_start3A_88 = tpu.memref_squeeze %dma_start3A_87 : memref<1x80xi32, #tpu.memory_space<vmem>> -> memref<80xi32, #tpu.memory_space<vmem>>
      %dma_start3A_89 = arith.constant 0 : i32
      %dma_start3A_90 = arith.constant 0 : i32
      %dma_start3A_91 = tpu.memref_slice %arg12[%dma_start3A_89, %dma_start3A_90] : memref<10016x128xf32, #tpu.memory_space<vmem_shared>> -> memref<10016x128xf32, #tpu.memory_space<vmem_shared>>
      tpu.enqueue_indirect_dma source(%arg10 : memref<80x128xf32, #tpu.memory_space<vmem>>) target(%dma_start3A_91 : memref<10016x128xf32, #tpu.memory_space<vmem_shared>>) offsets(%dma_start3A_88 : memref<80xi32, #tpu.memory_space<vmem>>) semaphore(%run_scoped3A_85 : memref<!tpu.dma_semaphore, #tpu.memory_space<semaphore_mem>>) {add = true}
      %dma_wait3A_92 = arith.constant 0 : i32
      %dma_wait3A_93 = tpu.memref_slice %arg8[%run_scoped3A_48, %dma_wait3A_92] : memref<125x80xi32, #tpu.memory_space<vmem>> -> memref<1x80xi32, #tpu.memory_space<vmem>>
      %dma_wait3A_94 = tpu.memref_squeeze %dma_wait3A_93 : memref<1x80xi32, #tpu.memory_space<vmem>> -> memref<80xi32, #tpu.memory_space<vmem>>
      %dma_wait3A_95 = arith.constant 0 : i32
      %dma_wait3A_96 = arith.constant 0 : i32
      %dma_wait3A_97 = tpu.memref_slice %arg12[%dma_wait3A_95, %dma_wait3A_96] : memref<10016x128xf32, #tpu.memory_space<vmem_shared>> -> memref<10016x128xf32, #tpu.memory_space<vmem_shared>>
      tpu.wait_indirect_dma semaphore(%run_scoped3A_85 : memref<!tpu.dma_semaphore, #tpu.memory_space<semaphore_mem>>) src(%arg10 : memref<80x128xf32, #tpu.memory_space<vmem>>) dst(%dma_wait3A_97 : memref<10016x128xf32, #tpu.memory_space<vmem_shared>>)
      tpu.yield
    }) : () -> ()
    %dma_start3A_49 = arith.constant 124 : i32
    %dma_start3A_50 = arith.constant 0 : i32
    %dma_start3A_51 = tpu.memref_slice %arg7[%dma_start3A_49, %dma_start3A_50] : memref<125x80xi32, #tpu.memory_space<vmem>> -> memref<1x80xi32, #tpu.memory_space<vmem>>
    %dma_start3A_52 = tpu.memref_squeeze %dma_start3A_51 : memref<1x80xi32, #tpu.memory_space<vmem>> -> memref<80xi32, #tpu.memory_space<vmem>>
    %dma_start3A_53 = arith.constant 0 : i32
    %dma_start3A_54 = arith.constant 0 : i32
    %dma_start3A_55 = tpu.memref_slice %arg2[%dma_start3A_53, %dma_start3A_54] : memref<10000x128xf32, #tpu.memory_space<hbm>> -> memref<10000x128xf32, #tpu.memory_space<hbm>>
    tpu.enqueue_indirect_dma source(%dma_start3A_55 : memref<10000x128xf32, #tpu.memory_space<hbm>>) target(%arg10 : memref<80x128xf32, #tpu.memory_space<vmem>>) offsets(%dma_start3A_52 : memref<80xi32, #tpu.memory_space<vmem>>) semaphore(%arg14 : memref<!tpu.dma_semaphore, #tpu.memory_space<semaphore_mem>>)
    %dma_wait3A_56 = arith.constant 122 : i32
    %dma_wait3A_57 = arith.constant 0 : i32
    %dma_wait3A_58 = tpu.memref_slice %arg7[%dma_wait3A_56, %dma_wait3A_57] : memref<125x80xi32, #tpu.memory_space<vmem>> -> memref<1x80xi32, #tpu.memory_space<vmem>>
    %dma_wait3A_59 = tpu.memref_squeeze %dma_wait3A_58 : memref<1x80xi32, #tpu.memory_space<vmem>> -> memref<80xi32, #tpu.memory_space<vmem>>
    %dma_wait3A_60 = arith.constant 0 : i32
    %dma_wait3A_61 = arith.constant 0 : i32
    %dma_wait3A_62 = tpu.memref_slice %arg2[%dma_wait3A_60, %dma_wait3A_61] : memref<10000x128xf32, #tpu.memory_space<hbm>> -> memref<10000x128xf32, #tpu.memory_space<hbm>>
    tpu.wait_indirect_dma semaphore(%arg15 : memref<!tpu.dma_semaphore, #tpu.memory_space<semaphore_mem>>) src(%dma_wait3A_62 : memref<10000x128xf32, #tpu.memory_space<hbm>>) dst(%arg11 : memref<80x128xf32, #tpu.memory_space<vmem>>)
    %run_scoped3A_63 = arith.constant 122 : i32
    "tpu.region"() ({
      %run_scoped3A_85 = tpu.sem_alloc : memref<!tpu.dma_semaphore, #tpu.memory_space<semaphore_mem>>
      %dma_start3A_86 = arith.constant 0 : i32
      %dma_start3A_87 = tpu.memref_slice %arg8[%run_scoped3A_63, %dma_start3A_86] : memref<125x80xi32, #tpu.memory_space<vmem>> -> memref<1x80xi32, #tpu.memory_space<vmem>>
      %dma_start3A_88 = tpu.memref_squeeze %dma_start3A_87 : memref<1x80xi32, #tpu.memory_space<vmem>> -> memref<80xi32, #tpu.memory_space<vmem>>
      %dma_start3A_89 = arith.constant 0 : i32
      %dma_start3A_90 = arith.constant 0 : i32
      %dma_start3A_91 = tpu.memref_slice %arg12[%dma_start3A_89, %dma_start3A_90] : memref<10016x128xf32, #tpu.memory_space<vmem_shared>> -> memref<10016x128xf32, #tpu.memory_space<vmem_shared>>
      tpu.enqueue_indirect_dma source(%arg11 : memref<80x128xf32, #tpu.memory_space<vmem>>) target(%dma_start3A_91 : memref<10016x128xf32, #tpu.memory_space<vmem_shared>>) offsets(%dma_start3A_88 : memref<80xi32, #tpu.memory_space<vmem>>) semaphore(%run_scoped3A_85 : memref<!tpu.dma_semaphore, #tpu.memory_space<semaphore_mem>>) {add = true}
      %dma_wait3A_92 = arith.constant 0 : i32
      %dma_wait3A_93 = tpu.memref_slice %arg8[%run_scoped3A_63, %dma_wait3A_92] : memref<125x80xi32, #tpu.memory_space<vmem>> -> memref<1x80xi32, #tpu.memory_space<vmem>>
      %dma_wait3A_94 = tpu.memref_squeeze %dma_wait3A_93 : memref<1x80xi32, #tpu.memory_space<vmem>> -> memref<80xi32, #tpu.memory_space<vmem>>
      %dma_wait3A_95 = arith.constant 0 : i32
      %dma_wait3A_96 = arith.constant 0 : i32
      %dma_wait3A_97 = tpu.memref_slice %arg12[%dma_wait3A_95, %dma_wait3A_96] : memref<10016x128xf32, #tpu.memory_space<vmem_shared>> -> memref<10016x128xf32, #tpu.memory_space<vmem_shared>>
      tpu.wait_indirect_dma semaphore(%run_scoped3A_85 : memref<!tpu.dma_semaphore, #tpu.memory_space<semaphore_mem>>) src(%arg11 : memref<80x128xf32, #tpu.memory_space<vmem>>) dst(%dma_wait3A_97 : memref<10016x128xf32, #tpu.memory_space<vmem_shared>>)
      tpu.yield
    }) : () -> ()
    %dma_wait3A_64 = arith.constant 123 : i32
    %dma_wait3A_65 = arith.constant 0 : i32
    %dma_wait3A_66 = tpu.memref_slice %arg7[%dma_wait3A_64, %dma_wait3A_65] : memref<125x80xi32, #tpu.memory_space<vmem>> -> memref<1x80xi32, #tpu.memory_space<vmem>>
    %dma_wait3A_67 = tpu.memref_squeeze %dma_wait3A_66 : memref<1x80xi32, #tpu.memory_space<vmem>> -> memref<80xi32, #tpu.memory_space<vmem>>
    %dma_wait3A_68 = arith.constant 0 : i32
    %dma_wait3A_69 = arith.constant 0 : i32
    %dma_wait3A_70 = tpu.memref_slice %arg2[%dma_wait3A_68, %dma_wait3A_69] : memref<10000x128xf32, #tpu.memory_space<hbm>> -> memref<10000x128xf32, #tpu.memory_space<hbm>>
    tpu.wait_indirect_dma semaphore(%arg13 : memref<!tpu.dma_semaphore, #tpu.memory_space<semaphore_mem>>) src(%dma_wait3A_70 : memref<10000x128xf32, #tpu.memory_space<hbm>>) dst(%arg9 : memref<80x128xf32, #tpu.memory_space<vmem>>)
    %run_scoped3A_71 = arith.constant 123 : i32
    "tpu.region"() ({
      %run_scoped3A_85 = tpu.sem_alloc : memref<!tpu.dma_semaphore, #tpu.memory_space<semaphore_mem>>
      %dma_start3A_86 = arith.constant 0 : i32
      %dma_start3A_87 = tpu.memref_slice %arg8[%run_scoped3A_71, %dma_start3A_86] : memref<125x80xi32, #tpu.memory_space<vmem>> -> memref<1x80xi32, #tpu.memory_space<vmem>>
      %dma_start3A_88 = tpu.memref_squeeze %dma_start3A_87 : memref<1x80xi32, #tpu.memory_space<vmem>> -> memref<80xi32, #tpu.memory_space<vmem>>
      %dma_start3A_89 = arith.constant 0 : i32
      %dma_start3A_90 = arith.constant 0 : i32
      %dma_start3A_91 = tpu.memref_slice %arg12[%dma_start3A_89, %dma_start3A_90] : memref<10016x128xf32, #tpu.memory_space<vmem_shared>> -> memref<10016x128xf32, #tpu.memory_space<vmem_shared>>
      tpu.enqueue_indirect_dma source(%arg9 : memref<80x128xf32, #tpu.memory_space<vmem>>) target(%dma_start3A_91 : memref<10016x128xf32, #tpu.memory_space<vmem_shared>>) offsets(%dma_start3A_88 : memref<80xi32, #tpu.memory_space<vmem>>) semaphore(%run_scoped3A_85 : memref<!tpu.dma_semaphore, #tpu.memory_space<semaphore_mem>>) {add = true}
      %dma_wait3A_92 = arith.constant 0 : i32
      %dma_wait3A_93 = tpu.memref_slice %arg8[%run_scoped3A_71, %dma_wait3A_92] : memref<125x80xi32, #tpu.memory_space<vmem>> -> memref<1x80xi32, #tpu.memory_space<vmem>>
      %dma_wait3A_94 = tpu.memref_squeeze %dma_wait3A_93 : memref<1x80xi32, #tpu.memory_space<vmem>> -> memref<80xi32, #tpu.memory_space<vmem>>
      %dma_wait3A_95 = arith.constant 0 : i32
      %dma_wait3A_96 = arith.constant 0 : i32
      %dma_wait3A_97 = tpu.memref_slice %arg12[%dma_wait3A_95, %dma_wait3A_96] : memref<10016x128xf32, #tpu.memory_space<vmem_shared>> -> memref<10016x128xf32, #tpu.memory_space<vmem_shared>>
      tpu.wait_indirect_dma semaphore(%run_scoped3A_85 : memref<!tpu.dma_semaphore, #tpu.memory_space<semaphore_mem>>) src(%arg9 : memref<80x128xf32, #tpu.memory_space<vmem>>) dst(%dma_wait3A_97 : memref<10016x128xf32, #tpu.memory_space<vmem_shared>>)
      tpu.yield
    }) : () -> ()
    %dma_wait3A_72 = arith.constant 124 : i32
    %dma_wait3A_73 = arith.constant 0 : i32
    %dma_wait3A_74 = tpu.memref_slice %arg7[%dma_wait3A_72, %dma_wait3A_73] : memref<125x80xi32, #tpu.memory_space<vmem>> -> memref<1x80xi32, #tpu.memory_space<vmem>>
    %dma_wait3A_75 = tpu.memref_squeeze %dma_wait3A_74 : memref<1x80xi32, #tpu.memory_space<vmem>> -> memref<80xi32, #tpu.memory_space<vmem>>
    %dma_wait3A_76 = arith.constant 0 : i32
    %dma_wait3A_77 = arith.constant 0 : i32
    %dma_wait3A_78 = tpu.memref_slice %arg2[%dma_wait3A_76, %dma_wait3A_77] : memref<10000x128xf32, #tpu.memory_space<hbm>> -> memref<10000x128xf32, #tpu.memory_space<hbm>>
    tpu.wait_indirect_dma semaphore(%arg14 : memref<!tpu.dma_semaphore, #tpu.memory_space<semaphore_mem>>) src(%dma_wait3A_78 : memref<10000x128xf32, #tpu.memory_space<hbm>>) dst(%arg10 : memref<80x128xf32, #tpu.memory_space<vmem>>)
    %run_scoped3A_79 = arith.constant 124 : i32
    "tpu.region"() ({
      %run_scoped3A_85 = tpu.sem_alloc : memref<!tpu.dma_semaphore, #tpu.memory_space<semaphore_mem>>
      %dma_start3A_86 = arith.constant 0 : i32
      %dma_start3A_87 = tpu.memref_slice %arg8[%run_scoped3A_79, %dma_start3A_86] : memref<125x80xi32, #tpu.memory_space<vmem>> -> memref<1x80xi32, #tpu.memory_space<vmem>>
      %dma_start3A_88 = tpu.memref_squeeze %dma_start3A_87 : memref<1x80xi32, #tpu.memory_space<vmem>> -> memref<80xi32, #tpu.memory_space<vmem>>
      %dma_start3A_89 = arith.constant 0 : i32
      %dma_start3A_90 = arith.constant 0 : i32
      %dma_start3A_91 = tpu.memref_slice %arg12[%dma_start3A_89, %dma_start3A_90] : memref<10016x128xf32, #tpu.memory_space<vmem_shared>> -> memref<10016x128xf32, #tpu.memory_space<vmem_shared>>
      tpu.enqueue_indirect_dma source(%arg10 : memref<80x128xf32, #tpu.memory_space<vmem>>) target(%dma_start3A_91 : memref<10016x128xf32, #tpu.memory_space<vmem_shared>>) offsets(%dma_start3A_88 : memref<80xi32, #tpu.memory_space<vmem>>) semaphore(%run_scoped3A_85 : memref<!tpu.dma_semaphore, #tpu.memory_space<semaphore_mem>>) {add = true}
      %dma_wait3A_92 = arith.constant 0 : i32
      %dma_wait3A_93 = tpu.memref_slice %arg8[%run_scoped3A_79, %dma_wait3A_92] : memref<125x80xi32, #tpu.memory_space<vmem>> -> memref<1x80xi32, #tpu.memory_space<vmem>>
      %dma_wait3A_94 = tpu.memref_squeeze %dma_wait3A_93 : memref<1x80xi32, #tpu.memory_space<vmem>> -> memref<80xi32, #tpu.memory_space<vmem>>
      %dma_wait3A_95 = arith.constant 0 : i32
      %dma_wait3A_96 = arith.constant 0 : i32
      %dma_wait3A_97 = tpu.memref_slice %arg12[%dma_wait3A_95, %dma_wait3A_96] : memref<10016x128xf32, #tpu.memory_space<vmem_shared>> -> memref<10016x128xf32, #tpu.memory_space<vmem_shared>>
      tpu.wait_indirect_dma semaphore(%run_scoped3A_85 : memref<!tpu.dma_semaphore, #tpu.memory_space<semaphore_mem>>) src(%arg10 : memref<80x128xf32, #tpu.memory_space<vmem>>) dst(%dma_wait3A_97 : memref<10016x128xf32, #tpu.memory_space<vmem_shared>>)
      tpu.yield
    }) : () -> ()
    %barrier3A_80 = arith.constant 0 : index
    tpu.barrier barrier_id(%barrier3A_80)
    %mul3A_81 = arith.constant 626 : i32
    %mul3A_82 = arith.muli %arg1, %mul3A_81 : i32
    %mul3A_83 = arith.constant 626 : i32
    %mul3A_84 = arith.muli %arg1, %mul3A_83 : i32
    "tpu.region"() ({
      %run_scoped3A_85 = tpu.sem_alloc : memref<!tpu.dma_semaphore, #tpu.memory_space<semaphore_mem>>
      %dma_start3A_86 = arith.constant 0 : i32
      %dma_start3A_87 = tpu.memref_slice %arg6[%arg0, %mul3A_84, %dma_start3A_86] : memref<2x10016x128xf32, #tpu.memory_space<hbm>> -> memref<1x626x128xf32, #tpu.memory_space<hbm>>
      %dma_start3A_88 = tpu.memref_squeeze %dma_start3A_87 : memref<1x626x128xf32, #tpu.memory_space<hbm>> -> memref<626x128xf32, #tpu.memory_space<hbm>>
      %dma_start3A_89 = arith.constant 0 : i32
      %dma_start3A_90 = tpu.memref_slice %arg12[%mul3A_82, %dma_start3A_89] : memref<10016x128xf32, #tpu.memory_space<vmem_shared>> -> memref<626x128xf32, #tpu.memory_space<vmem_shared>>
      tpu.enqueue_dma source(%dma_start3A_90 : memref<626x128xf32, #tpu.memory_space<vmem_shared>>) target(%dma_start3A_88 : memref<626x128xf32, #tpu.memory_space<hbm>>) target_semaphore(%run_scoped3A_85 : memref<!tpu.dma_semaphore, #tpu.memory_space<semaphore_mem>>)
      %dma_wait3A_91 = arith.constant 0 : i32
      %dma_wait3A_92 = tpu.memref_slice %arg6[%arg0, %mul3A_84, %dma_wait3A_91] : memref<2x10016x128xf32, #tpu.memory_space<hbm>> -> memref<1x626x128xf32, #tpu.memory_space<hbm>>
      %dma_wait3A_93 = tpu.memref_squeeze %dma_wait3A_92 : memref<1x626x128xf32, #tpu.memory_space<hbm>> -> memref<626x128xf32, #tpu.memory_space<hbm>>
      %dma_wait3A_94 = arith.constant 0 : i32
      %dma_wait3A_95 = tpu.memref_slice %arg12[%mul3A_82, %dma_wait3A_94] : memref<10016x128xf32, #tpu.memory_space<vmem_shared>> -> memref<626x128xf32, #tpu.memory_space<vmem_shared>>
      tpu.wait_dma2 semaphore(%run_scoped3A_85 : memref<!tpu.dma_semaphore, #tpu.memory_space<semaphore_mem>>) src(%dma_wait3A_95 : memref<626x128xf32, #tpu.memory_space<vmem_shared>>) dst(%dma_wait3A_93 : memref<626x128xf32, #tpu.memory_space<hbm>>)
      tpu.yield
    }) : () -> ()
    return
  }
}

#map = affine_map<(d0, d1) -> (0)>
module attributes {stable_mosaic.version = 14 : i64} {
  func.func @_sc_sp_body(%arg0: i32, %arg1: i32, %arg2: memref<100000xf32, #tpu.memory_space<hbm>>, %arg3: memref<100000xf32, #tpu.memory_space<hbm>>, %arg4: memref<102400xi32, #tpu.memory_space<hbm>>, %arg5: memref<102400xf32, #tpu.memory_space<hbm>>, %arg6: memref<102400xf32, #tpu.memory_space<hbm>>, %arg7: memref<100000xf32, #tpu.memory_space<vmem>>, %arg8: memref<3200xi32, #tpu.memory_space<vmem>>, %arg9: memref<3200xf32, #tpu.memory_space<vmem>>) attributes {dimension_semantics = [#tpu.dimension_semantics<core_parallel>, #tpu.dimension_semantics<subcore_parallel>], iteration_bounds = array<i64: 2, 16>, scalar_prefetch = 0 : i64, scratch_operands = 3 : i64, tpu.core_type = #tpu.core_type<sc_vector_subcore>, window_params = [{transform_indices = #map}, {transform_indices = #map}, {transform_indices = #map}, {transform_indices = #map}, {transform_indices = #map}]} {
    %mul3A = arith.constant 16 : i32
    %mul3A_0 = arith.muli %arg0, %mul3A : i32
    %add3A = arith.addi %mul3A_0, %arg1 : i32
    %mul3A_1 = arith.constant 3200 : i32
    %mul3A_2 = arith.muli %add3A, %mul3A_1 : i32
    "tpu.region"() ({
      %run_scoped3A = tpu.sem_alloc : memref<!tpu.dma_semaphore, #tpu.memory_space<semaphore_mem>>
      %dma_start3A = tpu.memref_slice %arg4[%mul3A_2] : memref<102400xi32, #tpu.memory_space<hbm>> -> memref<3200xi32, #tpu.memory_space<hbm>>
      %dma_start3A_14 = tpu.memref_slice %arg4[%mul3A_2] : memref<102400xi32, #tpu.memory_space<hbm>> -> memref<3200xi32, #tpu.memory_space<hbm>>
      tpu.enqueue_dma source(%dma_start3A_14 : memref<3200xi32, #tpu.memory_space<hbm>>) target(%arg8 : memref<3200xi32, #tpu.memory_space<vmem>>) target_semaphore(%run_scoped3A : memref<!tpu.dma_semaphore, #tpu.memory_space<semaphore_mem>>)
      %dma_wait3A = tpu.memref_slice %arg4[%mul3A_2] : memref<102400xi32, #tpu.memory_space<hbm>> -> memref<3200xi32, #tpu.memory_space<hbm>>
      %dma_wait3A_15 = tpu.memref_slice %arg4[%mul3A_2] : memref<102400xi32, #tpu.memory_space<hbm>> -> memref<3200xi32, #tpu.memory_space<hbm>>
      tpu.wait_dma2 semaphore(%run_scoped3A : memref<!tpu.dma_semaphore, #tpu.memory_space<semaphore_mem>>) src(%dma_wait3A_15 : memref<3200xi32, #tpu.memory_space<hbm>>) dst(%arg8 : memref<3200xi32, #tpu.memory_space<vmem>>)
      tpu.yield
    }) : () -> ()
    "tpu.region"() ({
      %run_scoped3A = tpu.sem_alloc : memref<!tpu.dma_semaphore, #tpu.memory_space<semaphore_mem>>
      tpu.enqueue_dma source(%arg2 : memref<100000xf32, #tpu.memory_space<hbm>>) target(%arg7 : memref<100000xf32, #tpu.memory_space<vmem>>) target_semaphore(%run_scoped3A : memref<!tpu.dma_semaphore, #tpu.memory_space<semaphore_mem>>)
      tpu.wait_dma2 semaphore(%run_scoped3A : memref<!tpu.dma_semaphore, #tpu.memory_space<semaphore_mem>>) src(%arg2 : memref<100000xf32, #tpu.memory_space<hbm>>) dst(%arg7 : memref<100000xf32, #tpu.memory_space<vmem>>)
      tpu.yield
    }) : () -> ()
    %scan3A = arith.constant 0 : i32
    %scan3A_3 = arith.constant 0 : i32
    %scan3A_4 = arith.constant 200 : i32
    %scan3A_5 = arith.addi %scan3A_3, %scan3A_4 : i32
    %scan3A_6 = arith.constant 1 : i32
    scf.for %scan3A_14 = %scan3A_3 to %scan3A_5 step %scan3A_6  : i32 {
      %mul3A_15 = arith.constant 16 : i32
      %mul3A_16 = arith.muli %scan3A_14, %mul3A_15 : i32
      %get3A = arith.index_cast %mul3A_16 : i32 to index
      %get3A_17 = tpu.vector_load %arg8[%get3A] {strides = array<i32>} : memref<3200xi32, #tpu.memory_space<vmem>>, vector<16xi32>,
      %gather3A = tpu.vector_load_idx %arg7[%get3A_17] : memref<100000xf32, #tpu.memory_space<vmem>>[vector<16xi32>], vector<16xf32>,
      %mul3A_18 = arith.constant 16 : i32
      %mul3A_19 = arith.muli %scan3A_14, %mul3A_18 : i32
      %swap3A = arith.index_cast %mul3A_19 : i32 to index
      %swap3A_20 = tpu.vector_load %arg9[%swap3A] {strides = array<i32>} : memref<3200xf32, #tpu.memory_space<vmem>>, vector<16xf32>,
      tpu.vector_store %arg9[%swap3A], %gather3A {strides = array<i32>} : memref<3200xf32, #tpu.memory_space<vmem>>, vector<16xf32>,
    }
    %scan3A_7 = arith.constant 200 : i32
    "tpu.region"() ({
      %run_scoped3A = tpu.sem_alloc : memref<!tpu.dma_semaphore, #tpu.memory_space<semaphore_mem>>
      %dma_start3A = tpu.memref_slice %arg5[%mul3A_2] : memref<102400xf32, #tpu.memory_space<hbm>> -> memref<3200xf32, #tpu.memory_space<hbm>>
      %dma_start3A_14 = tpu.memref_slice %arg5[%mul3A_2] : memref<102400xf32, #tpu.memory_space<hbm>> -> memref<3200xf32, #tpu.memory_space<hbm>>
      tpu.enqueue_dma source(%arg9 : memref<3200xf32, #tpu.memory_space<vmem>>) target(%dma_start3A_14 : memref<3200xf32, #tpu.memory_space<hbm>>) target_semaphore(%run_scoped3A : memref<!tpu.dma_semaphore, #tpu.memory_space<semaphore_mem>>)
      %dma_wait3A = tpu.memref_slice %arg5[%mul3A_2] : memref<102400xf32, #tpu.memory_space<hbm>> -> memref<3200xf32, #tpu.memory_space<hbm>>
      %dma_wait3A_15 = tpu.memref_slice %arg5[%mul3A_2] : memref<102400xf32, #tpu.memory_space<hbm>> -> memref<3200xf32, #tpu.memory_space<hbm>>
      tpu.wait_dma2 semaphore(%run_scoped3A : memref<!tpu.dma_semaphore, #tpu.memory_space<semaphore_mem>>) src(%arg9 : memref<3200xf32, #tpu.memory_space<vmem>>) dst(%dma_wait3A_15 : memref<3200xf32, #tpu.memory_space<hbm>>)
      tpu.yield
    }) : () -> ()
    "tpu.region"() ({
      %run_scoped3A = tpu.sem_alloc : memref<!tpu.dma_semaphore, #tpu.memory_space<semaphore_mem>>
      tpu.enqueue_dma source(%arg3 : memref<100000xf32, #tpu.memory_space<hbm>>) target(%arg7 : memref<100000xf32, #tpu.memory_space<vmem>>) target_semaphore(%run_scoped3A : memref<!tpu.dma_semaphore, #tpu.memory_space<semaphore_mem>>)
      tpu.wait_dma2 semaphore(%run_scoped3A : memref<!tpu.dma_semaphore, #tpu.memory_space<semaphore_mem>>) src(%arg3 : memref<100000xf32, #tpu.memory_space<hbm>>) dst(%arg7 : memref<100000xf32, #tpu.memory_space<vmem>>)
      tpu.yield
    }) : () -> ()
    %scan3A_8 = arith.constant 0 : i32
    %scan3A_9 = arith.constant 0 : i32
    %scan3A_10 = arith.constant 200 : i32
    %scan3A_11 = arith.addi %scan3A_9, %scan3A_10 : i32
    %scan3A_12 = arith.constant 1 : i32
    scf.for %scan3A_14 = %scan3A_9 to %scan3A_11 step %scan3A_12  : i32 {
      %mul3A_15 = arith.constant 16 : i32
      %mul3A_16 = arith.muli %scan3A_14, %mul3A_15 : i32
      %get3A = arith.index_cast %mul3A_16 : i32 to index
      %get3A_17 = tpu.vector_load %arg8[%get3A] {strides = array<i32>} : memref<3200xi32, #tpu.memory_space<vmem>>, vector<16xi32>,
      %gather3A = tpu.vector_load_idx %arg7[%get3A_17] : memref<100000xf32, #tpu.memory_space<vmem>>[vector<16xi32>], vector<16xf32>,
      %mul3A_18 = arith.constant 16 : i32
      %mul3A_19 = arith.muli %scan3A_14, %mul3A_18 : i32
      %swap3A = arith.index_cast %mul3A_19 : i32 to index
      %swap3A_20 = tpu.vector_load %arg9[%swap3A] {strides = array<i32>} : memref<3200xf32, #tpu.memory_space<vmem>>, vector<16xf32>,
      tpu.vector_store %arg9[%swap3A], %gather3A {strides = array<i32>} : memref<3200xf32, #tpu.memory_space<vmem>>, vector<16xf32>,
    }
    %scan3A_13 = arith.constant 200 : i32
    "tpu.region"() ({
      %run_scoped3A = tpu.sem_alloc : memref<!tpu.dma_semaphore, #tpu.memory_space<semaphore_mem>>
      %dma_start3A = tpu.memref_slice %arg6[%mul3A_2] : memref<102400xf32, #tpu.memory_space<hbm>> -> memref<3200xf32, #tpu.memory_space<hbm>>
      %dma_start3A_14 = tpu.memref_slice %arg6[%mul3A_2] : memref<102400xf32, #tpu.memory_space<hbm>> -> memref<3200xf32, #tpu.memory_space<hbm>>
      tpu.enqueue_dma source(%arg9 : memref<3200xf32, #tpu.memory_space<vmem>>) target(%dma_start3A_14 : memref<3200xf32, #tpu.memory_space<hbm>>) target_semaphore(%run_scoped3A : memref<!tpu.dma_semaphore, #tpu.memory_space<semaphore_mem>>)
      %dma_wait3A = tpu.memref_slice %arg6[%mul3A_2] : memref<102400xf32, #tpu.memory_space<hbm>> -> memref<3200xf32, #tpu.memory_space<hbm>>
      %dma_wait3A_15 = tpu.memref_slice %arg6[%mul3A_2] : memref<102400xf32, #tpu.memory_space<hbm>> -> memref<3200xf32, #tpu.memory_space<hbm>>
      tpu.wait_dma2 semaphore(%run_scoped3A : memref<!tpu.dma_semaphore, #tpu.memory_space<semaphore_mem>>) src(%arg9 : memref<3200xf32, #tpu.memory_space<vmem>>) dst(%dma_wait3A_15 : memref<3200xf32, #tpu.memory_space<hbm>>)
      tpu.yield
    }) : () -> ()
    return
  }
}

#map = affine_map<(d0, d1) -> (0, 0)>
#map1 = affine_map<(d0, d1) -> (0, 0, 0)>
module attributes {stable_mosaic.version = 14 : i64} {
  func.func @_sc_agg_body(%arg0: i32, %arg1: i32, %arg2: memref<10000x128xf32, #tpu.memory_space<hbm>>, %arg3: memref<32x125x80xi32, #tpu.memory_space<hbm>>, %arg4: memref<32x125x80xi32, #tpu.memory_space<hbm>>, %arg5: memref<626x128xf32, #tpu.memory_space<hbm>>, %arg6: memref<2x10016x128xf32, #tpu.memory_space<hbm>>, %arg7: memref<125x80xi32, #tpu.memory_space<vmem>>, %arg8: memref<125x80xi32, #tpu.memory_space<vmem>>, %arg9: memref<80x128xf32, #tpu.memory_space<vmem>>, %arg10: memref<80x128xf32, #tpu.memory_space<vmem>>, %arg11: memref<80x128xf32, #tpu.memory_space<vmem>>, %arg12: memref<10016x128xf32, #tpu.memory_space<vmem_shared>>, %arg13: memref<!tpu.dma_semaphore, #tpu.memory_space<semaphore_mem>>, %arg14: memref<!tpu.dma_semaphore, #tpu.memory_space<semaphore_mem>>, %arg15: memref<!tpu.dma_semaphore, #tpu.memory_space<semaphore_mem>>) attributes {dimension_semantics = [#tpu.dimension_semantics<core_parallel>, #tpu.dimension_semantics<subcore_parallel>], iteration_bounds = array<i64: 2, 16>, scalar_prefetch = 0 : i64, scratch_operands = 9 : i64, tpu.core_type = #tpu.core_type<sc_vector_subcore>, window_params = [{transform_indices = #map}, {transform_indices = #map1}, {transform_indices = #map1}, {transform_indices = #map}, {transform_indices = #map1}]} {
    %mul3A = arith.constant 16 : i32
    %mul3A_0 = arith.muli %arg0, %mul3A : i32
    %add3A = arith.addi %mul3A_0, %arg1 : i32
    "tpu.region"() ({
      %run_scoped3A_85 = tpu.sem_alloc : memref<!tpu.dma_semaphore, #tpu.memory_space<semaphore_mem>>
      %dma_start3A_86 = arith.constant 0 : i32
      %dma_start3A_87 = arith.constant 0 : i32
      %dma_start3A_88 = tpu.memref_slice %arg3[%add3A, %dma_start3A_86, %dma_start3A_87] : memref<32x125x80xi32, #tpu.memory_space<hbm>> -> memref<1x125x80xi32, #tpu.memory_space<hbm>>
      %dma_start3A_89 = tpu.memref_squeeze %dma_start3A_88 : memref<1x125x80xi32, #tpu.memory_space<hbm>> -> memref<125x80xi32, #tpu.memory_space<hbm>>
      %dma_start3A_90 = arith.constant 0 : i32
      %dma_start3A_91 = arith.constant 0 : i32
      %dma_start3A_92 = tpu.memref_slice %arg3[%add3A, %dma_start3A_90, %dma_start3A_91] : memref<32x125x80xi32, #tpu.memory_space<hbm>> -> memref<1x125x80xi32, #tpu.memory_space<hbm>>
      %dma_start3A_93 = tpu.memref_squeeze %dma_start3A_92 : memref<1x125x80xi32, #tpu.memory_space<hbm>> -> memref<125x80xi32, #tpu.memory_space<hbm>>
      tpu.enqueue_dma source(%dma_start3A_93 : memref<125x80xi32, #tpu.memory_space<hbm>>) target(%arg7 : memref<125x80xi32, #tpu.memory_space<vmem>>) target_semaphore(%run_scoped3A_85 : memref<!tpu.dma_semaphore, #tpu.memory_space<semaphore_mem>>)
      %dma_wait3A_94 = arith.constant 0 : i32
      %dma_wait3A_95 = arith.constant 0 : i32
      %dma_wait3A_96 = tpu.memref_slice %arg3[%add3A, %dma_wait3A_94, %dma_wait3A_95] : memref<32x125x80xi32, #tpu.memory_space<hbm>> -> memref<1x125x80xi32, #tpu.memory_space<hbm>>
      %dma_wait3A_97 = tpu.memref_squeeze %dma_wait3A_96 : memref<1x125x80xi32, #tpu.memory_space<hbm>> -> memref<125x80xi32, #tpu.memory_space<hbm>>
      %dma_wait3A_98 = arith.constant 0 : i32
      %dma_wait3A_99 = arith.constant 0 : i32
      %dma_wait3A_100 = tpu.memref_slice %arg3[%add3A, %dma_wait3A_98, %dma_wait3A_99] : memref<32x125x80xi32, #tpu.memory_space<hbm>> -> memref<1x125x80xi32, #tpu.memory_space<hbm>>
      %dma_wait3A_101 = tpu.memref_squeeze %dma_wait3A_100 : memref<1x125x80xi32, #tpu.memory_space<hbm>> -> memref<125x80xi32, #tpu.memory_space<hbm>>
      tpu.wait_dma2 semaphore(%run_scoped3A_85 : memref<!tpu.dma_semaphore, #tpu.memory_space<semaphore_mem>>) src(%dma_wait3A_101 : memref<125x80xi32, #tpu.memory_space<hbm>>) dst(%arg7 : memref<125x80xi32, #tpu.memory_space<vmem>>)
      tpu.yield
    }) : () -> ()
    "tpu.region"() ({
      %run_scoped3A_85 = tpu.sem_alloc : memref<!tpu.dma_semaphore, #tpu.memory_space<semaphore_mem>>
      %dma_start3A_86 = arith.constant 0 : i32
      %dma_start3A_87 = arith.constant 0 : i32
      %dma_start3A_88 = tpu.memref_slice %arg4[%add3A, %dma_start3A_86, %dma_start3A_87] : memref<32x125x80xi32, #tpu.memory_space<hbm>> -> memref<1x125x80xi32, #tpu.memory_space<hbm>>
      %dma_start3A_89 = tpu.memref_squeeze %dma_start3A_88 : memref<1x125x80xi32, #tpu.memory_space<hbm>> -> memref<125x80xi32, #tpu.memory_space<hbm>>
      %dma_start3A_90 = arith.constant 0 : i32
      %dma_start3A_91 = arith.constant 0 : i32
      %dma_start3A_92 = tpu.memref_slice %arg4[%add3A, %dma_start3A_90, %dma_start3A_91] : memref<32x125x80xi32, #tpu.memory_space<hbm>> -> memref<1x125x80xi32, #tpu.memory_space<hbm>>
      %dma_start3A_93 = tpu.memref_squeeze %dma_start3A_92 : memref<1x125x80xi32, #tpu.memory_space<hbm>> -> memref<125x80xi32, #tpu.memory_space<hbm>>
      tpu.enqueue_dma source(%dma_start3A_93 : memref<125x80xi32, #tpu.memory_space<hbm>>) target(%arg8 : memref<125x80xi32, #tpu.memory_space<vmem>>) target_semaphore(%run_scoped3A_85 : memref<!tpu.dma_semaphore, #tpu.memory_space<semaphore_mem>>)
      %dma_wait3A_94 = arith.constant 0 : i32
      %dma_wait3A_95 = arith.constant 0 : i32
      %dma_wait3A_96 = tpu.memref_slice %arg4[%add3A, %dma_wait3A_94, %dma_wait3A_95] : memref<32x125x80xi32, #tpu.memory_space<hbm>> -> memref<1x125x80xi32, #tpu.memory_space<hbm>>
      %dma_wait3A_97 = tpu.memref_squeeze %dma_wait3A_96 : memref<1x125x80xi32, #tpu.memory_space<hbm>> -> memref<125x80xi32, #tpu.memory_space<hbm>>
      %dma_wait3A_98 = arith.constant 0 : i32
      %dma_wait3A_99 = arith.constant 0 : i32
      %dma_wait3A_100 = tpu.memref_slice %arg4[%add3A, %dma_wait3A_98, %dma_wait3A_99] : memref<32x125x80xi32, #tpu.memory_space<hbm>> -> memref<1x125x80xi32, #tpu.memory_space<hbm>>
      %dma_wait3A_101 = tpu.memref_squeeze %dma_wait3A_100 : memref<1x125x80xi32, #tpu.memory_space<hbm>> -> memref<125x80xi32, #tpu.memory_space<hbm>>
      tpu.wait_dma2 semaphore(%run_scoped3A_85 : memref<!tpu.dma_semaphore, #tpu.memory_space<semaphore_mem>>) src(%dma_wait3A_101 : memref<125x80xi32, #tpu.memory_space<hbm>>) dst(%arg8 : memref<125x80xi32, #tpu.memory_space<vmem>>)
      tpu.yield
    }) : () -> ()
    %mul3A_1 = arith.constant 626 : i32
    %mul3A_2 = arith.muli %arg1, %mul3A_1 : i32
    "tpu.region"() ({
      %run_scoped3A_85 = tpu.sem_alloc : memref<!tpu.dma_semaphore, #tpu.memory_space<semaphore_mem>>
      %dma_start3A_86 = arith.constant 0 : i32
      %dma_start3A_87 = tpu.memref_slice %arg12[%mul3A_2, %dma_start3A_86] : memref<10016x128xf32, #tpu.memory_space<vmem_shared>> -> memref<626x128xf32, #tpu.memory_space<vmem_shared>>
      tpu.enqueue_dma source(%arg5 : memref<626x128xf32, #tpu.memory_space<hbm>>) target(%dma_start3A_87 : memref<626x128xf32, #tpu.memory_space<vmem_shared>>) target_semaphore(%run_scoped3A_85 : memref<!tpu.dma_semaphore, #tpu.memory_space<semaphore_mem>>)
      %dma_wait3A_88 = arith.constant 0 : i32
      %dma_wait3A_89 = tpu.memref_slice %arg12[%mul3A_2, %dma_wait3A_88] : memref<10016x128xf32, #tpu.memory_space<vmem_shared>> -> memref<626x128xf32, #tpu.memory_space<vmem_shared>>
      tpu.wait_dma2 semaphore(%run_scoped3A_85 : memref<!tpu.dma_semaphore, #tpu.memory_space<semaphore_mem>>) src(%arg5 : memref<626x128xf32, #tpu.memory_space<hbm>>) dst(%dma_wait3A_89 : memref<626x128xf32, #tpu.memory_space<vmem_shared>>)
      tpu.yield
    }) : () -> ()
    %barrier3A = arith.constant 0 : index
    tpu.barrier barrier_id(%barrier3A)
    %dma_start3A = arith.constant 0 : i32
    %dma_start3A_3 = arith.constant 0 : i32
    %dma_start3A_4 = tpu.memref_slice %arg7[%dma_start3A, %dma_start3A_3] : memref<125x80xi32, #tpu.memory_space<vmem>> -> memref<1x80xi32, #tpu.memory_space<vmem>>
    %dma_start3A_5 = tpu.memref_squeeze %dma_start3A_4 : memref<1x80xi32, #tpu.memory_space<vmem>> -> memref<80xi32, #tpu.memory_space<vmem>>
    %dma_start3A_6 = arith.constant 0 : i32
    %dma_start3A_7 = arith.constant 0 : i32
    %dma_start3A_8 = tpu.memref_slice %arg2[%dma_start3A_6, %dma_start3A_7] : memref<10000x128xf32, #tpu.memory_space<hbm>> -> memref<10000x128xf32, #tpu.memory_space<hbm>>
    tpu.enqueue_indirect_dma source(%dma_start3A_8 : memref<10000x128xf32, #tpu.memory_space<hbm>>) target(%arg9 : memref<80x128xf32, #tpu.memory_space<vmem>>) offsets(%dma_start3A_5 : memref<80xi32, #tpu.memory_space<vmem>>) semaphore(%arg13 : memref<!tpu.dma_semaphore, #tpu.memory_space<semaphore_mem>>)
    %dma_start3A_9 = arith.constant 1 : i32
    %dma_start3A_10 = arith.constant 0 : i32
    %dma_start3A_11 = tpu.memref_slice %arg7[%dma_start3A_9, %dma_start3A_10] : memref<125x80xi32, #tpu.memory_space<vmem>> -> memref<1x80xi32, #tpu.memory_space<vmem>>
    %dma_start3A_12 = tpu.memref_squeeze %dma_start3A_11 : memref<1x80xi32, #tpu.memory_space<vmem>> -> memref<80xi32, #tpu.memory_space<vmem>>
    %dma_start3A_13 = arith.constant 0 : i32
    %dma_start3A_14 = arith.constant 0 : i32
    %dma_start3A_15 = tpu.memref_slice %arg2[%dma_start3A_13, %dma_start3A_14] : memref<10000x128xf32, #tpu.memory_space<hbm>> -> memref<10000x128xf32, #tpu.memory_space<hbm>>
    tpu.enqueue_indirect_dma source(%dma_start3A_15 : memref<10000x128xf32, #tpu.memory_space<hbm>>) target(%arg10 : memref<80x128xf32, #tpu.memory_space<vmem>>) offsets(%dma_start3A_12 : memref<80xi32, #tpu.memory_space<vmem>>) semaphore(%arg14 : memref<!tpu.dma_semaphore, #tpu.memory_space<semaphore_mem>>)
    %dma_start3A_16 = arith.constant 2 : i32
    %dma_start3A_17 = arith.constant 0 : i32
    %dma_start3A_18 = tpu.memref_slice %arg7[%dma_start3A_16, %dma_start3A_17] : memref<125x80xi32, #tpu.memory_space<vmem>> -> memref<1x80xi32, #tpu.memory_space<vmem>>
    %dma_start3A_19 = tpu.memref_squeeze %dma_start3A_18 : memref<1x80xi32, #tpu.memory_space<vmem>> -> memref<80xi32, #tpu.memory_space<vmem>>
    %dma_start3A_20 = arith.constant 0 : i32
    %dma_start3A_21 = arith.constant 0 : i32
    %dma_start3A_22 = tpu.memref_slice %arg2[%dma_start3A_20, %dma_start3A_21] : memref<10000x128xf32, #tpu.memory_space<hbm>> -> memref<10000x128xf32, #tpu.memory_space<hbm>>
    tpu.enqueue_indirect_dma source(%dma_start3A_22 : memref<10000x128xf32, #tpu.memory_space<hbm>>) target(%arg11 : memref<80x128xf32, #tpu.memory_space<vmem>>) offsets(%dma_start3A_19 : memref<80xi32, #tpu.memory_space<vmem>>) semaphore(%arg15 : memref<!tpu.dma_semaphore, #tpu.memory_space<semaphore_mem>>)
    %scan3A = arith.constant 0 : i32
    %scan3A_23 = arith.constant 0 : i32
    %scan3A_24 = arith.constant 40 : i32
    %scan3A_25 = arith.addi %scan3A_23, %scan3A_24 : i32
    %scan3A_26 = arith.constant 1 : i32
    scf.for %scan3A_85 = %scan3A_23 to %scan3A_25 step %scan3A_26  : i32 {
      %mul3A_86 = arith.constant 3 : i32
      %mul3A_87 = arith.muli %mul3A_86, %scan3A_85 : i32
      %dma_wait3A_88 = arith.constant 0 : i32
      %dma_wait3A_89 = tpu.memref_slice %arg7[%mul3A_87, %dma_wait3A_88] : memref<125x80xi32, #tpu.memory_space<vmem>> -> memref<1x80xi32, #tpu.memory_space<vmem>>
      %dma_wait3A_90 = tpu.memref_squeeze %dma_wait3A_89 : memref<1x80xi32, #tpu.memory_space<vmem>> -> memref<80xi32, #tpu.memory_space<vmem>>
      %dma_wait3A_91 = arith.constant 0 : i32
      %dma_wait3A_92 = arith.constant 0 : i32
      %dma_wait3A_93 = tpu.memref_slice %arg2[%dma_wait3A_91, %dma_wait3A_92] : memref<10000x128xf32, #tpu.memory_space<hbm>> -> memref<10000x128xf32, #tpu.memory_space<hbm>>
      tpu.wait_indirect_dma semaphore(%arg13 : memref<!tpu.dma_semaphore, #tpu.memory_space<semaphore_mem>>) src(%dma_wait3A_93 : memref<10000x128xf32, #tpu.memory_space<hbm>>) dst(%arg9 : memref<80x128xf32, #tpu.memory_space<vmem>>)
      "tpu.region"() ({
        %run_scoped3A_134 = tpu.sem_alloc : memref<!tpu.dma_semaphore, #tpu.memory_space<semaphore_mem>>
        %dma_start3A_135 = arith.constant 0 : i32
        %dma_start3A_136 = tpu.memref_slice %arg8[%mul3A_87, %dma_start3A_135] : memref<125x80xi32, #tpu.memory_space<vmem>> -> memref<1x80xi32, #tpu.memory_space<vmem>>
        %dma_start3A_137 = tpu.memref_squeeze %dma_start3A_136 : memref<1x80xi32, #tpu.memory_space<vmem>> -> memref<80xi32, #tpu.memory_space<vmem>>
        %dma_start3A_138 = arith.constant 0 : i32
        %dma_start3A_139 = arith.constant 0 : i32
        %dma_start3A_140 = tpu.memref_slice %arg12[%dma_start3A_138, %dma_start3A_139] : memref<10016x128xf32, #tpu.memory_space<vmem_shared>> -> memref<10016x128xf32, #tpu.memory_space<vmem_shared>>
        tpu.enqueue_indirect_dma source(%arg9 : memref<80x128xf32, #tpu.memory_space<vmem>>) target(%dma_start3A_140 : memref<10016x128xf32, #tpu.memory_space<vmem_shared>>) offsets(%dma_start3A_137 : memref<80xi32, #tpu.memory_space<vmem>>) semaphore(%run_scoped3A_134 : memref<!tpu.dma_semaphore, #tpu.memory_space<semaphore_mem>>) {add = true}
        %dma_wait3A_141 = arith.constant 0 : i32
        %dma_wait3A_142 = tpu.memref_slice %arg8[%mul3A_87, %dma_wait3A_141] : memref<125x80xi32, #tpu.memory_space<vmem>> -> memref<1x80xi32, #tpu.memory_space<vmem>>
        %dma_wait3A_143 = tpu.memref_squeeze %dma_wait3A_142 : memref<1x80xi32, #tpu.memory_space<vmem>> -> memref<80xi32, #tpu.memory_space<vmem>>
        %dma_wait3A_144 = arith.constant 0 : i32
        %dma_wait3A_145 = arith.constant 0 : i32
        %dma_wait3A_146 = tpu.memref_slice %arg12[%dma_wait3A_144, %dma_wait3A_145] : memref<10016x128xf32, #tpu.memory_space<vmem_shared>> -> memref<10016x128xf32, #tpu.memory_space<vmem_shared>>
        tpu.wait_indirect_dma semaphore(%run_scoped3A_134 : memref<!tpu.dma_semaphore, #tpu.memory_space<semaphore_mem>>) src(%arg9 : memref<80x128xf32, #tpu.memory_space<vmem>>) dst(%dma_wait3A_146 : memref<10016x128xf32, #tpu.memory_space<vmem_shared>>)
        tpu.yield
      }) : () -> ()
      %add3A_94 = arith.constant 3 : i32
      %add3A_95 = arith.addi %mul3A_87, %add3A_94 : i32
      %dma_start3A_96 = arith.constant 0 : i32
      %dma_start3A_97 = tpu.memref_slice %arg7[%add3A_95, %dma_start3A_96] : memref<125x80xi32, #tpu.memory_space<vmem>> -> memref<1x80xi32, #tpu.memory_space<vmem>>
      %dma_start3A_98 = tpu.memref_squeeze %dma_start3A_97 : memref<1x80xi32, #tpu.memory_space<vmem>> -> memref<80xi32, #tpu.memory_space<vmem>>
      %dma_start3A_99 = arith.constant 0 : i32
      %dma_start3A_100 = arith.constant 0 : i32
      %dma_start3A_101 = tpu.memref_slice %arg2[%dma_start3A_99, %dma_start3A_100] : memref<10000x128xf32, #tpu.memory_space<hbm>> -> memref<10000x128xf32, #tpu.memory_space<hbm>>
      tpu.enqueue_indirect_dma source(%dma_start3A_101 : memref<10000x128xf32, #tpu.memory_space<hbm>>) target(%arg9 : memref<80x128xf32, #tpu.memory_space<vmem>>) offsets(%dma_start3A_98 : memref<80xi32, #tpu.memory_space<vmem>>) semaphore(%arg13 : memref<!tpu.dma_semaphore, #tpu.memory_space<semaphore_mem>>)
      %add3A_102 = arith.constant 1 : i32
      %add3A_103 = arith.addi %mul3A_87, %add3A_102 : i32
      %dma_wait3A_104 = arith.constant 0 : i32
      %dma_wait3A_105 = tpu.memref_slice %arg7[%add3A_103, %dma_wait3A_104] : memref<125x80xi32, #tpu.memory_space<vmem>> -> memref<1x80xi32, #tpu.memory_space<vmem>>
      %dma_wait3A_106 = tpu.memref_squeeze %dma_wait3A_105 : memref<1x80xi32, #tpu.memory_space<vmem>> -> memref<80xi32, #tpu.memory_space<vmem>>
      %dma_wait3A_107 = arith.constant 0 : i32
      %dma_wait3A_108 = arith.constant 0 : i32
      %dma_wait3A_109 = tpu.memref_slice %arg2[%dma_wait3A_107, %dma_wait3A_108] : memref<10000x128xf32, #tpu.memory_space<hbm>> -> memref<10000x128xf32, #tpu.memory_space<hbm>>
      tpu.wait_indirect_dma semaphore(%arg14 : memref<!tpu.dma_semaphore, #tpu.memory_space<semaphore_mem>>) src(%dma_wait3A_109 : memref<10000x128xf32, #tpu.memory_space<hbm>>) dst(%arg10 : memref<80x128xf32, #tpu.memory_space<vmem>>)
      "tpu.region"() ({
        %run_scoped3A_134 = tpu.sem_alloc : memref<!tpu.dma_semaphore, #tpu.memory_space<semaphore_mem>>
        %dma_start3A_135 = arith.constant 0 : i32
        %dma_start3A_136 = tpu.memref_slice %arg8[%add3A_103, %dma_start3A_135] : memref<125x80xi32, #tpu.memory_space<vmem>> -> memref<1x80xi32, #tpu.memory_space<vmem>>
        %dma_start3A_137 = tpu.memref_squeeze %dma_start3A_136 : memref<1x80xi32, #tpu.memory_space<vmem>> -> memref<80xi32, #tpu.memory_space<vmem>>
        %dma_start3A_138 = arith.constant 0 : i32
        %dma_start3A_139 = arith.constant 0 : i32
        %dma_start3A_140 = tpu.memref_slice %arg12[%dma_start3A_138, %dma_start3A_139] : memref<10016x128xf32, #tpu.memory_space<vmem_shared>> -> memref<10016x128xf32, #tpu.memory_space<vmem_shared>>
        tpu.enqueue_indirect_dma source(%arg10 : memref<80x128xf32, #tpu.memory_space<vmem>>) target(%dma_start3A_140 : memref<10016x128xf32, #tpu.memory_space<vmem_shared>>) offsets(%dma_start3A_137 : memref<80xi32, #tpu.memory_space<vmem>>) semaphore(%run_scoped3A_134 : memref<!tpu.dma_semaphore, #tpu.memory_space<semaphore_mem>>) {add = true}
        %dma_wait3A_141 = arith.constant 0 : i32
        %dma_wait3A_142 = tpu.memref_slice %arg8[%add3A_103, %dma_wait3A_141] : memref<125x80xi32, #tpu.memory_space<vmem>> -> memref<1x80xi32, #tpu.memory_space<vmem>>
        %dma_wait3A_143 = tpu.memref_squeeze %dma_wait3A_142 : memref<1x80xi32, #tpu.memory_space<vmem>> -> memref<80xi32, #tpu.memory_space<vmem>>
        %dma_wait3A_144 = arith.constant 0 : i32
        %dma_wait3A_145 = arith.constant 0 : i32
        %dma_wait3A_146 = tpu.memref_slice %arg12[%dma_wait3A_144, %dma_wait3A_145] : memref<10016x128xf32, #tpu.memory_space<vmem_shared>> -> memref<10016x128xf32, #tpu.memory_space<vmem_shared>>
        tpu.wait_indirect_dma semaphore(%run_scoped3A_134 : memref<!tpu.dma_semaphore, #tpu.memory_space<semaphore_mem>>) src(%arg10 : memref<80x128xf32, #tpu.memory_space<vmem>>) dst(%dma_wait3A_146 : memref<10016x128xf32, #tpu.memory_space<vmem_shared>>)
        tpu.yield
      }) : () -> ()
      %add3A_110 = arith.constant 4 : i32
      %add3A_111 = arith.addi %mul3A_87, %add3A_110 : i32
      %dma_start3A_112 = arith.constant 0 : i32
      %dma_start3A_113 = tpu.memref_slice %arg7[%add3A_111, %dma_start3A_112] : memref<125x80xi32, #tpu.memory_space<vmem>> -> memref<1x80xi32, #tpu.memory_space<vmem>>
      %dma_start3A_114 = tpu.memref_squeeze %dma_start3A_113 : memref<1x80xi32, #tpu.memory_space<vmem>> -> memref<80xi32, #tpu.memory_space<vmem>>
      %dma_start3A_115 = arith.constant 0 : i32
      %dma_start3A_116 = arith.constant 0 : i32
      %dma_start3A_117 = tpu.memref_slice %arg2[%dma_start3A_115, %dma_start3A_116] : memref<10000x128xf32, #tpu.memory_space<hbm>> -> memref<10000x128xf32, #tpu.memory_space<hbm>>
      tpu.enqueue_indirect_dma source(%dma_start3A_117 : memref<10000x128xf32, #tpu.memory_space<hbm>>) target(%arg10 : memref<80x128xf32, #tpu.memory_space<vmem>>) offsets(%dma_start3A_114 : memref<80xi32, #tpu.memory_space<vmem>>) semaphore(%arg14 : memref<!tpu.dma_semaphore, #tpu.memory_space<semaphore_mem>>)
      %add3A_118 = arith.constant 2 : i32
      %add3A_119 = arith.addi %mul3A_87, %add3A_118 : i32
      %dma_wait3A_120 = arith.constant 0 : i32
      %dma_wait3A_121 = tpu.memref_slice %arg7[%add3A_119, %dma_wait3A_120] : memref<125x80xi32, #tpu.memory_space<vmem>> -> memref<1x80xi32, #tpu.memory_space<vmem>>
      %dma_wait3A_122 = tpu.memref_squeeze %dma_wait3A_121 : memref<1x80xi32, #tpu.memory_space<vmem>> -> memref<80xi32, #tpu.memory_space<vmem>>
      %dma_wait3A_123 = arith.constant 0 : i32
      %dma_wait3A_124 = arith.constant 0 : i32
      %dma_wait3A_125 = tpu.memref_slice %arg2[%dma_wait3A_123, %dma_wait3A_124] : memref<10000x128xf32, #tpu.memory_space<hbm>> -> memref<10000x128xf32, #tpu.memory_space<hbm>>
      tpu.wait_indirect_dma semaphore(%arg15 : memref<!tpu.dma_semaphore, #tpu.memory_space<semaphore_mem>>) src(%dma_wait3A_125 : memref<10000x128xf32, #tpu.memory_space<hbm>>) dst(%arg11 : memref<80x128xf32, #tpu.memory_space<vmem>>)
      "tpu.region"() ({
        %run_scoped3A_134 = tpu.sem_alloc : memref<!tpu.dma_semaphore, #tpu.memory_space<semaphore_mem>>
        %dma_start3A_135 = arith.constant 0 : i32
        %dma_start3A_136 = tpu.memref_slice %arg8[%add3A_119, %dma_start3A_135] : memref<125x80xi32, #tpu.memory_space<vmem>> -> memref<1x80xi32, #tpu.memory_space<vmem>>
        %dma_start3A_137 = tpu.memref_squeeze %dma_start3A_136 : memref<1x80xi32, #tpu.memory_space<vmem>> -> memref<80xi32, #tpu.memory_space<vmem>>
        %dma_start3A_138 = arith.constant 0 : i32
        %dma_start3A_139 = arith.constant 0 : i32
        %dma_start3A_140 = tpu.memref_slice %arg12[%dma_start3A_138, %dma_start3A_139] : memref<10016x128xf32, #tpu.memory_space<vmem_shared>> -> memref<10016x128xf32, #tpu.memory_space<vmem_shared>>
        tpu.enqueue_indirect_dma source(%arg11 : memref<80x128xf32, #tpu.memory_space<vmem>>) target(%dma_start3A_140 : memref<10016x128xf32, #tpu.memory_space<vmem_shared>>) offsets(%dma_start3A_137 : memref<80xi32, #tpu.memory_space<vmem>>) semaphore(%run_scoped3A_134 : memref<!tpu.dma_semaphore, #tpu.memory_space<semaphore_mem>>) {add = true}
        %dma_wait3A_141 = arith.constant 0 : i32
        %dma_wait3A_142 = tpu.memref_slice %arg8[%add3A_119, %dma_wait3A_141] : memref<125x80xi32, #tpu.memory_space<vmem>> -> memref<1x80xi32, #tpu.memory_space<vmem>>
        %dma_wait3A_143 = tpu.memref_squeeze %dma_wait3A_142 : memref<1x80xi32, #tpu.memory_space<vmem>> -> memref<80xi32, #tpu.memory_space<vmem>>
        %dma_wait3A_144 = arith.constant 0 : i32
        %dma_wait3A_145 = arith.constant 0 : i32
        %dma_wait3A_146 = tpu.memref_slice %arg12[%dma_wait3A_144, %dma_wait3A_145] : memref<10016x128xf32, #tpu.memory_space<vmem_shared>> -> memref<10016x128xf32, #tpu.memory_space<vmem_shared>>
        tpu.wait_indirect_dma semaphore(%run_scoped3A_134 : memref<!tpu.dma_semaphore, #tpu.memory_space<semaphore_mem>>) src(%arg11 : memref<80x128xf32, #tpu.memory_space<vmem>>) dst(%dma_wait3A_146 : memref<10016x128xf32, #tpu.memory_space<vmem_shared>>)
        tpu.yield
      }) : () -> ()
      %add3A_126 = arith.constant 5 : i32
      %add3A_127 = arith.addi %mul3A_87, %add3A_126 : i32
      %dma_start3A_128 = arith.constant 0 : i32
      %dma_start3A_129 = tpu.memref_slice %arg7[%add3A_127, %dma_start3A_128] : memref<125x80xi32, #tpu.memory_space<vmem>> -> memref<1x80xi32, #tpu.memory_space<vmem>>
      %dma_start3A_130 = tpu.memref_squeeze %dma_start3A_129 : memref<1x80xi32, #tpu.memory_space<vmem>> -> memref<80xi32, #tpu.memory_space<vmem>>
      %dma_start3A_131 = arith.constant 0 : i32
      %dma_start3A_132 = arith.constant 0 : i32
      %dma_start3A_133 = tpu.memref_slice %arg2[%dma_start3A_131, %dma_start3A_132] : memref<10000x128xf32, #tpu.memory_space<hbm>> -> memref<10000x128xf32, #tpu.memory_space<hbm>>
      tpu.enqueue_indirect_dma source(%dma_start3A_133 : memref<10000x128xf32, #tpu.memory_space<hbm>>) target(%arg11 : memref<80x128xf32, #tpu.memory_space<vmem>>) offsets(%dma_start3A_130 : memref<80xi32, #tpu.memory_space<vmem>>) semaphore(%arg15 : memref<!tpu.dma_semaphore, #tpu.memory_space<semaphore_mem>>)
    }
    %scan3A_27 = arith.constant 40 : i32
    %dma_wait3A = arith.constant 120 : i32
    %dma_wait3A_28 = arith.constant 0 : i32
    %dma_wait3A_29 = tpu.memref_slice %arg7[%dma_wait3A, %dma_wait3A_28] : memref<125x80xi32, #tpu.memory_space<vmem>> -> memref<1x80xi32, #tpu.memory_space<vmem>>
    %dma_wait3A_30 = tpu.memref_squeeze %dma_wait3A_29 : memref<1x80xi32, #tpu.memory_space<vmem>> -> memref<80xi32, #tpu.memory_space<vmem>>
    %dma_wait3A_31 = arith.constant 0 : i32
    %dma_wait3A_32 = arith.constant 0 : i32
    %dma_wait3A_33 = tpu.memref_slice %arg2[%dma_wait3A_31, %dma_wait3A_32] : memref<10000x128xf32, #tpu.memory_space<hbm>> -> memref<10000x128xf32, #tpu.memory_space<hbm>>
    tpu.wait_indirect_dma semaphore(%arg13 : memref<!tpu.dma_semaphore, #tpu.memory_space<semaphore_mem>>) src(%dma_wait3A_33 : memref<10000x128xf32, #tpu.memory_space<hbm>>) dst(%arg9 : memref<80x128xf32, #tpu.memory_space<vmem>>)
    %run_scoped3A = arith.constant 120 : i32
    "tpu.region"() ({
      %run_scoped3A_85 = tpu.sem_alloc : memref<!tpu.dma_semaphore, #tpu.memory_space<semaphore_mem>>
      %dma_start3A_86 = arith.constant 0 : i32
      %dma_start3A_87 = tpu.memref_slice %arg8[%run_scoped3A, %dma_start3A_86] : memref<125x80xi32, #tpu.memory_space<vmem>> -> memref<1x80xi32, #tpu.memory_space<vmem>>
      %dma_start3A_88 = tpu.memref_squeeze %dma_start3A_87 : memref<1x80xi32, #tpu.memory_space<vmem>> -> memref<80xi32, #tpu.memory_space<vmem>>
      %dma_start3A_89 = arith.constant 0 : i32
      %dma_start3A_90 = arith.constant 0 : i32
      %dma_start3A_91 = tpu.memref_slice %arg12[%dma_start3A_89, %dma_start3A_90] : memref<10016x128xf32, #tpu.memory_space<vmem_shared>> -> memref<10016x128xf32, #tpu.memory_space<vmem_shared>>
      tpu.enqueue_indirect_dma source(%arg9 : memref<80x128xf32, #tpu.memory_space<vmem>>) target(%dma_start3A_91 : memref<10016x128xf32, #tpu.memory_space<vmem_shared>>) offsets(%dma_start3A_88 : memref<80xi32, #tpu.memory_space<vmem>>) semaphore(%run_scoped3A_85 : memref<!tpu.dma_semaphore, #tpu.memory_space<semaphore_mem>>) {add = true}
      %dma_wait3A_92 = arith.constant 0 : i32
      %dma_wait3A_93 = tpu.memref_slice %arg8[%run_scoped3A, %dma_wait3A_92] : memref<125x80xi32, #tpu.memory_space<vmem>> -> memref<1x80xi32, #tpu.memory_space<vmem>>
      %dma_wait3A_94 = tpu.memref_squeeze %dma_wait3A_93 : memref<1x80xi32, #tpu.memory_space<vmem>> -> memref<80xi32, #tpu.memory_space<vmem>>
      %dma_wait3A_95 = arith.constant 0 : i32
      %dma_wait3A_96 = arith.constant 0 : i32
      %dma_wait3A_97 = tpu.memref_slice %arg12[%dma_wait3A_95, %dma_wait3A_96] : memref<10016x128xf32, #tpu.memory_space<vmem_shared>> -> memref<10016x128xf32, #tpu.memory_space<vmem_shared>>
      tpu.wait_indirect_dma semaphore(%run_scoped3A_85 : memref<!tpu.dma_semaphore, #tpu.memory_space<semaphore_mem>>) src(%arg9 : memref<80x128xf32, #tpu.memory_space<vmem>>) dst(%dma_wait3A_97 : memref<10016x128xf32, #tpu.memory_space<vmem_shared>>)
      tpu.yield
    }) : () -> ()
    %dma_start3A_34 = arith.constant 123 : i32
    %dma_start3A_35 = arith.constant 0 : i32
    %dma_start3A_36 = tpu.memref_slice %arg7[%dma_start3A_34, %dma_start3A_35] : memref<125x80xi32, #tpu.memory_space<vmem>> -> memref<1x80xi32, #tpu.memory_space<vmem>>
    %dma_start3A_37 = tpu.memref_squeeze %dma_start3A_36 : memref<1x80xi32, #tpu.memory_space<vmem>> -> memref<80xi32, #tpu.memory_space<vmem>>
    %dma_start3A_38 = arith.constant 0 : i32
    %dma_start3A_39 = arith.constant 0 : i32
    %dma_start3A_40 = tpu.memref_slice %arg2[%dma_start3A_38, %dma_start3A_39] : memref<10000x128xf32, #tpu.memory_space<hbm>> -> memref<10000x128xf32, #tpu.memory_space<hbm>>
    tpu.enqueue_indirect_dma source(%dma_start3A_40 : memref<10000x128xf32, #tpu.memory_space<hbm>>) target(%arg9 : memref<80x128xf32, #tpu.memory_space<vmem>>) offsets(%dma_start3A_37 : memref<80xi32, #tpu.memory_space<vmem>>) semaphore(%arg13 : memref<!tpu.dma_semaphore, #tpu.memory_space<semaphore_mem>>)
    %dma_wait3A_41 = arith.constant 121 : i32
    %dma_wait3A_42 = arith.constant 0 : i32
    %dma_wait3A_43 = tpu.memref_slice %arg7[%dma_wait3A_41, %dma_wait3A_42] : memref<125x80xi32, #tpu.memory_space<vmem>> -> memref<1x80xi32, #tpu.memory_space<vmem>>
    %dma_wait3A_44 = tpu.memref_squeeze %dma_wait3A_43 : memref<1x80xi32, #tpu.memory_space<vmem>> -> memref<80xi32, #tpu.memory_space<vmem>>
    %dma_wait3A_45 = arith.constant 0 : i32
    %dma_wait3A_46 = arith.constant 0 : i32
    %dma_wait3A_47 = tpu.memref_slice %arg2[%dma_wait3A_45, %dma_wait3A_46] : memref<10000x128xf32, #tpu.memory_space<hbm>> -> memref<10000x128xf32, #tpu.memory_space<hbm>>
    tpu.wait_indirect_dma semaphore(%arg14 : memref<!tpu.dma_semaphore, #tpu.memory_space<semaphore_mem>>) src(%dma_wait3A_47 : memref<10000x128xf32, #tpu.memory_space<hbm>>) dst(%arg10 : memref<80x128xf32, #tpu.memory_space<vmem>>)
    %run_scoped3A_48 = arith.constant 121 : i32
    "tpu.region"() ({
      %run_scoped3A_85 = tpu.sem_alloc : memref<!tpu.dma_semaphore, #tpu.memory_space<semaphore_mem>>
      %dma_start3A_86 = arith.constant 0 : i32
      %dma_start3A_87 = tpu.memref_slice %arg8[%run_scoped3A_48, %dma_start3A_86] : memref<125x80xi32, #tpu.memory_space<vmem>> -> memref<1x80xi32, #tpu.memory_space<vmem>>
      %dma_start3A_88 = tpu.memref_squeeze %dma_start3A_87 : memref<1x80xi32, #tpu.memory_space<vmem>> -> memref<80xi32, #tpu.memory_space<vmem>>
      %dma_start3A_89 = arith.constant 0 : i32
      %dma_start3A_90 = arith.constant 0 : i32
      %dma_start3A_91 = tpu.memref_slice %arg12[%dma_start3A_89, %dma_start3A_90] : memref<10016x128xf32, #tpu.memory_space<vmem_shared>> -> memref<10016x128xf32, #tpu.memory_space<vmem_shared>>
      tpu.enqueue_indirect_dma source(%arg10 : memref<80x128xf32, #tpu.memory_space<vmem>>) target(%dma_start3A_91 : memref<10016x128xf32, #tpu.memory_space<vmem_shared>>) offsets(%dma_start3A_88 : memref<80xi32, #tpu.memory_space<vmem>>) semaphore(%run_scoped3A_85 : memref<!tpu.dma_semaphore, #tpu.memory_space<semaphore_mem>>) {add = true}
      %dma_wait3A_92 = arith.constant 0 : i32
      %dma_wait3A_93 = tpu.memref_slice %arg8[%run_scoped3A_48, %dma_wait3A_92] : memref<125x80xi32, #tpu.memory_space<vmem>> -> memref<1x80xi32, #tpu.memory_space<vmem>>
      %dma_wait3A_94 = tpu.memref_squeeze %dma_wait3A_93 : memref<1x80xi32, #tpu.memory_space<vmem>> -> memref<80xi32, #tpu.memory_space<vmem>>
      %dma_wait3A_95 = arith.constant 0 : i32
      %dma_wait3A_96 = arith.constant 0 : i32
      %dma_wait3A_97 = tpu.memref_slice %arg12[%dma_wait3A_95, %dma_wait3A_96] : memref<10016x128xf32, #tpu.memory_space<vmem_shared>> -> memref<10016x128xf32, #tpu.memory_space<vmem_shared>>
      tpu.wait_indirect_dma semaphore(%run_scoped3A_85 : memref<!tpu.dma_semaphore, #tpu.memory_space<semaphore_mem>>) src(%arg10 : memref<80x128xf32, #tpu.memory_space<vmem>>) dst(%dma_wait3A_97 : memref<10016x128xf32, #tpu.memory_space<vmem_shared>>)
      tpu.yield
    }) : () -> ()
    %dma_start3A_49 = arith.constant 124 : i32
    %dma_start3A_50 = arith.constant 0 : i32
    %dma_start3A_51 = tpu.memref_slice %arg7[%dma_start3A_49, %dma_start3A_50] : memref<125x80xi32, #tpu.memory_space<vmem>> -> memref<1x80xi32, #tpu.memory_space<vmem>>
    %dma_start3A_52 = tpu.memref_squeeze %dma_start3A_51 : memref<1x80xi32, #tpu.memory_space<vmem>> -> memref<80xi32, #tpu.memory_space<vmem>>
    %dma_start3A_53 = arith.constant 0 : i32
    %dma_start3A_54 = arith.constant 0 : i32
    %dma_start3A_55 = tpu.memref_slice %arg2[%dma_start3A_53, %dma_start3A_54] : memref<10000x128xf32, #tpu.memory_space<hbm>> -> memref<10000x128xf32, #tpu.memory_space<hbm>>
    tpu.enqueue_indirect_dma source(%dma_start3A_55 : memref<10000x128xf32, #tpu.memory_space<hbm>>) target(%arg10 : memref<80x128xf32, #tpu.memory_space<vmem>>) offsets(%dma_start3A_52 : memref<80xi32, #tpu.memory_space<vmem>>) semaphore(%arg14 : memref<!tpu.dma_semaphore, #tpu.memory_space<semaphore_mem>>)
    %dma_wait3A_56 = arith.constant 122 : i32
    %dma_wait3A_57 = arith.constant 0 : i32
    %dma_wait3A_58 = tpu.memref_slice %arg7[%dma_wait3A_56, %dma_wait3A_57] : memref<125x80xi32, #tpu.memory_space<vmem>> -> memref<1x80xi32, #tpu.memory_space<vmem>>
    %dma_wait3A_59 = tpu.memref_squeeze %dma_wait3A_58 : memref<1x80xi32, #tpu.memory_space<vmem>> -> memref<80xi32, #tpu.memory_space<vmem>>
    %dma_wait3A_60 = arith.constant 0 : i32
    %dma_wait3A_61 = arith.constant 0 : i32
    %dma_wait3A_62 = tpu.memref_slice %arg2[%dma_wait3A_60, %dma_wait3A_61] : memref<10000x128xf32, #tpu.memory_space<hbm>> -> memref<10000x128xf32, #tpu.memory_space<hbm>>
    tpu.wait_indirect_dma semaphore(%arg15 : memref<!tpu.dma_semaphore, #tpu.memory_space<semaphore_mem>>) src(%dma_wait3A_62 : memref<10000x128xf32, #tpu.memory_space<hbm>>) dst(%arg11 : memref<80x128xf32, #tpu.memory_space<vmem>>)
    %run_scoped3A_63 = arith.constant 122 : i32
    "tpu.region"() ({
      %run_scoped3A_85 = tpu.sem_alloc : memref<!tpu.dma_semaphore, #tpu.memory_space<semaphore_mem>>
      %dma_start3A_86 = arith.constant 0 : i32
      %dma_start3A_87 = tpu.memref_slice %arg8[%run_scoped3A_63, %dma_start3A_86] : memref<125x80xi32, #tpu.memory_space<vmem>> -> memref<1x80xi32, #tpu.memory_space<vmem>>
      %dma_start3A_88 = tpu.memref_squeeze %dma_start3A_87 : memref<1x80xi32, #tpu.memory_space<vmem>> -> memref<80xi32, #tpu.memory_space<vmem>>
      %dma_start3A_89 = arith.constant 0 : i32
      %dma_start3A_90 = arith.constant 0 : i32
      %dma_start3A_91 = tpu.memref_slice %arg12[%dma_start3A_89, %dma_start3A_90] : memref<10016x128xf32, #tpu.memory_space<vmem_shared>> -> memref<10016x128xf32, #tpu.memory_space<vmem_shared>>
      tpu.enqueue_indirect_dma source(%arg11 : memref<80x128xf32, #tpu.memory_space<vmem>>) target(%dma_start3A_91 : memref<10016x128xf32, #tpu.memory_space<vmem_shared>>) offsets(%dma_start3A_88 : memref<80xi32, #tpu.memory_space<vmem>>) semaphore(%run_scoped3A_85 : memref<!tpu.dma_semaphore, #tpu.memory_space<semaphore_mem>>) {add = true}
      %dma_wait3A_92 = arith.constant 0 : i32
      %dma_wait3A_93 = tpu.memref_slice %arg8[%run_scoped3A_63, %dma_wait3A_92] : memref<125x80xi32, #tpu.memory_space<vmem>> -> memref<1x80xi32, #tpu.memory_space<vmem>>
      %dma_wait3A_94 = tpu.memref_squeeze %dma_wait3A_93 : memref<1x80xi32, #tpu.memory_space<vmem>> -> memref<80xi32, #tpu.memory_space<vmem>>
      %dma_wait3A_95 = arith.constant 0 : i32
      %dma_wait3A_96 = arith.constant 0 : i32
      %dma_wait3A_97 = tpu.memref_slice %arg12[%dma_wait3A_95, %dma_wait3A_96] : memref<10016x128xf32, #tpu.memory_space<vmem_shared>> -> memref<10016x128xf32, #tpu.memory_space<vmem_shared>>
      tpu.wait_indirect_dma semaphore(%run_scoped3A_85 : memref<!tpu.dma_semaphore, #tpu.memory_space<semaphore_mem>>) src(%arg11 : memref<80x128xf32, #tpu.memory_space<vmem>>) dst(%dma_wait3A_97 : memref<10016x128xf32, #tpu.memory_space<vmem_shared>>)
      tpu.yield
    }) : () -> ()
    %dma_wait3A_64 = arith.constant 123 : i32
    %dma_wait3A_65 = arith.constant 0 : i32
    %dma_wait3A_66 = tpu.memref_slice %arg7[%dma_wait3A_64, %dma_wait3A_65] : memref<125x80xi32, #tpu.memory_space<vmem>> -> memref<1x80xi32, #tpu.memory_space<vmem>>
    %dma_wait3A_67 = tpu.memref_squeeze %dma_wait3A_66 : memref<1x80xi32, #tpu.memory_space<vmem>> -> memref<80xi32, #tpu.memory_space<vmem>>
    %dma_wait3A_68 = arith.constant 0 : i32
    %dma_wait3A_69 = arith.constant 0 : i32
    %dma_wait3A_70 = tpu.memref_slice %arg2[%dma_wait3A_68, %dma_wait3A_69] : memref<10000x128xf32, #tpu.memory_space<hbm>> -> memref<10000x128xf32, #tpu.memory_space<hbm>>
    tpu.wait_indirect_dma semaphore(%arg13 : memref<!tpu.dma_semaphore, #tpu.memory_space<semaphore_mem>>) src(%dma_wait3A_70 : memref<10000x128xf32, #tpu.memory_space<hbm>>) dst(%arg9 : memref<80x128xf32, #tpu.memory_space<vmem>>)
    %run_scoped3A_71 = arith.constant 123 : i32
    "tpu.region"() ({
      %run_scoped3A_85 = tpu.sem_alloc : memref<!tpu.dma_semaphore, #tpu.memory_space<semaphore_mem>>
      %dma_start3A_86 = arith.constant 0 : i32
      %dma_start3A_87 = tpu.memref_slice %arg8[%run_scoped3A_71, %dma_start3A_86] : memref<125x80xi32, #tpu.memory_space<vmem>> -> memref<1x80xi32, #tpu.memory_space<vmem>>
      %dma_start3A_88 = tpu.memref_squeeze %dma_start3A_87 : memref<1x80xi32, #tpu.memory_space<vmem>> -> memref<80xi32, #tpu.memory_space<vmem>>
      %dma_start3A_89 = arith.constant 0 : i32
      %dma_start3A_90 = arith.constant 0 : i32
      %dma_start3A_91 = tpu.memref_slice %arg12[%dma_start3A_89, %dma_start3A_90] : memref<10016x128xf32, #tpu.memory_space<vmem_shared>> -> memref<10016x128xf32, #tpu.memory_space<vmem_shared>>
      tpu.enqueue_indirect_dma source(%arg9 : memref<80x128xf32, #tpu.memory_space<vmem>>) target(%dma_start3A_91 : memref<10016x128xf32, #tpu.memory_space<vmem_shared>>) offsets(%dma_start3A_88 : memref<80xi32, #tpu.memory_space<vmem>>) semaphore(%run_scoped3A_85 : memref<!tpu.dma_semaphore, #tpu.memory_space<semaphore_mem>>) {add = true}
      %dma_wait3A_92 = arith.constant 0 : i32
      %dma_wait3A_93 = tpu.memref_slice %arg8[%run_scoped3A_71, %dma_wait3A_92] : memref<125x80xi32, #tpu.memory_space<vmem>> -> memref<1x80xi32, #tpu.memory_space<vmem>>
      %dma_wait3A_94 = tpu.memref_squeeze %dma_wait3A_93 : memref<1x80xi32, #tpu.memory_space<vmem>> -> memref<80xi32, #tpu.memory_space<vmem>>
      %dma_wait3A_95 = arith.constant 0 : i32
      %dma_wait3A_96 = arith.constant 0 : i32
      %dma_wait3A_97 = tpu.memref_slice %arg12[%dma_wait3A_95, %dma_wait3A_96] : memref<10016x128xf32, #tpu.memory_space<vmem_shared>> -> memref<10016x128xf32, #tpu.memory_space<vmem_shared>>
      tpu.wait_indirect_dma semaphore(%run_scoped3A_85 : memref<!tpu.dma_semaphore, #tpu.memory_space<semaphore_mem>>) src(%arg9 : memref<80x128xf32, #tpu.memory_space<vmem>>) dst(%dma_wait3A_97 : memref<10016x128xf32, #tpu.memory_space<vmem_shared>>)
      tpu.yield
    }) : () -> ()
    %dma_wait3A_72 = arith.constant 124 : i32
    %dma_wait3A_73 = arith.constant 0 : i32
    %dma_wait3A_74 = tpu.memref_slice %arg7[%dma_wait3A_72, %dma_wait3A_73] : memref<125x80xi32, #tpu.memory_space<vmem>> -> memref<1x80xi32, #tpu.memory_space<vmem>>
    %dma_wait3A_75 = tpu.memref_squeeze %dma_wait3A_74 : memref<1x80xi32, #tpu.memory_space<vmem>> -> memref<80xi32, #tpu.memory_space<vmem>>
    %dma_wait3A_76 = arith.constant 0 : i32
    %dma_wait3A_77 = arith.constant 0 : i32
    %dma_wait3A_78 = tpu.memref_slice %arg2[%dma_wait3A_76, %dma_wait3A_77] : memref<10000x128xf32, #tpu.memory_space<hbm>> -> memref<10000x128xf32, #tpu.memory_space<hbm>>
    tpu.wait_indirect_dma semaphore(%arg14 : memref<!tpu.dma_semaphore, #tpu.memory_space<semaphore_mem>>) src(%dma_wait3A_78 : memref<10000x128xf32, #tpu.memory_space<hbm>>) dst(%arg10 : memref<80x128xf32, #tpu.memory_space<vmem>>)
    %run_scoped3A_79 = arith.constant 124 : i32
    "tpu.region"() ({
      %run_scoped3A_85 = tpu.sem_alloc : memref<!tpu.dma_semaphore, #tpu.memory_space<semaphore_mem>>
      %dma_start3A_86 = arith.constant 0 : i32
      %dma_start3A_87 = tpu.memref_slice %arg8[%run_scoped3A_79, %dma_start3A_86] : memref<125x80xi32, #tpu.memory_space<vmem>> -> memref<1x80xi32, #tpu.memory_space<vmem>>
      %dma_start3A_88 = tpu.memref_squeeze %dma_start3A_87 : memref<1x80xi32, #tpu.memory_space<vmem>> -> memref<80xi32, #tpu.memory_space<vmem>>
      %dma_start3A_89 = arith.constant 0 : i32
      %dma_start3A_90 = arith.constant 0 : i32
      %dma_start3A_91 = tpu.memref_slice %arg12[%dma_start3A_89, %dma_start3A_90] : memref<10016x128xf32, #tpu.memory_space<vmem_shared>> -> memref<10016x128xf32, #tpu.memory_space<vmem_shared>>
      tpu.enqueue_indirect_dma source(%arg10 : memref<80x128xf32, #tpu.memory_space<vmem>>) target(%dma_start3A_91 : memref<10016x128xf32, #tpu.memory_space<vmem_shared>>) offsets(%dma_start3A_88 : memref<80xi32, #tpu.memory_space<vmem>>) semaphore(%run_scoped3A_85 : memref<!tpu.dma_semaphore, #tpu.memory_space<semaphore_mem>>) {add = true}
      %dma_wait3A_92 = arith.constant 0 : i32
      %dma_wait3A_93 = tpu.memref_slice %arg8[%run_scoped3A_79, %dma_wait3A_92] : memref<125x80xi32, #tpu.memory_space<vmem>> -> memref<1x80xi32, #tpu.memory_space<vmem>>
      %dma_wait3A_94 = tpu.memref_squeeze %dma_wait3A_93 : memref<1x80xi32, #tpu.memory_space<vmem>> -> memref<80xi32, #tpu.memory_space<vmem>>
      %dma_wait3A_95 = arith.constant 0 : i32
      %dma_wait3A_96 = arith.constant 0 : i32
      %dma_wait3A_97 = tpu.memref_slice %arg12[%dma_wait3A_95, %dma_wait3A_96] : memref<10016x128xf32, #tpu.memory_space<vmem_shared>> -> memref<10016x128xf32, #tpu.memory_space<vmem_shared>>
      tpu.wait_indirect_dma semaphore(%run_scoped3A_85 : memref<!tpu.dma_semaphore, #tpu.memory_space<semaphore_mem>>) src(%arg10 : memref<80x128xf32, #tpu.memory_space<vmem>>) dst(%dma_wait3A_97 : memref<10016x128xf32, #tpu.memory_space<vmem_shared>>)
      tpu.yield
    }) : () -> ()
    %barrier3A_80 = arith.constant 0 : index
    tpu.barrier barrier_id(%barrier3A_80)
    %mul3A_81 = arith.constant 626 : i32
    %mul3A_82 = arith.muli %arg1, %mul3A_81 : i32
    %mul3A_83 = arith.constant 626 : i32
    %mul3A_84 = arith.muli %arg1, %mul3A_83 : i32
    "tpu.region"() ({
      %run_scoped3A_85 = tpu.sem_alloc : memref<!tpu.dma_semaphore, #tpu.memory_space<semaphore_mem>>
      %dma_start3A_86 = arith.constant 0 : i32
      %dma_start3A_87 = tpu.memref_slice %arg6[%arg0, %mul3A_84, %dma_start3A_86] : memref<2x10016x128xf32, #tpu.memory_space<hbm>> -> memref<1x626x128xf32, #tpu.memory_space<hbm>>
      %dma_start3A_88 = tpu.memref_squeeze %dma_start3A_87 : memref<1x626x128xf32, #tpu.memory_space<hbm>> -> memref<626x128xf32, #tpu.memory_space<hbm>>
      %dma_start3A_89 = arith.constant 0 : i32
      %dma_start3A_90 = tpu.memref_slice %arg12[%mul3A_82, %dma_start3A_89] : memref<10016x128xf32, #tpu.memory_space<vmem_shared>> -> memref<626x128xf32, #tpu.memory_space<vmem_shared>>
      tpu.enqueue_dma source(%dma_start3A_90 : memref<626x128xf32, #tpu.memory_space<vmem_shared>>) target(%dma_start3A_88 : memref<626x128xf32, #tpu.memory_space<hbm>>) target_semaphore(%run_scoped3A_85 : memref<!tpu.dma_semaphore, #tpu.memory_space<semaphore_mem>>)
      %dma_wait3A_91 = arith.constant 0 : i32
      %dma_wait3A_92 = tpu.memref_slice %arg6[%arg0, %mul3A_84, %dma_wait3A_91] : memref<2x10016x128xf32, #tpu.memory_space<hbm>> -> memref<1x626x128xf32, #tpu.memory_space<hbm>>
      %dma_wait3A_93 = tpu.memref_squeeze %dma_wait3A_92 : memref<1x626x128xf32, #tpu.memory_space<hbm>> -> memref<626x128xf32, #tpu.memory_space<hbm>>
      %dma_wait3A_94 = arith.constant 0 : i32
      %dma_wait3A_95 = tpu.memref_slice %arg12[%mul3A_82, %dma_wait3A_94] : memref<10016x128xf32, #tpu.memory_space<vmem_shared>> -> memref<626x128xf32, #tpu.memory_space<vmem_shared>>
      tpu.wait_dma2 semaphore(%run_scoped3A_85 : memref<!tpu.dma_semaphore, #tpu.memory_space<semaphore_mem>>) src(%dma_wait3A_95 : memref<626x128xf32, #tpu.memory_space<vmem_shared>>) dst(%dma_wait3A_93 : memref<626x128xf32, #tpu.memory_space<hbm>>)
      tpu.yield
    }) : () -> ()
    return
  }
}

#map = affine_map<(d0, d1) -> (0, 0)>
#map1 = affine_map<(d0, d1) -> (0)>
module attributes {stable_mosaic.version = 14 : i64} {
  func.func @_sc_gather_body(%arg0: i32, %arg1: i32, %arg2: memref<10000x128xi32, #tpu.memory_space<hbm>>, %arg3: memref<102400xi32, #tpu.memory_space<hbm>>, %arg4: memref<102400xi32, #tpu.memory_space<hbm>>, %arg5: memref<102400x128xi32, #tpu.memory_space<hbm>>, %arg6: memref<102400x128xi32, #tpu.memory_space<hbm>>, %arg7: memref<6400xi32, #tpu.memory_space<vmem>>, %arg8: memref<6400xi32, #tpu.memory_space<vmem>>, %arg9: memref<80x128xi32, #tpu.memory_space<vmem>>, %arg10: memref<80x128xi32, #tpu.memory_space<vmem>>, %arg11: memref<80x128xi32, #tpu.memory_space<vmem>>, %arg12: memref<80x128xi32, #tpu.memory_space<vmem>>, %arg13: memref<!tpu.dma_semaphore, #tpu.memory_space<semaphore_mem>>, %arg14: memref<!tpu.dma_semaphore, #tpu.memory_space<semaphore_mem>>, %arg15: memref<!tpu.dma_semaphore, #tpu.memory_space<semaphore_mem>>, %arg16: memref<!tpu.dma_semaphore, #tpu.memory_space<semaphore_mem>>) attributes {dimension_semantics = [#tpu.dimension_semantics<core_parallel>, #tpu.dimension_semantics<subcore_parallel>], iteration_bounds = array<i64: 2, 16>, scalar_prefetch = 0 : i64, scratch_operands = 10 : i64, tpu.core_type = #tpu.core_type<sc_vector_subcore>, window_params = [{transform_indices = #map}, {transform_indices = #map1}, {transform_indices = #map1}, {transform_indices = #map}, {transform_indices = #map}]} {
    %mul3A = arith.constant 6400 : i32
    %mul3A_0 = arith.muli %arg1, %mul3A : i32
    %eq3A = arith.constant 0 : i32
    %eq3A_1 = arith.cmpi eq, %arg0, %eq3A : i32
    %convert_element_type3A = arith.extui %eq3A_1 : i1 to i32
    %cond3A = arith.constant 0 : i32
    %cond3A_2 = arith.cmpi ne, %convert_element_type3A, %cond3A : i32
    scf.if %cond3A_2 {
      "tpu.region"() ({
        %run_scoped3A = tpu.sem_alloc : memref<!tpu.dma_semaphore, #tpu.memory_space<semaphore_mem>>
        %dma_start3A_17 = tpu.memref_slice %arg3[%mul3A_0] : memref<102400xi32, #tpu.memory_space<hbm>> -> memref<6400xi32, #tpu.memory_space<hbm>>
        %dma_start3A_18 = tpu.memref_slice %arg3[%mul3A_0] : memref<102400xi32, #tpu.memory_space<hbm>> -> memref<6400xi32, #tpu.memory_space<hbm>>
        tpu.enqueue_dma source(%dma_start3A_18 : memref<6400xi32, #tpu.memory_space<hbm>>) target(%arg7 : memref<6400xi32, #tpu.memory_space<vmem>>) target_semaphore(%run_scoped3A : memref<!tpu.dma_semaphore, #tpu.memory_space<semaphore_mem>>)
        %dma_wait3A = tpu.memref_slice %arg3[%mul3A_0] : memref<102400xi32, #tpu.memory_space<hbm>> -> memref<6400xi32, #tpu.memory_space<hbm>>
        %dma_wait3A_19 = tpu.memref_slice %arg3[%mul3A_0] : memref<102400xi32, #tpu.memory_space<hbm>> -> memref<6400xi32, #tpu.memory_space<hbm>>
        tpu.wait_dma2 semaphore(%run_scoped3A : memref<!tpu.dma_semaphore, #tpu.memory_space<semaphore_mem>>) src(%dma_wait3A_19 : memref<6400xi32, #tpu.memory_space<hbm>>) dst(%arg7 : memref<6400xi32, #tpu.memory_space<vmem>>)
        tpu.yield
      }) : () -> ()
      "tpu.region"() ({
        %run_scoped3A = tpu.sem_alloc : memref<!tpu.dma_semaphore, #tpu.memory_space<semaphore_mem>>
        %dma_start3A_17 = tpu.memref_slice %arg4[%mul3A_0] : memref<102400xi32, #tpu.memory_space<hbm>> -> memref<6400xi32, #tpu.memory_space<hbm>>
        %dma_start3A_18 = tpu.memref_slice %arg4[%mul3A_0] : memref<102400xi32, #tpu.memory_space<hbm>> -> memref<6400xi32, #tpu.memory_space<hbm>>
        tpu.enqueue_dma source(%dma_start3A_18 : memref<6400xi32, #tpu.memory_space<hbm>>) target(%arg8 : memref<6400xi32, #tpu.memory_space<vmem>>) target_semaphore(%run_scoped3A : memref<!tpu.dma_semaphore, #tpu.memory_space<semaphore_mem>>)
        %dma_wait3A = tpu.memref_slice %arg4[%mul3A_0] : memref<102400xi32, #tpu.memory_space<hbm>> -> memref<6400xi32, #tpu.memory_space<hbm>>
        %dma_wait3A_19 = tpu.memref_slice %arg4[%mul3A_0] : memref<102400xi32, #tpu.memory_space<hbm>> -> memref<6400xi32, #tpu.memory_space<hbm>>
        tpu.wait_dma2 semaphore(%run_scoped3A : memref<!tpu.dma_semaphore, #tpu.memory_space<semaphore_mem>>) src(%dma_wait3A_19 : memref<6400xi32, #tpu.memory_space<hbm>>) dst(%arg8 : memref<6400xi32, #tpu.memory_space<vmem>>)
        tpu.yield
      }) : () -> ()
      %dma_start3A = arith.constant 0 : i32
      %dma_start3A_3 = tpu.memref_slice %arg7[%dma_start3A] : memref<6400xi32, #tpu.memory_space<vmem>> -> memref<80xi32, #tpu.memory_space<vmem>>
      %dma_start3A_4 = arith.constant 0 : i32
      %dma_start3A_5 = arith.constant 0 : i32
      %dma_start3A_6 = tpu.memref_slice %arg2[%dma_start3A_4, %dma_start3A_5] : memref<10000x128xi32, #tpu.memory_space<hbm>> -> memref<10000x128xi32, #tpu.memory_space<hbm>>
      tpu.enqueue_indirect_dma source(%dma_start3A_6 : memref<10000x128xi32, #tpu.memory_space<hbm>>) target(%arg9 : memref<80x128xi32, #tpu.memory_space<vmem>>) offsets(%dma_start3A_3 : memref<80xi32, #tpu.memory_space<vmem>>) semaphore(%arg13 : memref<!tpu.dma_semaphore, #tpu.memory_space<semaphore_mem>>)
      %dma_start3A_7 = arith.constant 0 : i32
      %dma_start3A_8 = tpu.memref_slice %arg8[%dma_start3A_7] : memref<6400xi32, #tpu.memory_space<vmem>> -> memref<80xi32, #tpu.memory_space<vmem>>
      %dma_start3A_9 = arith.constant 0 : i32
      %dma_start3A_10 = arith.constant 0 : i32
      %dma_start3A_11 = tpu.memref_slice %arg2[%dma_start3A_9, %dma_start3A_10] : memref<10000x128xi32, #tpu.memory_space<hbm>> -> memref<10000x128xi32, #tpu.memory_space<hbm>>
      tpu.enqueue_indirect_dma source(%dma_start3A_11 : memref<10000x128xi32, #tpu.memory_space<hbm>>) target(%arg10 : memref<80x128xi32, #tpu.memory_space<vmem>>) offsets(%dma_start3A_8 : memref<80xi32, #tpu.memory_space<vmem>>) semaphore(%arg14 : memref<!tpu.dma_semaphore, #tpu.memory_space<semaphore_mem>>)
      %scan3A = arith.constant 0 : i32
      %scan3A_12 = arith.constant 0 : i32
      %scan3A_13 = arith.constant 40 : i32
      %scan3A_14 = arith.addi %scan3A_12, %scan3A_13 : i32
      %scan3A_15 = arith.constant 1 : i32
      scf.for %scan3A_17 = %scan3A_12 to %scan3A_14 step %scan3A_15  : i32 {
        %mul3A_18 = arith.constant 2 : i32
        %mul3A_19 = arith.muli %mul3A_18, %scan3A_17 : i32
        %add3A = arith.constant 1 : i32
        %add3A_20 = arith.addi %mul3A_19, %add3A : i32
        %mul3A_21 = arith.constant 80 : i32
        %mul3A_22 = arith.muli %add3A_20, %mul3A_21 : i32
        %dma_start3A_23 = tpu.memref_slice %arg7[%mul3A_22] : memref<6400xi32, #tpu.memory_space<vmem>> -> memref<80xi32, #tpu.memory_space<vmem>>
        %dma_start3A_24 = arith.constant 0 : i32
        %dma_start3A_25 = arith.constant 0 : i32
        %dma_start3A_26 = tpu.memref_slice %arg2[%dma_start3A_24, %dma_start3A_25] : memref<10000x128xi32, #tpu.memory_space<hbm>> -> memref<10000x128xi32, #tpu.memory_space<hbm>>
        tpu.enqueue_indirect_dma source(%dma_start3A_26 : memref<10000x128xi32, #tpu.memory_space<hbm>>) target(%arg11 : memref<80x128xi32, #tpu.memory_space<vmem>>) offsets(%dma_start3A_23 : memref<80xi32, #tpu.memory_space<vmem>>) semaphore(%arg15 : memref<!tpu.dma_semaphore, #tpu.memory_space<semaphore_mem>>)
        %dma_start3A_27 = tpu.memref_slice %arg8[%mul3A_22] : memref<6400xi32, #tpu.memory_space<vmem>> -> memref<80xi32, #tpu.memory_space<vmem>>
        %dma_start3A_28 = arith.constant 0 : i32
        %dma_start3A_29 = arith.constant 0 : i32
        %dma_start3A_30 = tpu.memref_slice %arg2[%dma_start3A_28, %dma_start3A_29] : memref<10000x128xi32, #tpu.memory_space<hbm>> -> memref<10000x128xi32, #tpu.memory_space<hbm>>
        tpu.enqueue_indirect_dma source(%dma_start3A_30 : memref<10000x128xi32, #tpu.memory_space<hbm>>) target(%arg12 : memref<80x128xi32, #tpu.memory_space<vmem>>) offsets(%dma_start3A_27 : memref<80xi32, #tpu.memory_space<vmem>>) semaphore(%arg16 : memref<!tpu.dma_semaphore, #tpu.memory_space<semaphore_mem>>)
        %mul3A_31 = arith.constant 80 : i32
        %mul3A_32 = arith.muli %mul3A_19, %mul3A_31 : i32
        %dma_wait3A = tpu.memref_slice %arg7[%mul3A_32] : memref<6400xi32, #tpu.memory_space<vmem>> -> memref<80xi32, #tpu.memory_space<vmem>>
        %dma_wait3A_33 = arith.constant 0 : i32
        %dma_wait3A_34 = arith.constant 0 : i32
        %dma_wait3A_35 = tpu.memref_slice %arg2[%dma_wait3A_33, %dma_wait3A_34] : memref<10000x128xi32, #tpu.memory_space<hbm>> -> memref<10000x128xi32, #tpu.memory_space<hbm>>
        tpu.wait_indirect_dma semaphore(%arg13 : memref<!tpu.dma_semaphore, #tpu.memory_space<semaphore_mem>>) src(%dma_wait3A_35 : memref<10000x128xi32, #tpu.memory_space<hbm>>) dst(%arg9 : memref<80x128xi32, #tpu.memory_space<vmem>>)
        %dma_wait3A_36 = tpu.memref_slice %arg8[%mul3A_32] : memref<6400xi32, #tpu.memory_space<vmem>> -> memref<80xi32, #tpu.memory_space<vmem>>
        %dma_wait3A_37 = arith.constant 0 : i32
        %dma_wait3A_38 = arith.constant 0 : i32
        %dma_wait3A_39 = tpu.memref_slice %arg2[%dma_wait3A_37, %dma_wait3A_38] : memref<10000x128xi32, #tpu.memory_space<hbm>> -> memref<10000x128xi32, #tpu.memory_space<hbm>>
        tpu.wait_indirect_dma semaphore(%arg14 : memref<!tpu.dma_semaphore, #tpu.memory_space<semaphore_mem>>) src(%dma_wait3A_39 : memref<10000x128xi32, #tpu.memory_space<hbm>>) dst(%arg10 : memref<80x128xi32, #tpu.memory_space<vmem>>)
        %mul3A_40 = arith.constant 80 : i32
        %mul3A_41 = arith.muli %mul3A_19, %mul3A_40 : i32
        %add3A_42 = arith.addi %mul3A_0, %mul3A_41 : i32
        "tpu.region"() ({
          %run_scoped3A = tpu.sem_alloc : memref<!tpu.dma_semaphore, #tpu.memory_space<semaphore_mem>>
          %dma_start3A_66 = arith.constant 0 : i32
          %dma_start3A_67 = tpu.memref_slice %arg5[%add3A_42, %dma_start3A_66] : memref<102400x128xi32, #tpu.memory_space<hbm>> -> memref<80x128xi32, #tpu.memory_space<hbm>>
          %dma_start3A_68 = arith.constant 0 : i32
          %dma_start3A_69 = tpu.memref_slice %arg5[%add3A_42, %dma_start3A_68] : memref<102400x128xi32, #tpu.memory_space<hbm>> -> memref<80x128xi32, #tpu.memory_space<hbm>>
          tpu.enqueue_dma source(%arg9 : memref<80x128xi32, #tpu.memory_space<vmem>>) target(%dma_start3A_69 : memref<80x128xi32, #tpu.memory_space<hbm>>) target_semaphore(%run_scoped3A : memref<!tpu.dma_semaphore, #tpu.memory_space<semaphore_mem>>)
          %dma_wait3A_70 = arith.constant 0 : i32
          %dma_wait3A_71 = tpu.memref_slice %arg5[%add3A_42, %dma_wait3A_70] : memref<102400x128xi32, #tpu.memory_space<hbm>> -> memref<80x128xi32, #tpu.memory_space<hbm>>
          %dma_wait3A_72 = arith.constant 0 : i32
          %dma_wait3A_73 = tpu.memref_slice %arg5[%add3A_42, %dma_wait3A_72] : memref<102400x128xi32, #tpu.memory_space<hbm>> -> memref<80x128xi32, #tpu.memory_space<hbm>>
          tpu.wait_dma2 semaphore(%run_scoped3A : memref<!tpu.dma_semaphore, #tpu.memory_space<semaphore_mem>>) src(%arg9 : memref<80x128xi32, #tpu.memory_space<vmem>>) dst(%dma_wait3A_73 : memref<80x128xi32, #tpu.memory_space<hbm>>)
          tpu.yield
        }) : () -> ()
        %add3A_43 = arith.addi %mul3A_0, %mul3A_41 : i32
        "tpu.region"() ({
          %run_scoped3A = tpu.sem_alloc : memref<!tpu.dma_semaphore, #tpu.memory_space<semaphore_mem>>
          %dma_start3A_66 = arith.constant 0 : i32
          %dma_start3A_67 = tpu.memref_slice %arg6[%add3A_43, %dma_start3A_66] : memref<102400x128xi32, #tpu.memory_space<hbm>> -> memref<80x128xi32, #tpu.memory_space<hbm>>
          %dma_start3A_68 = arith.constant 0 : i32
          %dma_start3A_69 = tpu.memref_slice %arg6[%add3A_43, %dma_start3A_68] : memref<102400x128xi32, #tpu.memory_space<hbm>> -> memref<80x128xi32, #tpu.memory_space<hbm>>
          tpu.enqueue_dma source(%arg10 : memref<80x128xi32, #tpu.memory_space<vmem>>) target(%dma_start3A_69 : memref<80x128xi32, #tpu.memory_space<hbm>>) target_semaphore(%run_scoped3A : memref<!tpu.dma_semaphore, #tpu.memory_space<semaphore_mem>>)
          %dma_wait3A_70 = arith.constant 0 : i32
          %dma_wait3A_71 = tpu.memref_slice %arg6[%add3A_43, %dma_wait3A_70] : memref<102400x128xi32, #tpu.memory_space<hbm>> -> memref<80x128xi32, #tpu.memory_space<hbm>>
          %dma_wait3A_72 = arith.constant 0 : i32
          %dma_wait3A_73 = tpu.memref_slice %arg6[%add3A_43, %dma_wait3A_72] : memref<102400x128xi32, #tpu.memory_space<hbm>> -> memref<80x128xi32, #tpu.memory_space<hbm>>
          tpu.wait_dma2 semaphore(%run_scoped3A : memref<!tpu.dma_semaphore, #tpu.memory_space<semaphore_mem>>) src(%arg10 : memref<80x128xi32, #tpu.memory_space<vmem>>) dst(%dma_wait3A_73 : memref<80x128xi32, #tpu.memory_space<hbm>>)
          tpu.yield
        }) : () -> ()
        %lt3A = arith.constant 39 : i32
        %lt3A_44 = arith.cmpi slt, %scan3A_17, %lt3A : i32
        %convert_element_type3A_45 = arith.extui %lt3A_44 : i1 to i32
        %cond3A_46 = arith.constant 0 : i32
        %cond3A_47 = arith.cmpi ne, %convert_element_type3A_45, %cond3A_46 : i32
        scf.if %cond3A_47 {
          %add3A_66 = arith.constant 2 : i32
          %add3A_67 = arith.addi %mul3A_19, %add3A_66 : i32
          %mul3A_68 = arith.constant 80 : i32
          %mul3A_69 = arith.muli %add3A_67, %mul3A_68 : i32
          %dma_start3A_70 = tpu.memref_slice %arg7[%mul3A_69] : memref<6400xi32, #tpu.memory_space<vmem>> -> memref<80xi32, #tpu.memory_space<vmem>>
          %dma_start3A_71 = arith.constant 0 : i32
          %dma_start3A_72 = arith.constant 0 : i32
          %dma_start3A_73 = tpu.memref_slice %arg2[%dma_start3A_71, %dma_start3A_72] : memref<10000x128xi32, #tpu.memory_space<hbm>> -> memref<10000x128xi32, #tpu.memory_space<hbm>>
          tpu.enqueue_indirect_dma source(%dma_start3A_73 : memref<10000x128xi32, #tpu.memory_space<hbm>>) target(%arg9 : memref<80x128xi32, #tpu.memory_space<vmem>>) offsets(%dma_start3A_70 : memref<80xi32, #tpu.memory_space<vmem>>) semaphore(%arg13 : memref<!tpu.dma_semaphore, #tpu.memory_space<semaphore_mem>>)
          %dma_start3A_74 = tpu.memref_slice %arg8[%mul3A_69] : memref<6400xi32, #tpu.memory_space<vmem>> -> memref<80xi32, #tpu.memory_space<vmem>>
          %dma_start3A_75 = arith.constant 0 : i32
          %dma_start3A_76 = arith.constant 0 : i32
          %dma_start3A_77 = tpu.memref_slice %arg2[%dma_start3A_75, %dma_start3A_76] : memref<10000x128xi32, #tpu.memory_space<hbm>> -> memref<10000x128xi32, #tpu.memory_space<hbm>>
          tpu.enqueue_indirect_dma source(%dma_start3A_77 : memref<10000x128xi32, #tpu.memory_space<hbm>>) target(%arg10 : memref<80x128xi32, #tpu.memory_space<vmem>>) offsets(%dma_start3A_74 : memref<80xi32, #tpu.memory_space<vmem>>) semaphore(%arg14 : memref<!tpu.dma_semaphore, #tpu.memory_space<semaphore_mem>>)
        } else {
        }
        %add3A_48 = arith.constant 1 : i32
        %add3A_49 = arith.addi %mul3A_19, %add3A_48 : i32
        %mul3A_50 = arith.constant 80 : i32
        %mul3A_51 = arith.muli %add3A_49, %mul3A_50 : i32
        %dma_wait3A_52 = tpu.memref_slice %arg7[%mul3A_51] : memref<6400xi32, #tpu.memory_space<vmem>> -> memref<80xi32, #tpu.memory_space<vmem>>
        %dma_wait3A_53 = arith.constant 0 : i32
        %dma_wait3A_54 = arith.constant 0 : i32
        %dma_wait3A_55 = tpu.memref_slice %arg2[%dma_wait3A_53, %dma_wait3A_54] : memref<10000x128xi32, #tpu.memory_space<hbm>> -> memref<10000x128xi32, #tpu.memory_space<hbm>>
        tpu.wait_indirect_dma semaphore(%arg15 : memref<!tpu.dma_semaphore, #tpu.memory_space<semaphore_mem>>) src(%dma_wait3A_55 : memref<10000x128xi32, #tpu.memory_space<hbm>>) dst(%arg11 : memref<80x128xi32, #tpu.memory_space<vmem>>)
        %dma_wait3A_56 = tpu.memref_slice %arg8[%mul3A_51] : memref<6400xi32, #tpu.memory_space<vmem>> -> memref<80xi32, #tpu.memory_space<vmem>>
        %dma_wait3A_57 = arith.constant 0 : i32
        %dma_wait3A_58 = arith.constant 0 : i32
        %dma_wait3A_59 = tpu.memref_slice %arg2[%dma_wait3A_57, %dma_wait3A_58] : memref<10000x128xi32, #tpu.memory_space<hbm>> -> memref<10000x128xi32, #tpu.memory_space<hbm>>
        tpu.wait_indirect_dma semaphore(%arg16 : memref<!tpu.dma_semaphore, #tpu.memory_space<semaphore_mem>>) src(%dma_wait3A_59 : memref<10000x128xi32, #tpu.memory_space<hbm>>) dst(%arg12 : memref<80x128xi32, #tpu.memory_space<vmem>>)
        %add3A_60 = arith.constant 1 : i32
        %add3A_61 = arith.addi %mul3A_19, %add3A_60 : i32
        %mul3A_62 = arith.constant 80 : i32
        %mul3A_63 = arith.muli %add3A_61, %mul3A_62 : i32
        %add3A_64 = arith.addi %mul3A_0, %mul3A_63 : i32
        "tpu.region"() ({
          %run_scoped3A = tpu.sem_alloc : memref<!tpu.dma_semaphore, #tpu.memory_space<semaphore_mem>>
          %dma_start3A_66 = arith.constant 0 : i32
          %dma_start3A_67 = tpu.memref_slice %arg5[%add3A_64, %dma_start3A_66] : memref<102400x128xi32, #tpu.memory_space<hbm>> -> memref<80x128xi32, #tpu.memory_space<hbm>>
          %dma_start3A_68 = arith.constant 0 : i32
          %dma_start3A_69 = tpu.memref_slice %arg5[%add3A_64, %dma_start3A_68] : memref<102400x128xi32, #tpu.memory_space<hbm>> -> memref<80x128xi32, #tpu.memory_space<hbm>>
          tpu.enqueue_dma source(%arg11 : memref<80x128xi32, #tpu.memory_space<vmem>>) target(%dma_start3A_69 : memref<80x128xi32, #tpu.memory_space<hbm>>) target_semaphore(%run_scoped3A : memref<!tpu.dma_semaphore, #tpu.memory_space<semaphore_mem>>)
          %dma_wait3A_70 = arith.constant 0 : i32
          %dma_wait3A_71 = tpu.memref_slice %arg5[%add3A_64, %dma_wait3A_70] : memref<102400x128xi32, #tpu.memory_space<hbm>> -> memref<80x128xi32, #tpu.memory_space<hbm>>
          %dma_wait3A_72 = arith.constant 0 : i32
          %dma_wait3A_73 = tpu.memref_slice %arg5[%add3A_64, %dma_wait3A_72] : memref<102400x128xi32, #tpu.memory_space<hbm>> -> memref<80x128xi32, #tpu.memory_space<hbm>>
          tpu.wait_dma2 semaphore(%run_scoped3A : memref<!tpu.dma_semaphore, #tpu.memory_space<semaphore_mem>>) src(%arg11 : memref<80x128xi32, #tpu.memory_space<vmem>>) dst(%dma_wait3A_73 : memref<80x128xi32, #tpu.memory_space<hbm>>)
          tpu.yield
        }) : () -> ()
        %add3A_65 = arith.addi %mul3A_0, %mul3A_63 : i32
        "tpu.region"() ({
          %run_scoped3A = tpu.sem_alloc : memref<!tpu.dma_semaphore, #tpu.memory_space<semaphore_mem>>
          %dma_start3A_66 = arith.constant 0 : i32
          %dma_start3A_67 = tpu.memref_slice %arg6[%add3A_65, %dma_start3A_66] : memref<102400x128xi32, #tpu.memory_space<hbm>> -> memref<80x128xi32, #tpu.memory_space<hbm>>
          %dma_start3A_68 = arith.constant 0 : i32
          %dma_start3A_69 = tpu.memref_slice %arg6[%add3A_65, %dma_start3A_68] : memref<102400x128xi32, #tpu.memory_space<hbm>> -> memref<80x128xi32, #tpu.memory_space<hbm>>
          tpu.enqueue_dma source(%arg12 : memref<80x128xi32, #tpu.memory_space<vmem>>) target(%dma_start3A_69 : memref<80x128xi32, #tpu.memory_space<hbm>>) target_semaphore(%run_scoped3A : memref<!tpu.dma_semaphore, #tpu.memory_space<semaphore_mem>>)
          %dma_wait3A_70 = arith.constant 0 : i32
          %dma_wait3A_71 = tpu.memref_slice %arg6[%add3A_65, %dma_wait3A_70] : memref<102400x128xi32, #tpu.memory_space<hbm>> -> memref<80x128xi32, #tpu.memory_space<hbm>>
          %dma_wait3A_72 = arith.constant 0 : i32
          %dma_wait3A_73 = tpu.memref_slice %arg6[%add3A_65, %dma_wait3A_72] : memref<102400x128xi32, #tpu.memory_space<hbm>> -> memref<80x128xi32, #tpu.memory_space<hbm>>
          tpu.wait_dma2 semaphore(%run_scoped3A : memref<!tpu.dma_semaphore, #tpu.memory_space<semaphore_mem>>) src(%arg12 : memref<80x128xi32, #tpu.memory_space<vmem>>) dst(%dma_wait3A_73 : memref<80x128xi32, #tpu.memory_space<hbm>>)
          tpu.yield
        }) : () -> ()
      }
      %scan3A_16 = arith.constant 40 : i32
    } else {
    }
    return
  }
}

module attributes {stable_mosaic.version = 14 : i64} {
  func.func @_tca_body(%arg0: i32, %arg1: memref<1000x128xf32, #tpu.memory_space<vmem>>, %arg2: memref<128x128xf32, #tpu.memory_space<vmem>>, %arg3: memref<1000x32xf32, #tpu.memory_space<vmem>>, %arg4: memref<1000x128xf32, #tpu.memory_space<vmem>>, %arg5: memref<1000x1xf32, #tpu.memory_space<vmem>>) attributes {dimension_semantics = [#tpu.dimension_semantics<arbitrary>], iteration_bounds = array<i64: 10>, scalar_prefetch = 0 : i64, scratch_operands = 0 : i64, tpu.core_type = #tpu.core_type<tc>, window_params = [{transform_indices = @transform_0, window_bounds = array<i64: 1000, 128>}, {pipeline_mode = #tpu.pipeline_mode<synchronous>, transform_indices = @transform_1, window_bounds = array<i64: 128, 128>}, {transform_indices = @transform_2, window_bounds = array<i64: 1000, 32>}, {transform_indices = @transform_3, window_bounds = array<i64: 1000, 128>}, {transform_indices = @transform_4, window_bounds = array<i64: 1000, 1>}]} {
    %get3A = arith.constant 0 : index
    %get3A_0 = arith.constant 0 : index
    %get3A_1 = vector.load %arg3[%get3A, %get3A_0] : memref<1000x32xf32, #tpu.memory_space<vmem>>, vector<1000x32xf32>
    %reduce_sum3A = arith.constant dense<0.000000e+00> : vector<1000xf32>
    %reduce_sum3A_2 = vector.multi_reduction <add>, %get3A_1, %reduce_sum3A [1] : vector<1000x32xf32> to vector<1000xf32>
    %broadcast_in_dim3A = vector.shape_cast %reduce_sum3A_2 : vector<1000xf32> to vector<1000x1xf32>
    %add3A = arith.constant 1.000000e+00 : f32
    %add3A_3 = vector.broadcast %add3A : f32 to vector<1000x1xf32>
    %add3A_4 = arith.addf %broadcast_in_dim3A, %add3A_3 : vector<1000x1xf32>
    %max3A = arith.constant 1.000000e+00 : f32
    %max3A_5 = vector.broadcast %max3A : f32 to vector<1000x1xf32>
    %max3A_6 = arith.maximumf %add3A_4, %max3A_5 : vector<1000x1xf32>
    %rsqrt3A = math.rsqrt %max3A_6 : vector<1000x1xf32>
    %get3A_7 = arith.constant 0 : index
    %get3A_8 = arith.constant 0 : index
    %get3A_9 = vector.load %arg1[%get3A_7, %get3A_8] : memref<1000x128xf32, #tpu.memory_space<vmem>>, vector<1000x128xf32>
    %get3A_10 = arith.constant 0 : index
    %get3A_11 = arith.constant 0 : index
    %get3A_12 = vector.load %arg2[%get3A_10, %get3A_11] : memref<128x128xf32, #tpu.memory_space<vmem>>, vector<128x128xf32>
    %dot_general3A = arith.constant dense<0.000000e+00> : vector<1000x128xf32>
    %dot_general3A_13 = tpu.matmul %get3A_9, %get3A_12, %dot_general3A {dimension_numbers = #tpu.dot_dimension_numbers<[1], [0], [0], [1], [0, 0, 1, 1], [], []>, transpose_lhs_hint = false} : vector<1000x128xf32>, vector<128x128xf32>, vector<1000x128xf32> -> vector<1000x128xf32>
    %mul3A = vector.broadcast %rsqrt3A : vector<1000x1xf32> to vector<1000x128xf32>
    %mul3A_14 = arith.mulf %dot_general3A_13, %mul3A : vector<1000x128xf32>
    %swap3A = arith.constant 0 : index
    %swap3A_15 = arith.constant 0 : index
    %swap3A_16 = vector.load %arg4[%swap3A, %swap3A_15] : memref<1000x128xf32, #tpu.memory_space<vmem>>, vector<1000x128xf32>
    tpu.vector_store %arg4[%swap3A, %swap3A_15], %mul3A_14 {strides = array<i32>} : memref<1000x128xf32, #tpu.memory_space<vmem>>, vector<1000x128xf32>,
    %swap3A_17 = arith.constant 0 : index
    %swap3A_18 = arith.constant 0 : index
    %swap3A_19 = vector.load %arg5[%swap3A_17, %swap3A_18] : memref<1000x1xf32, #tpu.memory_space<vmem>>, vector<1000x1xf32>
    tpu.vector_store %arg5[%swap3A_17, %swap3A_18], %rsqrt3A {strides = array<i32>} : memref<1000x1xf32, #tpu.memory_space<vmem>>, vector<1000x1xf32>,
    return
  }
  func.func @transform_0(%arg0: i32) -> (i32, i32) {
    %c0_i32 = arith.constant 0 : i32
    %c0_i32_0 = arith.constant 0 : i32
    return %arg0, %c0_i32 : i32, i32
  }
  func.func @transform_1(%arg0: i32) -> (i32, i32) {
    %c0_i32 = arith.constant 0 : i32
    %c0_i32_0 = arith.constant 0 : i32
    %c0_i32_1 = arith.constant 0 : i32
    return %c0_i32, %c0_i32_0 : i32, i32
  }
  func.func @transform_2(%arg0: i32) -> (i32, i32) {
    %c0_i32 = arith.constant 0 : i32
    %c0_i32_0 = arith.constant 0 : i32
    return %arg0, %c0_i32 : i32, i32
  }
  func.func @transform_3(%arg0: i32) -> (i32, i32) {
    %c0_i32 = arith.constant 0 : i32
    %c0_i32_0 = arith.constant 0 : i32
    return %arg0, %c0_i32 : i32, i32
  }
  func.func @transform_4(%arg0: i32) -> (i32, i32) {
    %c0_i32 = arith.constant 0 : i32
    %c0_i32_0 = arith.constant 0 : i32
    return %arg0, %c0_i32 : i32, i32
  }
}

module attributes {stable_mosaic.version = 14 : i64} {
  func.func @_tcb_body(%arg0: i32, %arg1: memref<1000x128xf32, #tpu.memory_space<vmem>>, %arg2: memref<1000x128xf32, #tpu.memory_space<vmem>>, %arg3: memref<1000x128xf32, #tpu.memory_space<vmem>>, %arg4: memref<1000x1xf32, #tpu.memory_space<vmem>>, %arg5: memref<1x128xf32, #tpu.memory_space<vmem>>, %arg6: memref<128x128xf32, #tpu.memory_space<vmem>>, %arg7: memref<1000x128xf32, #tpu.memory_space<vmem>>) attributes {dimension_semantics = [#tpu.dimension_semantics<arbitrary>], iteration_bounds = array<i64: 10>, scalar_prefetch = 0 : i64, scratch_operands = 0 : i64, tpu.core_type = #tpu.core_type<tc>, window_params = [{transform_indices = @transform_0, window_bounds = array<i64: 1000, 128>}, {transform_indices = @transform_1, window_bounds = array<i64: 1000, 128>}, {transform_indices = @transform_2, window_bounds = array<i64: 1000, 128>}, {transform_indices = @transform_3, window_bounds = array<i64: 1000, 1>}, {pipeline_mode = #tpu.pipeline_mode<synchronous>, transform_indices = @transform_4, window_bounds = array<i64: 1, 128>}, {pipeline_mode = #tpu.pipeline_mode<synchronous>, transform_indices = @transform_5, window_bounds = array<i64: 128, 128>}, {transform_indices = @transform_6, window_bounds = array<i64: 1000, 128>}]} {
    %get3A = arith.constant 0 : index
    %get3A_0 = arith.constant 0 : index
    %get3A_1 = vector.load %arg4[%get3A, %get3A_0] : memref<1000x1xf32, #tpu.memory_space<vmem>>, vector<1000x1xf32>
    %get3A_2 = arith.constant 0 : index
    %get3A_3 = arith.constant 0 : index
    %get3A_4 = vector.load %arg1[%get3A_2, %get3A_3] : memref<1000x128xf32, #tpu.memory_space<vmem>>, vector<1000x128xf32>
    %get3A_5 = arith.constant 0 : index
    %get3A_6 = arith.constant 0 : index
    %get3A_7 = vector.load %arg2[%get3A_5, %get3A_6] : memref<1000x128xf32, #tpu.memory_space<vmem>>, vector<1000x128xf32>
    %add3A = arith.addf %get3A_4, %get3A_7 : vector<1000x128xf32>
    %get3A_8 = arith.constant 0 : index
    %get3A_9 = arith.constant 0 : index
    %get3A_10 = vector.load %arg3[%get3A_8, %get3A_9] : memref<1000x128xf32, #tpu.memory_space<vmem>>, vector<1000x128xf32>
    %add3A_11 = arith.addf %add3A, %get3A_10 : vector<1000x128xf32>
    %mul3A = vector.broadcast %get3A_1 : vector<1000x1xf32> to vector<1000x128xf32>
    %mul3A_12 = arith.mulf %mul3A, %add3A_11 : vector<1000x128xf32>
    %get3A_13 = arith.constant 0 : index
    %get3A_14 = arith.constant 0 : index
    %get3A_15 = vector.load %arg5[%get3A_13, %get3A_14] : memref<1x128xf32, #tpu.memory_space<vmem>>, vector<1x128xf32>
    %add3A_16 = vector.broadcast %get3A_15 : vector<1x128xf32> to vector<1000x128xf32>
    %add3A_17 = arith.addf %mul3A_12, %add3A_16 : vector<1000x128xf32>
    %tanh3A = math.tanh %add3A_17 : vector<1000x128xf32>
    %get3A_18 = arith.constant 0 : index
    %get3A_19 = arith.constant 0 : index
    %get3A_20 = vector.load %arg6[%get3A_18, %get3A_19] : memref<128x128xf32, #tpu.memory_space<vmem>>, vector<128x128xf32>
    %dot_general3A = arith.constant dense<0.000000e+00> : vector<1000x128xf32>
    %dot_general3A_21 = tpu.matmul %tanh3A, %get3A_20, %dot_general3A {dimension_numbers = #tpu.dot_dimension_numbers<[1], [0], [0], [1], [0, 0, 1, 1], [], []>, transpose_lhs_hint = false} : vector<1000x128xf32>, vector<128x128xf32>, vector<1000x128xf32> -> vector<1000x128xf32>
    %mul3A_22 = vector.broadcast %get3A_1 : vector<1000x1xf32> to vector<1000x128xf32>
    %mul3A_23 = arith.mulf %dot_general3A_21, %mul3A_22 : vector<1000x128xf32>
    %swap3A = arith.constant 0 : index
    %swap3A_24 = arith.constant 0 : index
    %swap3A_25 = vector.load %arg7[%swap3A, %swap3A_24] : memref<1000x128xf32, #tpu.memory_space<vmem>>, vector<1000x128xf32>
    tpu.vector_store %arg7[%swap3A, %swap3A_24], %mul3A_23 {strides = array<i32>} : memref<1000x128xf32, #tpu.memory_space<vmem>>, vector<1000x128xf32>,
    return
  }
  func.func @transform_0(%arg0: i32) -> (i32, i32) {
    %c0_i32 = arith.constant 0 : i32
    %c0_i32_0 = arith.constant 0 : i32
    return %arg0, %c0_i32 : i32, i32
  }
  func.func @transform_1(%arg0: i32) -> (i32, i32) {
    %c0_i32 = arith.constant 0 : i32
    %c0_i32_0 = arith.constant 0 : i32
    return %arg0, %c0_i32 : i32, i32
  }
  func.func @transform_2(%arg0: i32) -> (i32, i32) {
    %c0_i32 = arith.constant 0 : i32
    %c0_i32_0 = arith.constant 0 : i32
    return %arg0, %c0_i32 : i32, i32
  }
  func.func @transform_3(%arg0: i32) -> (i32, i32) {
    %c0_i32 = arith.constant 0 : i32
    %c0_i32_0 = arith.constant 0 : i32
    return %arg0, %c0_i32 : i32, i32
  }
  func.func @transform_4(%arg0: i32) -> (i32, i32) {
    %c0_i32 = arith.constant 0 : i32
    %c0_i32_0 = arith.constant 0 : i32
    %c0_i32_1 = arith.constant 0 : i32
    return %c0_i32, %c0_i32_0 : i32, i32
  }
  func.func @transform_5(%arg0: i32) -> (i32, i32) {
    %c0_i32 = arith.constant 0 : i32
    %c0_i32_0 = arith.constant 0 : i32
    %c0_i32_1 = arith.constant 0 : i32
    return %c0_i32, %c0_i32_0 : i32, i32
  }
  func.func @transform_6(%arg0: i32) -> (i32, i32) {
    %c0_i32 = arith.constant 0 : i32
    %c0_i32_0 = arith.constant 0 : i32
    return %arg0, %c0_i32 : i32, i32
  }
}

module attributes {stable_mosaic.version = 14 : i64} {
  func.func @_tcc_body(%arg0: i32, %arg1: memref<1000x128xf32, #tpu.memory_space<vmem>>, %arg2: memref<1000x128xf32, #tpu.memory_space<vmem>>, %arg3: memref<1000x128xf32, #tpu.memory_space<vmem>>, %arg4: memref<1000x1xf32, #tpu.memory_space<vmem>>, %arg5: memref<1x128xf32, #tpu.memory_space<vmem>>, %arg6: memref<128x128xf32, #tpu.memory_space<vmem>>, %arg7: memref<256x128xf32, #tpu.memory_space<vmem>>, %arg8: memref<1x128xf32, #tpu.memory_space<vmem>>, %arg9: memref<1000x64xf32, #tpu.memory_space<vmem>>, %arg10: memref<64x128xf32, #tpu.memory_space<vmem>>, %arg11: memref<1x128xf32, #tpu.memory_space<vmem>>, %arg12: memref<128x128xf32, #tpu.memory_space<vmem>>, %arg13: memref<1000x128xi32, #tpu.memory_space<vmem>>, %arg14: memref<128x128xf32, #tpu.memory_space<vmem>>) attributes {dimension_semantics = [#tpu.dimension_semantics<arbitrary>], iteration_bounds = array<i64: 10>, scalar_prefetch = 0 : i64, scratch_operands = 0 : i64, tpu.core_type = #tpu.core_type<tc>, window_params = [{transform_indices = @transform_0, window_bounds = array<i64: 1000, 128>}, {transform_indices = @transform_1, window_bounds = array<i64: 1000, 128>}, {transform_indices = @transform_2, window_bounds = array<i64: 1000, 128>}, {transform_indices = @transform_3, window_bounds = array<i64: 1000, 1>}, {pipeline_mode = #tpu.pipeline_mode<synchronous>, transform_indices = @transform_4, window_bounds = array<i64: 1, 128>}, {pipeline_mode = #tpu.pipeline_mode<synchronous>, transform_indices = @transform_5, window_bounds = array<i64: 128, 128>}, {pipeline_mode = #tpu.pipeline_mode<synchronous>, transform_indices = @transform_6, window_bounds = array<i64: 256, 128>}, {pipeline_mode = #tpu.pipeline_mode<synchronous>, transform_indices = @transform_7, window_bounds = array<i64: 1, 128>}, {transform_indices = @transform_8, window_bounds = array<i64: 1000, 64>}, {pipeline_mode = #tpu.pipeline_mode<synchronous>, transform_indices = @transform_9, window_bounds = array<i64: 64, 128>}, {pipeline_mode = #tpu.pipeline_mode<synchronous>, transform_indices = @transform_10, window_bounds = array<i64: 1, 128>}, {pipeline_mode = #tpu.pipeline_mode<synchronous>, transform_indices = @transform_11, window_bounds = array<i64: 128, 128>}, {transform_indices = @transform_12, window_bounds = array<i64: 1000, 128>}, {pipeline_mode = #tpu.pipeline_mode<synchronous>, transform_indices = @transform_13, window_bounds = array<i64: 128, 128>}]} {
    %get3A = arith.constant 0 : index
    %get3A_0 = arith.constant 0 : index
    %get3A_1 = vector.load %arg4[%get3A, %get3A_0] : memref<1000x1xf32, #tpu.memory_space<vmem>>, vector<1000x1xf32>
    %get3A_2 = arith.constant 0 : index
    %get3A_3 = arith.constant 0 : index
    %get3A_4 = vector.load %arg1[%get3A_2, %get3A_3] : memref<1000x128xf32, #tpu.memory_space<vmem>>, vector<1000x128xf32>
    %get3A_5 = arith.constant 0 : index
    %get3A_6 = arith.constant 0 : index
    %get3A_7 = vector.load %arg2[%get3A_5, %get3A_6] : memref<1000x128xf32, #tpu.memory_space<vmem>>, vector<1000x128xf32>
    %add3A = arith.addf %get3A_4, %get3A_7 : vector<1000x128xf32>
    %get3A_8 = arith.constant 0 : index
    %get3A_9 = arith.constant 0 : index
    %get3A_10 = vector.load %arg3[%get3A_8, %get3A_9] : memref<1000x128xf32, #tpu.memory_space<vmem>>, vector<1000x128xf32>
    %add3A_11 = arith.addf %add3A, %get3A_10 : vector<1000x128xf32>
    %mul3A = vector.broadcast %get3A_1 : vector<1000x1xf32> to vector<1000x128xf32>
    %mul3A_12 = arith.mulf %mul3A, %add3A_11 : vector<1000x128xf32>
    %get3A_13 = arith.constant 0 : index
    %get3A_14 = arith.constant 0 : index
    %get3A_15 = vector.load %arg5[%get3A_13, %get3A_14] : memref<1x128xf32, #tpu.memory_space<vmem>>, vector<1x128xf32>
    %add3A_16 = vector.broadcast %get3A_15 : vector<1x128xf32> to vector<1000x128xf32>
    %add3A_17 = arith.addf %mul3A_12, %add3A_16 : vector<1000x128xf32>
    %tanh3A = math.tanh %add3A_17 : vector<1000x128xf32>
    %get3A_18 = arith.constant 0 : index
    %get3A_19 = arith.constant 0 : index
    %get3A_20 = vector.load %arg6[%get3A_18, %get3A_19] : memref<128x128xf32, #tpu.memory_space<vmem>>, vector<128x128xf32>
    %dot_general3A = arith.constant dense<0.000000e+00> : vector<1000x128xf32>
    %dot_general3A_21 = tpu.matmul %tanh3A, %get3A_20, %dot_general3A {dimension_numbers = #tpu.dot_dimension_numbers<[1], [0], [0], [1], [0, 0, 1, 1], [], []>, transpose_lhs_hint = false} : vector<1000x128xf32>, vector<128x128xf32>, vector<1000x128xf32> -> vector<1000x128xf32>
    %get3A_22 = arith.constant 0 : index
    %get3A_23 = arith.constant 0 : index
    %get3A_24 = vector.load %arg7[%get3A_22, %get3A_23] : memref<256x128xf32, #tpu.memory_space<vmem>>, vector<128x128xf32>
    %dot_general3A_25 = arith.constant dense<0.000000e+00> : vector<1000x128xf32>
    %dot_general3A_26 = tpu.matmul %tanh3A, %get3A_24, %dot_general3A_25 {dimension_numbers = #tpu.dot_dimension_numbers<[1], [0], [0], [1], [0, 0, 1, 1], [], []>, transpose_lhs_hint = false} : vector<1000x128xf32>, vector<128x128xf32>, vector<1000x128xf32> -> vector<1000x128xf32>
    %get3A_27 = arith.constant 128 : index
    %get3A_28 = arith.constant 0 : index
    %get3A_29 = vector.load %arg7[%get3A_27, %get3A_28] : memref<256x128xf32, #tpu.memory_space<vmem>>, vector<128x128xf32>
    %dot_general3A_30 = arith.constant dense<0.000000e+00> : vector<1000x128xf32>
    %dot_general3A_31 = tpu.matmul %dot_general3A_21, %get3A_29, %dot_general3A_30 {dimension_numbers = #tpu.dot_dimension_numbers<[1], [0], [0], [1], [0, 0, 1, 1], [], []>, transpose_lhs_hint = false} : vector<1000x128xf32>, vector<128x128xf32>, vector<1000x128xf32> -> vector<1000x128xf32>
    %add3A_32 = arith.addf %dot_general3A_26, %dot_general3A_31 : vector<1000x128xf32>
    %get3A_33 = arith.constant 0 : index
    %get3A_34 = arith.constant 0 : index
    %get3A_35 = vector.load %arg8[%get3A_33, %get3A_34] : memref<1x128xf32, #tpu.memory_space<vmem>>, vector<1x128xf32>
    %add3A_36 = vector.broadcast %get3A_35 : vector<1x128xf32> to vector<1000x128xf32>
    %add3A_37 = arith.addf %add3A_32, %add3A_36 : vector<1000x128xf32>
    %tanh3A_38 = math.tanh %add3A_37 : vector<1000x128xf32>
    %get3A_39 = arith.constant 0 : index
    %get3A_40 = arith.constant 0 : index
    %get3A_41 = vector.load %arg9[%get3A_39, %get3A_40] : memref<1000x64xf32, #tpu.memory_space<vmem>>, vector<1000x64xf32>
    %get3A_42 = arith.constant 0 : index
    %get3A_43 = arith.constant 0 : index
    %get3A_44 = vector.load %arg10[%get3A_42, %get3A_43] : memref<64x128xf32, #tpu.memory_space<vmem>>, vector<64x128xf32>
    %dot_general3A_45 = arith.constant dense<0.000000e+00> : vector<1000x128xf32>
    %dot_general3A_46 = tpu.matmul %get3A_41, %get3A_44, %dot_general3A_45 {dimension_numbers = #tpu.dot_dimension_numbers<[1], [0], [0], [1], [0, 0, 1, 1], [], []>, transpose_lhs_hint = false} : vector<1000x64xf32>, vector<64x128xf32>, vector<1000x128xf32> -> vector<1000x128xf32>
    %get3A_47 = arith.constant 0 : index
    %get3A_48 = arith.constant 0 : index
    %get3A_49 = vector.load %arg11[%get3A_47, %get3A_48] : memref<1x128xf32, #tpu.memory_space<vmem>>, vector<1x128xf32>
    %add3A_50 = vector.broadcast %get3A_49 : vector<1x128xf32> to vector<1000x128xf32>
    %add3A_51 = arith.addf %dot_general3A_46, %add3A_50 : vector<1000x128xf32>
    %tanh3A_52 = math.tanh %add3A_51 : vector<1000x128xf32>
    %convert_element_type3A = arith.truncf %tanh3A_38 : vector<1000x128xf32> to vector<1000x128xbf16>
    %convert_element_type3A_53 = arith.extf %convert_element_type3A : vector<1000x128xbf16> to vector<1000x128xf32>
    %bitcast_convert_type3A = tpu.bitcast %convert_element_type3A_53 : vector<1000x128xf32> -> vector<1000x128xi32>
    %convert_element_type3A_54 = arith.truncf %tanh3A_52 : vector<1000x128xf32> to vector<1000x128xbf16>
    %convert_element_type3A_55 = arith.extf %convert_element_type3A_54 : vector<1000x128xbf16> to vector<1000x128xf32>
    %bitcast_convert_type3A_56 = tpu.bitcast %convert_element_type3A_55 : vector<1000x128xf32> -> vector<1000x128xi32>
    %shift_right_logical3A = arith.constant 16 : i32
    %shift_right_logical3A_57 = vector.broadcast %shift_right_logical3A : i32 to vector<1000x128xi32>
    %shift_right_logical3A_58 = arith.shrui %bitcast_convert_type3A, %shift_right_logical3A_57 : vector<1000x128xi32>
    %and3A = arith.constant -65536 : i32
    %and3A_59 = vector.broadcast %and3A : i32 to vector<1000x128xi32>
    %and3A_60 = arith.andi %bitcast_convert_type3A_56, %and3A_59 : vector<1000x128xi32>
    %or3A = arith.ori %shift_right_logical3A_58, %and3A_60 : vector<1000x128xi32>
    %swap3A = arith.constant 0 : index
    %swap3A_61 = arith.constant 0 : index
    %swap3A_62 = vector.load %arg13[%swap3A, %swap3A_61] : memref<1000x128xi32, #tpu.memory_space<vmem>>, vector<1000x128xi32>
    tpu.vector_store %arg13[%swap3A, %swap3A_61], %or3A {strides = array<i32>} : memref<1000x128xi32, #tpu.memory_space<vmem>>, vector<1000x128xi32>,
    %eq3A = arith.constant 0 : i32
    %eq3A_63 = arith.cmpi eq, %arg0, %eq3A : i32
    %convert_element_type3A_64 = arith.extui %eq3A_63 : i1 to i32
    %cond3A = arith.constant 0 : i32
    %cond3A_65 = arith.cmpi ne, %convert_element_type3A_64, %cond3A : i32
    scf.if %cond3A_65 {
      %get3A_66 = arith.constant 0 : index
      %get3A_67 = arith.constant 0 : index
      %get3A_68 = vector.load %arg12[%get3A_66, %get3A_67] : memref<128x128xf32, #tpu.memory_space<vmem>>, vector<128x128xf32>
      %transpose3A = tpu.transpose %get3A_68, [1, 0] : vector<128x128xf32> -> vector<128x128xf32>
      %add3A_69 = arith.addf %get3A_68, %transpose3A : vector<128x128xf32>
      %mul3A_70 = arith.constant 5.000000e-01 : f32
      %mul3A_71 = vector.broadcast %mul3A_70 : f32 to vector<128x128xf32>
      %mul3A_72 = arith.mulf %add3A_69, %mul3A_71 : vector<128x128xf32>
      %swap3A_73 = arith.constant 0 : index
      %swap3A_74 = arith.constant 0 : index
      %swap3A_75 = vector.load %arg14[%swap3A_73, %swap3A_74] : memref<128x128xf32, #tpu.memory_space<vmem>>, vector<128x128xf32>
      tpu.vector_store %arg14[%swap3A_73, %swap3A_74], %mul3A_72 {strides = array<i32>} : memref<128x128xf32, #tpu.memory_space<vmem>>, vector<128x128xf32>,
    } else {
    }
    return
  }
  func.func @transform_0(%arg0: i32) -> (i32, i32) {
    %c0_i32 = arith.constant 0 : i32
    %c0_i32_0 = arith.constant 0 : i32
    return %arg0, %c0_i32 : i32, i32
  }
  func.func @transform_1(%arg0: i32) -> (i32, i32) {
    %c0_i32 = arith.constant 0 : i32
    %c0_i32_0 = arith.constant 0 : i32
    return %arg0, %c0_i32 : i32, i32
  }
  func.func @transform_2(%arg0: i32) -> (i32, i32) {
    %c0_i32 = arith.constant 0 : i32
    %c0_i32_0 = arith.constant 0 : i32
    return %arg0, %c0_i32 : i32, i32
  }
  func.func @transform_3(%arg0: i32) -> (i32, i32) {
    %c0_i32 = arith.constant 0 : i32
    %c0_i32_0 = arith.constant 0 : i32
    return %arg0, %c0_i32 : i32, i32
  }
  func.func @transform_4(%arg0: i32) -> (i32, i32) {
    %c0_i32 = arith.constant 0 : i32
    %c0_i32_0 = arith.constant 0 : i32
    %c0_i32_1 = arith.constant 0 : i32
    return %c0_i32, %c0_i32_0 : i32, i32
  }
  func.func @transform_5(%arg0: i32) -> (i32, i32) {
    %c0_i32 = arith.constant 0 : i32
    %c0_i32_0 = arith.constant 0 : i32
    %c0_i32_1 = arith.constant 0 : i32
    return %c0_i32, %c0_i32_0 : i32, i32
  }
  func.func @transform_6(%arg0: i32) -> (i32, i32) {
    %c0_i32 = arith.constant 0 : i32
    %c0_i32_0 = arith.constant 0 : i32
    %c0_i32_1 = arith.constant 0 : i32
    return %c0_i32, %c0_i32_0 : i32, i32
  }
  func.func @transform_7(%arg0: i32) -> (i32, i32) {
    %c0_i32 = arith.constant 0 : i32
    %c0_i32_0 = arith.constant 0 : i32
    %c0_i32_1 = arith.constant 0 : i32
    return %c0_i32, %c0_i32_0 : i32, i32
  }
  func.func @transform_8(%arg0: i32) -> (i32, i32) {
    %c0_i32 = arith.constant 0 : i32
    %c0_i32_0 = arith.constant 0 : i32
    return %arg0, %c0_i32 : i32, i32
  }
  func.func @transform_9(%arg0: i32) -> (i32, i32) {
    %c0_i32 = arith.constant 0 : i32
    %c0_i32_0 = arith.constant 0 : i32
    %c0_i32_1 = arith.constant 0 : i32
    return %c0_i32, %c0_i32_0 : i32, i32
  }
  func.func @transform_10(%arg0: i32) -> (i32, i32) {
    %c0_i32 = arith.constant 0 : i32
    %c0_i32_0 = arith.constant 0 : i32
    %c0_i32_1 = arith.constant 0 : i32
    return %c0_i32, %c0_i32_0 : i32, i32
  }
  func.func @transform_11(%arg0: i32) -> (i32, i32) {
    %c0_i32 = arith.constant 0 : i32
    %c0_i32_0 = arith.constant 0 : i32
    %c0_i32_1 = arith.constant 0 : i32
    return %c0_i32, %c0_i32_0 : i32, i32
  }
  func.func @transform_12(%arg0: i32) -> (i32, i32) {
    %c0_i32 = arith.constant 0 : i32
    %c0_i32_0 = arith.constant 0 : i32
    return %arg0, %c0_i32 : i32, i32
  }
  func.func @transform_13(%arg0: i32) -> (i32, i32) {
    %c0_i32 = arith.constant 0 : i32
    %c0_i32_0 = arith.constant 0 : i32
    %c0_i32_1 = arith.constant 0 : i32
    return %c0_i32, %c0_i32_0 : i32, i32
  }
}

module attributes {stable_mosaic.version = 14 : i64} {
  func.func @_tce_body(%arg0: i32, %arg1: memref<512x128xi32, #tpu.memory_space<vmem>>, %arg2: memref<512x128xi32, #tpu.memory_space<vmem>>, %arg3: memref<1x1x512xf32, #tpu.memory_space<vmem>>, %arg4: memref<1x1x512xf32, #tpu.memory_space<vmem>>, %arg5: memref<128x128xf32, #tpu.memory_space<vmem>>, %arg6: memref<256x128xf32, #tpu.memory_space<vmem>>, %arg7: memref<1x128xf32, #tpu.memory_space<vmem>>, %arg8: memref<128x1xf32, #tpu.memory_space<vmem>>, %arg9: memref<256x128xf32, #tpu.memory_space<vmem>>, %arg10: memref<1x128xf32, #tpu.memory_space<vmem>>, %arg11: memref<128x1xf32, #tpu.memory_space<vmem>>, %arg12: memref<1x128xf32, #tpu.memory_space<vmem>>, %arg13: memref<1x2xf32, #tpu.memory_space<vmem>>, %arg14: memref<1x1x512xf32, #tpu.memory_space<vmem>>) attributes {dimension_semantics = [#tpu.dimension_semantics<arbitrary>], iteration_bounds = array<i64: 200>, scalar_prefetch = 0 : i64, scratch_operands = 0 : i64, tpu.core_type = #tpu.core_type<tc>, window_params = [{transform_indices = @transform_0, window_bounds = array<i64: 512, 128>}, {transform_indices = @transform_1, window_bounds = array<i64: 512, 128>}, {transform_indices = @transform_2, window_bounds = array<i64: 1, 1, 512>}, {transform_indices = @transform_3, window_bounds = array<i64: 1, 1, 512>}, {pipeline_mode = #tpu.pipeline_mode<synchronous>, transform_indices = @transform_4, window_bounds = array<i64: 128, 128>}, {pipeline_mode = #tpu.pipeline_mode<synchronous>, transform_indices = @transform_5, window_bounds = array<i64: 256, 128>}, {pipeline_mode = #tpu.pipeline_mode<synchronous>, transform_indices = @transform_6, window_bounds = array<i64: 1, 128>}, {pipeline_mode = #tpu.pipeline_mode<synchronous>, transform_indices = @transform_7, window_bounds = array<i64: 128, 1>}, {pipeline_mode = #tpu.pipeline_mode<synchronous>, transform_indices = @transform_8, window_bounds = array<i64: 256, 128>}, {pipeline_mode = #tpu.pipeline_mode<synchronous>, transform_indices = @transform_9, window_bounds = array<i64: 1, 128>}, {pipeline_mode = #tpu.pipeline_mode<synchronous>, transform_indices = @transform_10, window_bounds = array<i64: 128, 1>}, {pipeline_mode = #tpu.pipeline_mode<synchronous>, transform_indices = @transform_11, window_bounds = array<i64: 1, 128>}, {pipeline_mode = #tpu.pipeline_mode<synchronous>, transform_indices = @transform_12, window_bounds = array<i64: 1, 2>}, {transform_indices = @transform_13, window_bounds = array<i64: 1, 1, 512>}]} {
    %get3A = arith.constant 0 : index
    %get3A_0 = arith.constant 0 : index
    %get3A_1 = vector.load %arg1[%get3A, %get3A_0] : memref<512x128xi32, #tpu.memory_space<vmem>>, vector<512x128xi32>
    %get3A_2 = arith.constant 0 : index
    %get3A_3 = arith.constant 0 : index
    %get3A_4 = vector.load %arg2[%get3A_2, %get3A_3] : memref<512x128xi32, #tpu.memory_space<vmem>>, vector<512x128xi32>
    %shift_left3A = arith.constant 16 : i32
    %shift_left3A_5 = vector.broadcast %shift_left3A : i32 to vector<512x128xi32>
    %shift_left3A_6 = arith.shli %get3A_1, %shift_left3A_5 : vector<512x128xi32>
    %bitcast_convert_type3A = tpu.bitcast %shift_left3A_6 : vector<512x128xi32> -> vector<512x128xf32>
    %and3A = arith.constant -65536 : i32
    %and3A_7 = vector.broadcast %and3A : i32 to vector<512x128xi32>
    %and3A_8 = arith.andi %get3A_1, %and3A_7 : vector<512x128xi32>
    %bitcast_convert_type3A_9 = tpu.bitcast %and3A_8 : vector<512x128xi32> -> vector<512x128xf32>
    %shift_left3A_10 = arith.constant 16 : i32
    %shift_left3A_11 = vector.broadcast %shift_left3A_10 : i32 to vector<512x128xi32>
    %shift_left3A_12 = arith.shli %get3A_4, %shift_left3A_11 : vector<512x128xi32>
    %bitcast_convert_type3A_13 = tpu.bitcast %shift_left3A_12 : vector<512x128xi32> -> vector<512x128xf32>
    %and3A_14 = arith.constant -65536 : i32
    %and3A_15 = vector.broadcast %and3A_14 : i32 to vector<512x128xi32>
    %and3A_16 = arith.andi %get3A_4, %and3A_15 : vector<512x128xi32>
    %bitcast_convert_type3A_17 = tpu.bitcast %and3A_16 : vector<512x128xi32> -> vector<512x128xf32>
    %broadcast_in_dim3A = arith.constant 1.000000e+00 : f32
    %broadcast_in_dim3A_18 = vector.broadcast %broadcast_in_dim3A : f32 to vector<128x1xf32>
    %get3A_19 = arith.constant 0 : index
    %get3A_20 = arith.constant 0 : index
    %get3A_21 = vector.load %arg5[%get3A_19, %get3A_20] : memref<128x128xf32, #tpu.memory_space<vmem>>, vector<128x128xf32>
    %dot_general3A = arith.constant dense<0.000000e+00> : vector<512x128xf32>
    %dot_general3A_22 = tpu.matmul %bitcast_convert_type3A, %get3A_21, %dot_general3A {dimension_numbers = #tpu.dot_dimension_numbers<[1], [0], [0], [1], [0, 0, 1, 1], [], []>, transpose_lhs_hint = false} : vector<512x128xf32>, vector<128x128xf32>, vector<512x128xf32> -> vector<512x128xf32>
    %mul3A = arith.mulf %dot_general3A_22, %bitcast_convert_type3A_13 : vector<512x128xf32>
    %dot_general3A_23 = arith.constant dense<0.000000e+00> : vector<1x512xf32>
    %dot_general3A_24 = tpu.matmul %broadcast_in_dim3A_18, %mul3A, %dot_general3A_23 {dimension_numbers = #tpu.dot_dimension_numbers<[0], [1], [1], [0], [0, 1, 1, 0], [], []>, transpose_lhs_hint = false} : vector<128x1xf32>, vector<512x128xf32>, vector<1x512xf32> -> vector<1x512xf32>
    %get3A_25 = arith.constant 0 : index
    %get3A_26 = arith.constant 0 : index
    %get3A_27 = vector.load %arg12[%get3A_25, %get3A_26] : memref<1x128xf32, #tpu.memory_space<vmem>>, vector<1x128xf32>
    %reduce_sum3A = vector.shape_cast %get3A_27 : vector<1x128xf32> to vector<1x1x128xf32>
    %reduce_sum3A_28 = arith.constant dense<0.000000e+00> : vector<1xf32>
    %reduce_sum3A_29 = vector.multi_reduction <add>, %reduce_sum3A, %reduce_sum3A_28 [1, 2] : vector<1x1x128xf32> to vector<1xf32>
    %reduce_sum3A_30 = vector.shape_cast %reduce_sum3A_29 : vector<1xf32> to vector<1x1x1xf32>
    %reduce_sum3A_31 = vector.extract %reduce_sum3A_30[0, 0, 0] : f32 from vector<1x1x1xf32>
    %add3A = vector.broadcast %reduce_sum3A_31 : f32 to vector<1x512xf32>
    %add3A_32 = arith.addf %dot_general3A_24, %add3A : vector<1x512xf32>
    %logistic3A = arith.negf %add3A_32 : vector<1x512xf32>
    %logistic3A_33 = math.exp %logistic3A : vector<1x512xf32>
    %logistic3A_34 = arith.constant 1.000000e+00 : f32
    %logistic3A_35 = vector.broadcast %logistic3A_34 : f32 to vector<1x512xf32>
    %logistic3A_36 = arith.addf %logistic3A_35, %logistic3A_33 : vector<1x512xf32>
    %logistic3A_37 = arith.divf %logistic3A_35, %logistic3A_36 : vector<1x512xf32>
    %add3A_38 = arith.addf %bitcast_convert_type3A, %bitcast_convert_type3A_13 : vector<512x128xf32>
    %mul3A_39 = arith.constant 5.000000e-01 : f32
    %mul3A_40 = vector.broadcast %mul3A_39 : f32 to vector<512x128xf32>
    %mul3A_41 = arith.mulf %add3A_38, %mul3A_40 : vector<512x128xf32>
    %get3A_42 = arith.constant 0 : index
    %get3A_43 = arith.constant 0 : index
    %get3A_44 = vector.load %arg6[%get3A_42, %get3A_43] : memref<256x128xf32, #tpu.memory_space<vmem>>, vector<128x128xf32>
    %dot_general3A_45 = arith.constant dense<0.000000e+00> : vector<512x128xf32>
    %dot_general3A_46 = tpu.matmul %mul3A_41, %get3A_44, %dot_general3A_45 {dimension_numbers = #tpu.dot_dimension_numbers<[1], [0], [0], [1], [0, 0, 1, 1], [], []>, transpose_lhs_hint = false} : vector<512x128xf32>, vector<128x128xf32>, vector<512x128xf32> -> vector<512x128xf32>
    %max3A = arith.maximumf %bitcast_convert_type3A, %bitcast_convert_type3A_13 : vector<512x128xf32>
    %get3A_47 = arith.constant 128 : index
    %get3A_48 = arith.constant 0 : index
    %get3A_49 = vector.load %arg6[%get3A_47, %get3A_48] : memref<256x128xf32, #tpu.memory_space<vmem>>, vector<128x128xf32>
    %dot_general3A_50 = arith.constant dense<0.000000e+00> : vector<512x128xf32>
    %dot_general3A_51 = tpu.matmul %max3A, %get3A_49, %dot_general3A_50 {dimension_numbers = #tpu.dot_dimension_numbers<[1], [0], [0], [1], [0, 0, 1, 1], [], []>, transpose_lhs_hint = false} : vector<512x128xf32>, vector<128x128xf32>, vector<512x128xf32> -> vector<512x128xf32>
    %add3A_52 = arith.addf %dot_general3A_46, %dot_general3A_51 : vector<512x128xf32>
    %get3A_53 = arith.constant 0 : index
    %get3A_54 = arith.constant 0 : index
    %get3A_55 = vector.load %arg7[%get3A_53, %get3A_54] : memref<1x128xf32, #tpu.memory_space<vmem>>, vector<1x128xf32>
    %add3A_56 = vector.broadcast %get3A_55 : vector<1x128xf32> to vector<512x128xf32>
    %add3A_57 = arith.addf %add3A_52, %add3A_56 : vector<512x128xf32>
    %tanh3A = math.tanh %add3A_57 : vector<512x128xf32>
    %get3A_58 = arith.constant 0 : index
    %get3A_59 = arith.constant 0 : index
    %get3A_60 = vector.load %arg8[%get3A_58, %get3A_59] : memref<128x1xf32, #tpu.memory_space<vmem>>, vector<128x1xf32>
    %dot_general3A_61 = arith.constant dense<0.000000e+00> : vector<1x512xf32>
    %dot_general3A_62 = tpu.matmul %get3A_60, %tanh3A, %dot_general3A_61 {dimension_numbers = #tpu.dot_dimension_numbers<[0], [1], [1], [0], [0, 1, 1, 0], [], []>, transpose_lhs_hint = false} : vector<128x1xf32>, vector<512x128xf32>, vector<1x512xf32> -> vector<1x512xf32>
    %get3A_63 = arith.constant 0 : index
    %get3A_64 = arith.constant 0 : index
    %get3A_65 = vector.load %arg13[%get3A_63, %get3A_64] : memref<1x2xf32, #tpu.memory_space<vmem>>, vector<1x1xf32>
    %add3A_66 = vector.broadcast %get3A_65 : vector<1x1xf32> to vector<1x512xf32>
    %add3A_67 = arith.addf %dot_general3A_62, %add3A_66 : vector<1x512xf32>
    %tanh3A_68 = math.tanh %add3A_67 : vector<1x512xf32>
    %add3A_69 = arith.addf %bitcast_convert_type3A_9, %bitcast_convert_type3A_17 : vector<512x128xf32>
    %mul3A_70 = arith.constant 5.000000e-01 : f32
    %mul3A_71 = vector.broadcast %mul3A_70 : f32 to vector<512x128xf32>
    %mul3A_72 = arith.mulf %add3A_69, %mul3A_71 : vector<512x128xf32>
    %get3A_73 = arith.constant 0 : index
    %get3A_74 = arith.constant 0 : index
    %get3A_75 = vector.load %arg9[%get3A_73, %get3A_74] : memref<256x128xf32, #tpu.memory_space<vmem>>, vector<128x128xf32>
    %dot_general3A_76 = arith.constant dense<0.000000e+00> : vector<512x128xf32>
    %dot_general3A_77 = tpu.matmul %mul3A_72, %get3A_75, %dot_general3A_76 {dimension_numbers = #tpu.dot_dimension_numbers<[1], [0], [0], [1], [0, 0, 1, 1], [], []>, transpose_lhs_hint = false} : vector<512x128xf32>, vector<128x128xf32>, vector<512x128xf32> -> vector<512x128xf32>
    %max3A_78 = arith.maximumf %bitcast_convert_type3A_9, %bitcast_convert_type3A_17 : vector<512x128xf32>
    %get3A_79 = arith.constant 128 : index
    %get3A_80 = arith.constant 0 : index
    %get3A_81 = vector.load %arg9[%get3A_79, %get3A_80] : memref<256x128xf32, #tpu.memory_space<vmem>>, vector<128x128xf32>
    %dot_general3A_82 = arith.constant dense<0.000000e+00> : vector<512x128xf32>
    %dot_general3A_83 = tpu.matmul %max3A_78, %get3A_81, %dot_general3A_82 {dimension_numbers = #tpu.dot_dimension_numbers<[1], [0], [0], [1], [0, 0, 1, 1], [], []>, transpose_lhs_hint = false} : vector<512x128xf32>, vector<128x128xf32>, vector<512x128xf32> -> vector<512x128xf32>
    %add3A_84 = arith.addf %dot_general3A_77, %dot_general3A_83 : vector<512x128xf32>
    %get3A_85 = arith.constant 0 : index
    %get3A_86 = arith.constant 0 : index
    %get3A_87 = vector.load %arg10[%get3A_85, %get3A_86] : memref<1x128xf32, #tpu.memory_space<vmem>>, vector<1x128xf32>
    %add3A_88 = vector.broadcast %get3A_87 : vector<1x128xf32> to vector<512x128xf32>
    %add3A_89 = arith.addf %add3A_84, %add3A_88 : vector<512x128xf32>
    %tanh3A_90 = math.tanh %add3A_89 : vector<512x128xf32>
    %get3A_91 = arith.constant 0 : index
    %get3A_92 = arith.constant 0 : index
    %get3A_93 = vector.load %arg11[%get3A_91, %get3A_92] : memref<128x1xf32, #tpu.memory_space<vmem>>, vector<128x1xf32>
    %dot_general3A_94 = arith.constant dense<0.000000e+00> : vector<1x512xf32>
    %dot_general3A_95 = tpu.matmul %get3A_93, %tanh3A_90, %dot_general3A_94 {dimension_numbers = #tpu.dot_dimension_numbers<[0], [1], [1], [0], [0, 1, 1, 0], [], []>, transpose_lhs_hint = false} : vector<128x1xf32>, vector<512x128xf32>, vector<1x512xf32> -> vector<1x512xf32>
    %get3A_96 = arith.constant 0 : index
    %get3A_97 = arith.constant 1 : index
    %get3A_98 = vector.load %arg13[%get3A_96, %get3A_97] : memref<1x2xf32, #tpu.memory_space<vmem>>, vector<1x1xf32>
    %add3A_99 = vector.broadcast %get3A_98 : vector<1x1xf32> to vector<1x512xf32>
    %add3A_100 = arith.addf %dot_general3A_95, %add3A_99 : vector<1x512xf32>
    %tanh3A_101 = math.tanh %add3A_100 : vector<1x512xf32>
    %max3A_102 = arith.maximumf %tanh3A_68, %tanh3A_101 : vector<1x512xf32>
    %max3A_103 = arith.constant 3.000000e-01 : f32
    %max3A_104 = vector.broadcast %max3A_103 : f32 to vector<1x512xf32>
    %max3A_105 = arith.maximumf %max3A_102, %max3A_104 : vector<1x512xf32>
    %sub3A = arith.subf %tanh3A_68, %max3A_105 : vector<1x512xf32>
    %exp3A = math.exp %sub3A : vector<1x512xf32>
    %sub3A_106 = arith.subf %tanh3A_101, %max3A_105 : vector<1x512xf32>
    %exp3A_107 = math.exp %sub3A_106 : vector<1x512xf32>
    %sub3A_108 = arith.constant 3.000000e-01 : f32
    %sub3A_109 = vector.broadcast %sub3A_108 : f32 to vector<1x512xf32>
    %sub3A_110 = arith.subf %sub3A_109, %max3A_105 : vector<1x512xf32>
    %exp3A_111 = math.exp %sub3A_110 : vector<1x512xf32>
    %add3A_112 = arith.addf %exp3A, %exp3A_107 : vector<1x512xf32>
    %add3A_113 = arith.addf %add3A_112, %exp3A_111 : vector<1x512xf32>
    %mul3A_114 = arith.mulf %logistic3A_37, %exp3A : vector<1x512xf32>
    %get3A_115 = arith.constant 0 : index
    %get3A_116 = arith.constant 0 : index
    %get3A_117 = arith.constant 0 : index
    %get3A_118 = vector.load %arg3[%get3A_115, %get3A_116, %get3A_117] : memref<1x1x512xf32, #tpu.memory_space<vmem>>, vector<1x1x512xf32>
    %get3A_119 = vector.shape_cast %get3A_118 : vector<1x1x512xf32> to vector<1x512xf32>
    %mul3A_120 = arith.mulf %get3A_119, %exp3A_107 : vector<1x512xf32>
    %add3A_121 = arith.addf %mul3A_114, %mul3A_120 : vector<1x512xf32>
    %get3A_122 = arith.constant 0 : index
    %get3A_123 = arith.constant 0 : index
    %get3A_124 = arith.constant 0 : index
    %get3A_125 = vector.load %arg4[%get3A_122, %get3A_123, %get3A_124] : memref<1x1x512xf32, #tpu.memory_space<vmem>>, vector<1x1x512xf32>
    %get3A_126 = vector.shape_cast %get3A_125 : vector<1x1x512xf32> to vector<1x512xf32>
    %mul3A_127 = arith.mulf %get3A_126, %exp3A_111 : vector<1x512xf32>
    %add3A_128 = arith.addf %add3A_121, %mul3A_127 : vector<1x512xf32>
    %div3A = arith.divf %add3A_128, %add3A_113 : vector<1x512xf32>
    %jit3A = arith.constant 0.000000e+00 : f32
    %jit3A_129 = arith.constant 1.000000e+00 : f32
    %max3A_130 = vector.broadcast %jit3A : f32 to vector<1x512xf32>
    %max3A_131 = arith.maximumf %max3A_130, %div3A : vector<1x512xf32>
    %min3A = vector.broadcast %jit3A_129 : f32 to vector<1x512xf32>
    %min3A_132 = arith.minimumf %min3A, %max3A_131 : vector<1x512xf32>
    %reshape3A = vector.shape_cast %min3A_132 : vector<1x512xf32> to vector<1x1x512xf32>
    %swap3A = arith.constant 0 : index
    %swap3A_133 = arith.constant 0 : index
    %swap3A_134 = arith.constant 0 : index
    %swap3A_135 = vector.load %arg14[%swap3A, %swap3A_133, %swap3A_134] : memref<1x1x512xf32, #tpu.memory_space<vmem>>, vector<1x1x512xf32>
    tpu.vector_store %arg14[%swap3A, %swap3A_133, %swap3A_134], %reshape3A {strides = array<i32>} : memref<1x1x512xf32, #tpu.memory_space<vmem>>, vector<1x1x512xf32>,
    return
  }
  func.func @transform_0(%arg0: i32) -> (i32, i32) {
    %c0_i32 = arith.constant 0 : i32
    %c0_i32_0 = arith.constant 0 : i32
    return %arg0, %c0_i32 : i32, i32
  }
  func.func @transform_1(%arg0: i32) -> (i32, i32) {
    %c0_i32 = arith.constant 0 : i32
    %c0_i32_0 = arith.constant 0 : i32
    return %arg0, %c0_i32 : i32, i32
  }
  func.func @transform_2(%arg0: i32) -> (i32, i32, i32) {
    %c0_i32 = arith.constant 0 : i32
    %c0_i32_0 = arith.constant 0 : i32
    %c0_i32_1 = arith.constant 0 : i32
    return %arg0, %c0_i32, %c0_i32_0 : i32, i32, i32
  }
  func.func @transform_3(%arg0: i32) -> (i32, i32, i32) {
    %c0_i32 = arith.constant 0 : i32
    %c0_i32_0 = arith.constant 0 : i32
    %c0_i32_1 = arith.constant 0 : i32
    return %arg0, %c0_i32, %c0_i32_0 : i32, i32, i32
  }
  func.func @transform_4(%arg0: i32) -> (i32, i32) {
    %c0_i32 = arith.constant 0 : i32
    %c0_i32_0 = arith.constant 0 : i32
    %c0_i32_1 = arith.constant 0 : i32
    return %c0_i32, %c0_i32_0 : i32, i32
  }
  func.func @transform_5(%arg0: i32) -> (i32, i32) {
    %c0_i32 = arith.constant 0 : i32
    %c0_i32_0 = arith.constant 0 : i32
    %c0_i32_1 = arith.constant 0 : i32
    return %c0_i32, %c0_i32_0 : i32, i32
  }
  func.func @transform_6(%arg0: i32) -> (i32, i32) {
    %c0_i32 = arith.constant 0 : i32
    %c0_i32_0 = arith.constant 0 : i32
    %c0_i32_1 = arith.constant 0 : i32
    return %c0_i32, %c0_i32_0 : i32, i32
  }
  func.func @transform_7(%arg0: i32) -> (i32, i32) {
    %c0_i32 = arith.constant 0 : i32
    %c0_i32_0 = arith.constant 0 : i32
    %c0_i32_1 = arith.constant 0 : i32
    return %c0_i32, %c0_i32_0 : i32, i32
  }
  func.func @transform_8(%arg0: i32) -> (i32, i32) {
    %c0_i32 = arith.constant 0 : i32
    %c0_i32_0 = arith.constant 0 : i32
    %c0_i32_1 = arith.constant 0 : i32
    return %c0_i32, %c0_i32_0 : i32, i32
  }
  func.func @transform_9(%arg0: i32) -> (i32, i32) {
    %c0_i32 = arith.constant 0 : i32
    %c0_i32_0 = arith.constant 0 : i32
    %c0_i32_1 = arith.constant 0 : i32
    return %c0_i32, %c0_i32_0 : i32, i32
  }
  func.func @transform_10(%arg0: i32) -> (i32, i32) {
    %c0_i32 = arith.constant 0 : i32
    %c0_i32_0 = arith.constant 0 : i32
    %c0_i32_1 = arith.constant 0 : i32
    return %c0_i32, %c0_i32_0 : i32, i32
  }
  func.func @transform_11(%arg0: i32) -> (i32, i32) {
    %c0_i32 = arith.constant 0 : i32
    %c0_i32_0 = arith.constant 0 : i32
    %c0_i32_1 = arith.constant 0 : i32
    return %c0_i32, %c0_i32_0 : i32, i32
  }
  func.func @transform_12(%arg0: i32) -> (i32, i32) {
    %c0_i32 = arith.constant 0 : i32
    %c0_i32_0 = arith.constant 0 : i32
    %c0_i32_1 = arith.constant 0 : i32
    return %c0_i32, %c0_i32_0 : i32, i32
  }
  func.func @transform_13(%arg0: i32) -> (i32, i32, i32) {
    %c0_i32 = arith.constant 0 : i32
    %c0_i32_0 = arith.constant 0 : i32
    %c0_i32_1 = arith.constant 0 : i32
    return %arg0, %c0_i32, %c0_i32_0 : i32, i32, i32
  }
}

</mosaic_0001>

<sc_bundles>
// kernel: kernel.11.cloned.1.call-start
scs
__scs_entry_jumppad:
0x0: {  	(pc) =	sbr.rel $0x88, $3  }
0x1: {  	(tag) =	ssettag $0x0;
	lr =	simm.s32 $0x1  }
0x2: {  	[smem:$0x3F87] =	sst lr;
	_ =	strace $0xD0000000  }
0x3: {  	_ = 	snop  }
0x4: {  	_ = 	snop  }
0x5: {  	_ = 	snop  }
0x6: {  	_ = 	snop  }
0x7: {  	_ = 	snop  }
__scs_overlays_trampoline_lowered:
0x8: {  	[smem:$0x3F96] =	sst s0  }
0x9: {  	[smem:$0x3F97] =	sst s1  }
0xa: {  	[smem:$0x3F98] =	sst s2  }
0xb: {  	[smem:$0x3F99] =	sst s3  }
0xc: {  	[smem:$0x3F9A] =	sst s4  }
0xd: {  	[smem:$0x3F9B] =	sst s5  }
0xe: {  	[smem:$0x3F9C] =	sst s6  }
0xf: {  	[smem:$0x3F9D] =	sst s7  }
0x10: {  	[smem:$0x3F9E] =	sst s8  }
0x11: {  	[smem:$0x3F9F] =	sst s9;
	s0 =	simm.s32 @!p0 $0x0  }
0x12: {  	s1 =	sld [smem:$0x3F85];
	s0 =	simm.s32 @p0 $0x1  }
0x13: {  	[smem:$0x3FA0] =	sst s0;
	s0 =	simm.s32 @!p1 $0x0  }
0x14: {  	s2 =	sld [smem:$0x3F84];
	s0 =	simm.s32 @p1 $0x1  }
0x15: {  	[smem:$0x3FA1] =	sst s0;
	s0 =	simm.s32 @!p2 $0x0  }
0x16: {  	s3 =	sld [smem:$0x3FDB];
	s0 =	simm.s32 @p2 $0x1  }
0x17: {  	s4 =	simm.s32 $0x1BF5;
	[smem:$0x3FA3] =	sst s0  }
0x18: {  	s0 =	sld [smem:$0x3F86];
	_ =	swait.ge [sflag:s4], $0x0  }
0x19: {  	s7 =	sld [smem:$0x3F87]  }
0x1a: {  	s8 =	sadd.s32 $0xFFFFE003, lr  }
0x1b: {  	s9 =	sadd.s32 $0xFFFFFEF7, lr;
	s5 =	simm.s32 $0xFFFFFFFF;
	p2 =	slt.u32 s8, $0xFFFFF086  }
0x1c: {  	p1 =	slt.u32 s9, $0xF7A;
	s5 =	simm.s32 @!p2 $0x0  }
0x1d: {  	s5 =	simm.s32 @p1 $0x1;
	p0 =	seq.s32 s7, s2  }
0x1e: {  	s7 =	smul.u32 @!p0 $0xF7A, s2;
	p2 =	seq.s32 @!p0 s5, $0x0  }
0x1f: {  	s9 =	smul.u32 $0xF7A, s1;
	s8 =	simm.s32 @!p0 $0x1BF5;
	p2 =	por !p2, p0  }
0x20: {  	[sflag:s8] =	ssyncset.s32 @!p0 $0xFFFFF086;
	s6 =	sadd.s32 @!p0 s3, s7;
	s7 =	simm.s32 @!p0 $0x108  }
0x21: {  	s3 =	sadd.s32 s3, s9;
	s6 =	sadd.s32 @!p0 $0x88, s6;
	s7 =	simm.s32 @p2 $0x1082  }
0x22: {  	[simem:s7], [sflag:s8] =	dma.local @!p0 [hbm:s6], $0xF7A  }
0x23: {  	s9 =	sor.u32 $0xD0000000, s2;
	s6 =	simm.s32 $0x108;
	_ =	swait.ge @!p0 [sflag:s8], $0x0  }
0x24: {  	s3 =	sadd.s32 $0x88, s3;
	s6 =	simm.s32 @!p1 $0x1082;
	[sflag:s4] =	ssyncset.s32 $0xFFFFF086  }
0x25: {  	[simem:s6], [sflag:s4] =	dma.local [hbm:s3], $0xF7A  }
0x26: {  	[smem:$0x3F87] =	sst s1;
	(tag) =	ssettag s2;
	_ =	strace s9  }
0x27: {  	s1 =	sld [smem:$0x3F97]  }
0x28: {  	s2 =	sld [smem:$0x3F98]  }
0x29: {  	s4 =	sld [smem:$0x3F9A]  }
0x2a: {  	p0 =	seq.s32 s5, $0x0;
	s5 =	sld [smem:$0x3F9B]  }
0x2b: {  	s6 =	sld [smem:$0x3F9C]  }
0x2c: {  	s7 =	sld [smem:$0x3F9D]  }
0x2d: {  	s3 =	simm.s32 $0x108;
	s8 =	sld [smem:$0x3F9E]  }
0x2e: {  	s3 =	simm.s32 @!p0 $0x1082;
	s9 =	sld [smem:$0x3F9F]  }
0x2f: {  	lr =	sadd.s32 s0, s3;
	s0 =	sld [smem:$0x3F96]  }
0x30: {  	s3 =	sld [smem:$0x3F99]  }
0x31: {  	[smem:$0x3FA2] =	sst s10  }
0x32: {  	s10 =	sld [smem:$0x3FA0];
	_ =	sdelay $0x3  }
0x33: {  	p0 =	seq.s32 s10, $0x1;
	s10 =	sld [smem:$0x3FA2];
	_ =	sdelay $0x3  }
0x34: {  	[smem:$0x3FA2] =	sst s10  }
0x35: {  	s10 =	sld [smem:$0x3FA1];
	_ =	sdelay $0x3  }
0x36: {  	p1 =	seq.s32 s10, $0x1;
	s10 =	sld [smem:$0x3FA2];
	_ =	sdelay $0x3  }
0x37: {  	[smem:$0x3FA2] =	sst s10  }
0x38: {  	s10 =	sld [smem:$0x3FA3]  }
0x39: {  	_ = 	snop;
	(pc) =	sbr.ind lr, $3  }
0x3a: {  	_ = 	snop  }
0x3b: {  	_ = 	snop  }
0x3c: {  	p2 =	seq.s32 s10, $0x1;
	s10 =	sld [smem:$0x3FA2]  }
0x3d: {  	_ =	shalt  }
0x3e: {  	_ =	shalt  }
0x3f: {  	_ =	shalt  }
0x40: {  	_ =	shalt  }
0x41: {  	_ =	shalt  }
0x42: {  	_ =	shalt  }
0x43: {  	_ =	shalt  }
0x44: {  	_ =	shalt  }
0x45: {  	_ =	shalt  }
0x46: {  	_ =	shalt  }
0x47: {  	_ =	shalt  }
0x48: {  	_ =	shalt  }
0x49: {  	_ =	shalt  }
0x4a: {  	_ =	shalt  }
0x4b: {  	_ =	shalt  }
0x4c: {  	_ =	shalt  }
0x4d: {  	_ =	shalt  }
0x4e: {  	_ =	shalt  }
0x4f: {  	_ =	shalt  }
0x50: {  	_ =	shalt  }
0x51: {  	_ =	shalt  }
0x52: {  	_ =	shalt  }
0x53: {  	_ =	shalt  }
0x54: {  	_ =	shalt  }
0x55: {  	_ =	shalt  }
0x56: {  	_ =	shalt  }
0x57: {  	_ =	shalt  }
0x58: {  	_ =	shalt  }
0x59: {  	_ =	shalt  }
0x5a: {  	_ =	shalt  }
0x5b: {  	_ =	shalt  }
0x5c: {  	_ =	shalt  }
0x5d: {  	_ =	shalt  }
0x5e: {  	_ =	shalt  }
0x5f: {  	_ =	shalt  }
0x60: {  	_ =	shalt  }
0x61: {  	_ =	shalt  }
0x62: {  	_ =	shalt  }
0x63: {  	_ =	shalt  }
0x64: {  	_ =	shalt  }
0x65: {  	_ =	shalt  }
0x66: {  	_ =	shalt  }
0x67: {  	_ =	shalt  }
0x68: {  	_ =	shalt  }
0x69: {  	_ =	shalt  }
0x6a: {  	_ =	shalt  }
0x6b: {  	_ =	shalt  }
0x6c: {  	_ =	shalt  }
0x6d: {  	_ =	shalt  }
0x6e: {  	_ =	shalt  }
0x6f: {  	_ =	shalt  }
0x70: {  	_ =	shalt  }
0x71: {  	_ =	shalt  }
0x72: {  	_ =	shalt  }
0x73: {  	_ =	shalt  }
0x74: {  	_ =	shalt  }
0x75: {  	_ =	shalt  }
0x76: {  	_ =	shalt  }
0x77: {  	_ =	shalt  }
0x78: {  	_ =	shalt  }
0x79: {  	_ =	shalt  }
0x7a: {  	_ =	shalt  }
0x7b: {  	_ =	shalt  }
0x7c: {  	_ =	shalt  }
0x7d: {  	_ =	shalt  }
0x7e: {  	_ =	shalt  }
0x7f: {  	_ =	shalt  }
0x80: {  	_ =	shalt  }
0x81: {  	_ =	shalt  }
0x82: {  	_ =	shalt  }
0x83: {  	_ =	shalt  }
0x84: {  	_ =	shalt  }
0x85: {  	_ =	shalt  }
0x86: {  	_ =	shalt  }
0x87: {  	_ =	shalt  }
.Lfunc_end0:
.L_simem_size_0:
called_computation_lowered:
.L_overlay_start_0:
0x88: {  	s2 =	sld [smem:$0x3FD9]  }
0x89: {  	s3 =	sld [smem:$0x3FFE];
	_ =	sdelay $0x1  }
0x8a: {  	s1 =	srdreg.scid  }
0x8b: {  	s0 =	sand.u32 $0x1, s1  }
0x8c: {  	s16 =	sshll.u32 s0, $0xA;
	s2 =	sadd.s32 s3, s2  }
0x8d: {  	s2 =	sadd.s32 s2, s16  }
0x8e: {  	[smem:$0x3FAE] =	sst s2  }
0x8f: {  	_ = 	snop  }
0x90: {  	(tm) =	ssettm $0x1  }
0x91: {  	s17 =	sld [smem:$0x3FFB];
	_ =	sdelay $0x3  }
0x92: {  	_ =	strace s17  }
0x93: {  	s2 =	sld [smem:$0x3FFC];
	_ =	sdelay $0x3  }
0x94: {  	_ =	strace s2  }
0x95: {  	s2 =	sld [smem:$0x3FFD];
	_ =	sdelay $0x3  }
0x96: {  	_ =	strace s2  }
0x97: {  	_ =	strace $0x8FFFFFFF  }
0x98: {  	s18 =	sld [smem:$0x3FDB];
	_ =	sdelay $0x1  }
0x99: {  	s19 =	simm.s32 $_scs_section_size  }
0x9a: {  	s4 =	simm.s32 $_size__tile_overlayer_lowered;
	s5 =	simm.s32 $_tile_overlayer_lowered  }
0x9b: {  	s22 =	simm.s32 $0x1BFF;
	s21 =	sshll.u32 s5, $0x1;
	s2 =	sadd.s32 s19, s18  }
0x9c: {  	s6 =	simm.s32 $0x0;
	s20 =	sshll.u32 s4, $0x1;
	s4 =	sadd.s32 s21, s2  }
0x9d: {  	[timem:s6], [sflag:s22] =	dma.local [hbm:s4], s20  }
0x9e: {  	_ =	swait.ge [sflag:s22], s20  }
0x9f: {  	s3 =	ssub.s32 $0x0, s20;
	[sflag:s22] =	ssyncset.done $0x0  }
0xa0: {  	[sflag:s22] =	ssyncadd.s32 s3;
	_ =	sdelay $0x1  }
0xa1: {  	s23 =	simm.s32 $0x1B8B  }
0xa2: {  	_ =	swait.ge [sflag:s23], $0x1  }
0xa3: {  	[sflag:s23] =	ssyncset.done $0x0  }
0xa4: {  	s25 =	simm.s32 $0x1B8E;
	s24 =	sld [smem:$0x3FFE];
	[sflag:s23] =	ssyncadd.s32 $0xFFFFFFFF  }
0xa5: {  	s26 =	simm.s32 $execute0_lowered;
	[smem:$0x3FD2] =	sst s25  }
0xa6: {  	s4 =	sshll.u32 s26, $0x1;
	_ =	strace $0x80000046;
	[dreg:$0x1] =	wrdreg $0xFFFFFFFF  }
0xa7: {  	s28 =	simm.s32 $_size_execute0_lowered;
	s2 =	sadd.s32 s2, s4;
	[dreg:$0x0] =	wrdreg $0x0  }
0xa8: {  	s4 =	sshll.u32 s28, $0x1;
	[dreg:$0x2] =	wrdreg s2  }
0xa9: {  	[dreg:$0x3] =	wrdreg s4  }
0xaa: {  	[dreg:$0x4] =	wrdreg $0xC0  }
0xab: {  	_ =	task [dreg:s6], $0x5FFFF  }
0xac: {  	[dreg:$0x1] =	wrdreg $0xFFFFFFFF  }
0xad: {  	[dreg:$0x0] =	wrdreg $0x60  }
0xae: {  	[dreg:$0x2] =	wrdreg s24  }
0xaf: {  	[dreg:$0x3] =	wrdreg $0x9  }
0xb0: {  	_ =	task.clear_ibuf [dreg:s6], $0x4FFFF;
	_ =	strace $0x90000046  }
0xb1: {  	s29 =	simm.s32 $0x9;
	_ =	strace $0x80000048  }
0xb2: {  	_ =	swait.ge [sflag:s29], $0x1  }
0xb3: {  	[sflag:s29] =	ssyncadd.s32 $0xFFFFFFFF  }
0xb4: {  	_ =	strace $0x90000048  }
0xb5: {  	_ =	sfence  }
0xb6: {  	s30 =	sld [smem:$0x0];
	_ =	sdelay $0x2  }
0xb7: {  	s31 =	sshll.u32 s1, $0xD;
	s1 =	sshrl.u32 s1, $0x2  }
0xb8: {  	s3 =	sand.u32 $0x4000, s31;
	s1 =	sadd.s32 s1, s30  }
0xb9: {  	s0 =	sor.u32 s3, s0;
	s1 =	sshll.u32 s1, $0x11  }
0xba: {  	s0 =	sor.u32 s1, s0  }
0xbb: {  	s0 =	sadd.s32 $0x8F2B, s0  }
0xbc: {  	[sflag:s0] =	ssyncadd.remote.s32 $0x1  }
0xbd: {  	_ =	sfence.sel $0xFFFF  }
0xbe: {  	[dreg:$0x0] =	wrdreg $0xFFFFFFFF;
	(pc) =	sbr.abs _section_cstart, $3  }
0xbf: {  	[dreg:$0x1] =	wrdreg $0xFFFFFFFF  }
0xc0: {  	_ =	task.clear_ibuf [dreg:s6], $0x2FFFF;
	_ =	strace $0x9FFFFFFF  }
0xc1: {  	(tm) =	ssettm $0x7FFFFFFF  }
tec
execute0_lowered:
.L_overlay_start_1:
0x0: {  	(tag) =	ssettag $0x1  }
0x1: {  	s0 =	srdreg.scid  }
0x2: {  	s3 =	sand.u32 $0x1, s0  }
0x3: {  	s4 =	rddreg [dreg:$0x0];
	s0 =	stileid.u32;
	s1 =	sshll.u32 s3, $0x4  }
0x4: {  	s2 =	simm.s32 $0x0;
	s8 =	simm.s32 $0x0;
	s5 =	sor.u32 s0, s1  }
0x5: {  	[smem:$0x7FF] =	sst s2;
	s3 =	ssub.s32 $0x2, s3;
	s6 =	smul.u32 $0x4E2, s5  }
0x6: {  	s1 =	rddreg [dreg:$0x1];
	s7 =	sshrl.u32 s3, $0x1;
	s5 =	smul.u32 $0x4E4, s5  }
0x7: {  	_ =	strace $0x80000047;
	s31 =	ssub.s32 s3, s7;
	s7 =	simm.s32 $0x2710  }
0x8: {  	s6 =	sadd.s32 s6, s4;
	s4 =	sadd.s32 s5, s4;
	s5 =	smax.u32 s31, $0x1  }
0x9: {  	v0 =	vimm.f32 $0.0e+00;
	v1 =	vimm.f32 $1.000000000e+00;
	s3 =	sadd.s32 $0xF600, s6;
	s4 =	sadd.s32 $0x19400, s4;
	s6 =	simm.s32 $0x1  }
.LBB2_1:
0xa: {  	[tilespmem:s2], [sflag:$0x1] =	stream.linear.gather [hbm4b:s3+s2], $0x2710, $0x38;
	[tilespmem:$0x4E30] =	vst v63  }
0xb: {  	_ =	swait.ge [sflag:s6], $0x2710  }
0xc: {  	[sflag:s6] =	ssyncset.done $0x0  }
0xd: {  	s9 =	simm.s32 $0x0;
	[sflag:s6] =	ssyncadd.s32 $0xFFFFD8F0  }
.LBB2_2:
0xe: {  	p0 =	sne.s32 s9, $0x9C40  }
.Ltmp0:
0xf: {  	_ = 	snop;
	(pc) =	sbr.rel @p0 .LBB2_2-.Ltmp0, $3  }
0x10: {  	_ =	sdelay $0x1  }
0x11: {  	s10 =	sshra.s32 s9, $0x2  }
0x12: {  	s9 =	sadd.s32 $0x40, s9;
	[tilespmem:s10+$0x2710] =	vst v0  }
0x13: {  	s10 =	simm.s32 $0x0;
	s9 =	simm.s32 $0x40  }
.LBB2_4:
0x14: {  	p0 =	sne.s32 s9, $0x9C00;
	v2 =	vld [tilespmem:s10+$0x0];
	_ =	sdelay $0x3  }
.Ltmp1:
0x15: {  	(pc) =	sbr.rel @p0 .LBB2_4-.Ltmp1, $2  }
0x16: {  	_ =	sdelay $0x2  }
0x17: {  	s10 =	sshra.s32 s9, $0x2;
	s9 =	sadd.s32 $0x40, s9;
	[tilespmem:v2+s7+$0x0] =	vst.idx.add.f32.msk $0xffff, v1  }
0x18: {  	v2 =	vld [tilespmem:s10+$0x0];
	_ =	sdelay $0x5  }
0x19: {  	s8 =	sadd.s32 $0x1, s8  }
0x1a: {  	p0 =	sne.s32 s8, s5  }
.Ltmp2:
0x1b: {  	[tilespmem:v2+s7+$0x0] =	vst.idx.add.f32.msk $0xffff, v1;
	(pc) =	sbr.rel @p0 .LBB2_1-.Ltmp2, $4  }
0x1c: {  	[hbm4b:s4+s2] =	stream.linear.scatter [tilespmem:s7], [sflag:$0x1], $0x2720, $0x38;
	[tilespmem:$0x4E30] =	vst v63  }
0x1d: {  	_ =	swait.ge [sflag:s6], $0x2720  }
0x1e: {  	[sflag:s6] =	ssyncset.done $0x0  }
0x1f: {  	[sflag:s6] =	ssyncadd.s32 $0xFFFFD8E0  }
0x20: {  	_ =	sfence.sel $0x180000  }
0x21: {  	[bflag:$0x0] =	sbarrier.arrive $0xFFFF  }
0x22: {  	p0 =	sne.s32 s0, $0x0;
	_ =	strace $0x90000047  }
0x23: {  	s0 =	sadd.s32 @!p0 $0x100000, s1;
	[bflag:$0x2] =	sbarrier.arrive $0xFFFF  }
0x24: {  	[sflag:s0] =	ssyncadd.tile.s32 @!p0 $0x1;
	_ =	shalt  }
.Lfunc_end2:
_tile_overlayer_lowered:
.L_overlay_start_2:
0x25: {  	(tag) =	ssettag $0x2  }
0x26: {  	s0 =	rddreg [dreg:$0x0];
	s2 =	stileid.u32  }
0x27: {  	s1 =	rddreg [dreg:$0x1];
	p0 =	sne.s32 s2, $0x0  }
0x28: {  	s3 =	rddreg [dreg:$0x2];
	[bflag:$0x3] =	sbarrier.arrive $0xFFFF;
	s2 =	simm.s32 @!p0 $0x1C01  }
0x29: {  	[timem:s3], [sflag:s2] =	dma.local @!p0 [hbm:s0], s1  }
0x2a: {  	s0 =	simm.s32 @!p0 $0x1  }
0x2b: {  	_ =	swait.ge @!p0 [sflag:s0], s1  }
0x2c: {  	s1 =	ssub.s32 @!p0 $0x0, s1;
	[sflag:s0] =	ssyncset.done @!p0 $0x0  }
0x2d: {  	[sflag:s0] =	ssyncadd.s32 @!p0 s1  }
0x2e: {  	[bflag:$0x3] =	sbarrier.arrive $0xFFFF  }
0x2f: {  	_ =	shalt  }

// kernel: kernel.14.cloned.1.call-start
scs
__scs_entry_jumppad:
0x0: {  	(pc) =	sbr.rel $0x88, $3  }
0x1: {  	(tag) =	ssettag $0x0;
	lr =	simm.s32 $0x1  }
0x2: {  	[smem:$0x3F87] =	sst lr;
	_ =	strace $0xD0000000  }
0x3: {  	_ = 	snop  }
0x4: {  	_ = 	snop  }
0x5: {  	_ = 	snop  }
0x6: {  	_ = 	snop  }
0x7: {  	_ = 	snop  }
__scs_overlays_trampoline_lowered:
0x8: {  	[smem:$0x3F96] =	sst s0  }
0x9: {  	[smem:$0x3F97] =	sst s1  }
0xa: {  	[smem:$0x3F98] =	sst s2  }
0xb: {  	[smem:$0x3F99] =	sst s3  }
0xc: {  	[smem:$0x3F9A] =	sst s4  }
0xd: {  	[smem:$0x3F9B] =	sst s5  }
0xe: {  	[smem:$0x3F9C] =	sst s6  }
0xf: {  	[smem:$0x3F9D] =	sst s7  }
0x10: {  	[smem:$0x3F9E] =	sst s8  }
0x11: {  	[smem:$0x3F9F] =	sst s9;
	s0 =	simm.s32 @!p0 $0x0  }
0x12: {  	s1 =	sld [smem:$0x3F85];
	s0 =	simm.s32 @p0 $0x1  }
0x13: {  	[smem:$0x3FA0] =	sst s0;
	s0 =	simm.s32 @!p1 $0x0  }
0x14: {  	s2 =	sld [smem:$0x3F84];
	s0 =	simm.s32 @p1 $0x1  }
0x15: {  	[smem:$0x3FA1] =	sst s0;
	s0 =	simm.s32 @!p2 $0x0  }
0x16: {  	s3 =	sld [smem:$0x3FDB];
	s0 =	simm.s32 @p2 $0x1  }
0x17: {  	s4 =	simm.s32 $0x1BF5;
	[smem:$0x3FA3] =	sst s0  }
0x18: {  	s0 =	sld [smem:$0x3F86];
	_ =	swait.ge [sflag:s4], $0x0  }
0x19: {  	s7 =	sld [smem:$0x3F87]  }
0x1a: {  	s8 =	sadd.s32 $0xFFFFE003, lr  }
0x1b: {  	s9 =	sadd.s32 $0xFFFFFEF7, lr;
	s5 =	simm.s32 $0xFFFFFFFF;
	p2 =	slt.u32 s8, $0xFFFFF086  }
0x1c: {  	p1 =	slt.u32 s9, $0xF7A;
	s5 =	simm.s32 @!p2 $0x0  }
0x1d: {  	s5 =	simm.s32 @p1 $0x1;
	p0 =	seq.s32 s7, s2  }
0x1e: {  	s7 =	smul.u32 @!p0 $0xF7A, s2;
	p2 =	seq.s32 @!p0 s5, $0x0  }
0x1f: {  	s9 =	smul.u32 $0xF7A, s1;
	s8 =	simm.s32 @!p0 $0x1BF5;
	p2 =	por !p2, p0  }
0x20: {  	[sflag:s8] =	ssyncset.s32 @!p0 $0xFFFFF086;
	s6 =	sadd.s32 @!p0 s3, s7;
	s7 =	simm.s32 @!p0 $0x108  }
0x21: {  	s3 =	sadd.s32 s3, s9;
	s6 =	sadd.s32 @!p0 $0x88, s6;
	s7 =	simm.s32 @p2 $0x1082  }
0x22: {  	[simem:s7], [sflag:s8] =	dma.local @!p0 [hbm:s6], $0xF7A  }
0x23: {  	s9 =	sor.u32 $0xD0000000, s2;
	s6 =	simm.s32 $0x108;
	_ =	swait.ge @!p0 [sflag:s8], $0x0  }
0x24: {  	s3 =	sadd.s32 $0x88, s3;
	s6 =	simm.s32 @!p1 $0x1082;
	[sflag:s4] =	ssyncset.s32 $0xFFFFF086  }
0x25: {  	[simem:s6], [sflag:s4] =	dma.local [hbm:s3], $0xF7A  }
0x26: {  	[smem:$0x3F87] =	sst s1;
	(tag) =	ssettag s2;
	_ =	strace s9  }
0x27: {  	s1 =	sld [smem:$0x3F97]  }
0x28: {  	s2 =	sld [smem:$0x3F98]  }
0x29: {  	s4 =	sld [smem:$0x3F9A]  }
0x2a: {  	p0 =	seq.s32 s5, $0x0;
	s5 =	sld [smem:$0x3F9B]  }
0x2b: {  	s6 =	sld [smem:$0x3F9C]  }
0x2c: {  	s7 =	sld [smem:$0x3F9D]  }
0x2d: {  	s3 =	simm.s32 $0x108;
	s8 =	sld [smem:$0x3F9E]  }
0x2e: {  	s3 =	simm.s32 @!p0 $0x1082;
	s9 =	sld [smem:$0x3F9F]  }
0x2f: {  	lr =	sadd.s32 s0, s3;
	s0 =	sld [smem:$0x3F96]  }
0x30: {  	s3 =	sld [smem:$0x3F99]  }
0x31: {  	[smem:$0x3FA2] =	sst s10  }
0x32: {  	s10 =	sld [smem:$0x3FA0];
	_ =	sdelay $0x3  }
0x33: {  	p0 =	seq.s32 s10, $0x1;
	s10 =	sld [smem:$0x3FA2];
	_ =	sdelay $0x3  }
0x34: {  	[smem:$0x3FA2] =	sst s10  }
0x35: {  	s10 =	sld [smem:$0x3FA1];
	_ =	sdelay $0x3  }
0x36: {  	p1 =	seq.s32 s10, $0x1;
	s10 =	sld [smem:$0x3FA2];
	_ =	sdelay $0x3  }
0x37: {  	[smem:$0x3FA2] =	sst s10  }
0x38: {  	s10 =	sld [smem:$0x3FA3]  }
0x39: {  	_ = 	snop;
	(pc) =	sbr.ind lr, $3  }
0x3a: {  	_ = 	snop  }
0x3b: {  	_ = 	snop  }
0x3c: {  	p2 =	seq.s32 s10, $0x1;
	s10 =	sld [smem:$0x3FA2]  }
0x3d: {  	_ =	shalt  }
0x3e: {  	_ =	shalt  }
0x3f: {  	_ =	shalt  }
0x40: {  	_ =	shalt  }
0x41: {  	_ =	shalt  }
0x42: {  	_ =	shalt  }
0x43: {  	_ =	shalt  }
0x44: {  	_ =	shalt  }
0x45: {  	_ =	shalt  }
0x46: {  	_ =	shalt  }
0x47: {  	_ =	shalt  }
0x48: {  	_ =	shalt  }
0x49: {  	_ =	shalt  }
0x4a: {  	_ =	shalt  }
0x4b: {  	_ =	shalt  }
0x4c: {  	_ =	shalt  }
0x4d: {  	_ =	shalt  }
0x4e: {  	_ =	shalt  }
0x4f: {  	_ =	shalt  }
0x50: {  	_ =	shalt  }
0x51: {  	_ =	shalt  }
0x52: {  	_ =	shalt  }
0x53: {  	_ =	shalt  }
0x54: {  	_ =	shalt  }
0x55: {  	_ =	shalt  }
0x56: {  	_ =	shalt  }
0x57: {  	_ =	shalt  }
0x58: {  	_ =	shalt  }
0x59: {  	_ =	shalt  }
0x5a: {  	_ =	shalt  }
0x5b: {  	_ =	shalt  }
0x5c: {  	_ =	shalt  }
0x5d: {  	_ =	shalt  }
0x5e: {  	_ =	shalt  }
0x5f: {  	_ =	shalt  }
0x60: {  	_ =	shalt  }
0x61: {  	_ =	shalt  }
0x62: {  	_ =	shalt  }
0x63: {  	_ =	shalt  }
0x64: {  	_ =	shalt  }
0x65: {  	_ =	shalt  }
0x66: {  	_ =	shalt  }
0x67: {  	_ =	shalt  }
0x68: {  	_ =	shalt  }
0x69: {  	_ =	shalt  }
0x6a: {  	_ =	shalt  }
0x6b: {  	_ =	shalt  }
0x6c: {  	_ =	shalt  }
0x6d: {  	_ =	shalt  }
0x6e: {  	_ =	shalt  }
0x6f: {  	_ =	shalt  }
0x70: {  	_ =	shalt  }
0x71: {  	_ =	shalt  }
0x72: {  	_ =	shalt  }
0x73: {  	_ =	shalt  }
0x74: {  	_ =	shalt  }
0x75: {  	_ =	shalt  }
0x76: {  	_ =	shalt  }
0x77: {  	_ =	shalt  }
0x78: {  	_ =	shalt  }
0x79: {  	_ =	shalt  }
0x7a: {  	_ =	shalt  }
0x7b: {  	_ =	shalt  }
0x7c: {  	_ =	shalt  }
0x7d: {  	_ =	shalt  }
0x7e: {  	_ =	shalt  }
0x7f: {  	_ =	shalt  }
0x80: {  	_ =	shalt  }
0x81: {  	_ =	shalt  }
0x82: {  	_ =	shalt  }
0x83: {  	_ =	shalt  }
0x84: {  	_ =	shalt  }
0x85: {  	_ =	shalt  }
0x86: {  	_ =	shalt  }
0x87: {  	_ =	shalt  }
.Lfunc_end0:
.L_simem_size_0:
called_computation.1_lowered:
.L_overlay_start_0:
0x88: {  	s2 =	sld [smem:$0x3FD9]  }
0x89: {  	s3 =	sld [smem:$0x3FFE];
	_ =	sdelay $0x1  }
0x8a: {  	s1 =	srdreg.scid  }
0x8b: {  	s0 =	sand.u32 $0x1, s1  }
0x8c: {  	s17 =	sshll.u32 s0, $0xA;
	s2 =	sadd.s32 s3, s2  }
0x8d: {  	s2 =	sadd.s32 s2, s17  }
0x8e: {  	[smem:$0x3FAE] =	sst s2  }
0x8f: {  	_ = 	snop  }
0x90: {  	s2 =	sld [smem:$0x3FD0];
	(tm) =	ssettm $0x1  }
0x91: {  	s18 =	sld [smem:$0x3FFB];
	_ =	sdelay $0x3  }
0x92: {  	_ =	strace s18  }
0x93: {  	s3 =	sld [smem:$0x3FFC];
	_ =	sdelay $0x3  }
0x94: {  	_ =	strace s3  }
0x95: {  	s3 =	sld [smem:$0x3FFD];
	_ =	sdelay $0x3  }
0x96: {  	_ =	strace s3  }
0x97: {  	_ =	strace $0x8FFFFFFF  }
0x98: {  	s19 =	sld [smem:$0x3FDB];
	_ =	sdelay $0x1  }
0x99: {  	s4 =	simm.s32 $_scs_section_size  }
0x9a: {  	s5 =	simm.s32 $_size__tile_overlayer_lowered;
	s6 =	simm.s32 $_tile_overlayer_lowered  }
0x9b: {  	s22 =	simm.s32 $0x1BFF;
	s21 =	sshll.u32 s6, $0x1;
	s3 =	sadd.s32 s4, s19  }
0x9c: {  	s7 =	simm.s32 $0x0;
	s20 =	sshll.u32 s5, $0x1;
	s5 =	sadd.s32 s21, s3  }
0x9d: {  	[timem:s7], [sflag:s22] =	dma.local [hbm:s5], s20  }
0x9e: {  	_ =	swait.ge [sflag:s22], s20  }
0x9f: {  	s4 =	ssub.s32 $0x0, s20;
	[sflag:s22] =	ssyncset.done $0x0  }
0xa0: {  	[sflag:s22] =	ssyncadd.s32 s4;
	_ =	sdelay $0x1  }
0xa1: {  	s23 =	simm.s32 $0x1B8B  }
0xa2: {  	_ =	swait.ge [sflag:s23], $0x1  }
0xa3: {  	[sflag:s23] =	ssyncset.done $0x0  }
0xa4: {  	s25 =	simm.s32 $0x1B8E;
	s24 =	sld [smem:$0x3FFE];
	[sflag:s23] =	ssyncadd.s32 $0xFFFFFFFF  }
0xa5: {  	s26 =	simm.s32 $execute0_lowered;
	[smem:$0x3FD2] =	sst s25  }
0xa6: {  	s5 =	sshll.u32 s26, $0x1;
	_ =	strace $0x80000049;
	[dreg:$0x1] =	wrdreg $0xFFFFFFFF  }
0xa7: {  	s28 =	simm.s32 $_size_execute0_lowered;
	s3 =	sadd.s32 s3, s5;
	[dreg:$0x0] =	wrdreg $0x0  }
0xa8: {  	s5 =	sshll.u32 s28, $0x1;
	[dreg:$0x2] =	wrdreg s3  }
0xa9: {  	[dreg:$0x3] =	wrdreg s5  }
0xaa: {  	[dreg:$0x4] =	wrdreg $0xC0  }
0xab: {  	_ =	task [dreg:s7], $0x5FFFF  }
0xac: {  	[dreg:$0x1] =	wrdreg $0xFFFFFFFF  }
0xad: {  	[dreg:$0x0] =	wrdreg $0x60  }
0xae: {  	[dreg:$0x2] =	wrdreg s24  }
0xaf: {  	[dreg:$0x3] =	wrdreg s2  }
0xb0: {  	[dreg:$0x4] =	wrdreg $0xC6200  }
0xb1: {  	[dreg:$0x5] =	wrdreg $0x9  }
0xb2: {  	_ =	task.clear_ibuf [dreg:s7], $0x6FFFF;
	_ =	strace $0x90000049  }
0xb3: {  	s29 =	simm.s32 $0x9;
	_ =	strace $0x8000004B  }
0xb4: {  	_ =	swait.ge [sflag:s29], $0x1  }
0xb5: {  	[sflag:s29] =	ssyncadd.s32 $0xFFFFFFFF  }
0xb6: {  	_ =	strace $0x9000004B  }
0xb7: {  	_ =	sfence  }
0xb8: {  	s30 =	sld [smem:$0x0];
	_ =	sdelay $0x2  }
0xb9: {  	s31 =	sshll.u32 s1, $0xD;
	s1 =	sshrl.u32 s1, $0x2  }
0xba: {  	s3 =	sand.u32 $0x4000, s31;
	s1 =	sadd.s32 s1, s30  }
0xbb: {  	s0 =	sor.u32 s3, s0;
	s1 =	sshll.u32 s1, $0x11  }
0xbc: {  	s0 =	sor.u32 s1, s0  }
0xbd: {  	s0 =	sadd.s32 $0x8F2B, s0  }
0xbe: {  	[sflag:s0] =	ssyncadd.remote.s32 $0x1  }
0xbf: {  	_ =	sfence.sel $0xFFFF  }
0xc0: {  	[dreg:$0x0] =	wrdreg $0xFFFFFFFF;
	(pc) =	sbr.abs _section_cstart, $3  }
0xc1: {  	[dreg:$0x1] =	wrdreg $0xFFFFFFFF  }
0xc2: {  	_ =	task.clear_ibuf [dreg:s7], $0x2FFFF;
	_ =	strace $0x9FFFFFFF  }
0xc3: {  	(tm) =	ssettm $0x7FFFFFFF  }
tec
execute0_lowered:
.L_overlay_start_1:
0x0: {  	(tag) =	ssettag $0x1  }
0x1: {  	s0 =	rddreg [dreg:$0x0]  }
0x2: {  	s2 =	rddreg [dreg:$0x1]  }
0x3: {  	s3 =	rddreg [dreg:$0x2]  }
0x4: {  	s4 =	srdreg.scid;
	s1 =	stileid.u32;
	s11 =	simm.s32 $0x2710  }
0x5: {  	s14 =	simm.s32 $0x50;
	s15 =	simm.s32 $0x4E20;
	s16 =	simm.s32 $0x7620  }
0x6: {  	s17 =	simm.s32 $0xA0;
	s18 =	simm.s32 $0x9E20;
	s19 =	simm.s32 $0x1  }
0x7: {  	s20 =	simm.s32 $0x2;
	s21 =	simm.s32 $0x3;
	s22 =	simm.s32 $0x4C90  }
0x8: {  	s23 =	simm.s32 $0x2670;
	s24 =	simm.s32 $0x4CE0;
	s25 =	simm.s32 $0x26C0  }
0x9: {  	s28 =	simm.s32 $0x4D80;
	s29 =	simm.s32 $0x4DD0;
	s30 =	simm.s32 $0x0  }
0xa: {  	s6 =	sand.u32 $0x1, s4;
	s8 =	smul.u32 $0x13900, s1;
	s4 =	simm.s32 $0x0  }
0xb: {  	s31 =	sshll.u32 s1, $0x6;
	s5 =	sshll.u32 s6, $0x4;
	s7 =	smul.u32 $0x139000, s6  }
0xc: {  	[smem:$0x7FF] =	sst s4;
	s6 =	ssub.s32 $0x2, s6;
	s12 =	sor.u32 $0x1C04, s31  }
0xd: {  	s5 =	sor.u32 s1, s5;
	_ =	strace $0x8000004A;
	s26 =	sshrl.u32 s6, $0x1  }
0xe: {  	s13 =	sadd.s32 s8, s3;
	s9 =	smul.u32 $0x4E2, s5;
	s7 =	sadd.s32 s8, s7  }
0xf: {  	s5 =	sadd.s32 $0x19400, s0;
	s10 =	ssub.s32 s6, s26;
	s13 =	sshrl.u32 s13, $0x3  }
0x10: {  	s26 =	simm.s32 $0x4D30;
	s7 =	sshrl.u32 s7, $0x3;
	s9 =	sadd.s32 s9, s0  }
0x11: {  	s0 =	sadd.s32 s7, s0;
	s6 =	sadd.s32 $0x5800, s9;
	s7 =	sadd.s32 $0xF600, s9  }
0x12: {  	s8 =	sadd.s32 $0x67800, s0;
	s9 =	smax.u32 s10, $0x1;
	s10 =	simm.s32 $0x4  }
.LBB2_1:
0x13: {  	[tilespmem:s4], [sflag:$0x4] =	stream.linear.gather [hbm4b:s6+s4], $0x2710, $0x38;
	[tilespmem:$0x1FF20] =	vst v63  }
0x14: {  	_ =	swait.ge [sflag:s10], $0x2710  }
0x15: {  	[sflag:s10] =	ssyncset.done $0x0  }
0x16: {  	[sflag:s10] =	ssyncadd.s32 $0xFFFFD8F0  }
0x17: {  	[tilespmem:s11], [sflag:$0x4] =	stream.linear.gather [hbm4b:s7+s4], $0x2710, $0x38;
	[tilespmem:$0x1FF20] =	vst v63  }
0x18: {  	_ =	swait.ge [sflag:s10], $0x2710  }
0x19: {  	[sflag:s10] =	ssyncset.done $0x0  }
0x1a: {  	[sflag:s10] =	ssyncadd.s32 $0xFFFFD8F0  }
0x1b: {  	[spmem:s13], [sflag:s12] =	dma.local [hbm:s2], $0x2720  }
0x1c: {  	_ =	swait.ge [sflag:s10], $0x2720  }
0x1d: {  	[sflag:s10] =	ssyncset.done $0x0  }
0x1e: {  	[sflag:s10] =	ssyncadd.s32 $0xFFFFD8E0  }
0x1f: {  	[bflag:$0x0] =	sbarrier.arrive $0xFFFF  }
0x20: {  	[tilespmem:s15], [sflag:$0x1] =	stream.indirect.gather [hbm4b:s5+s14], $0x80, s4, s14, $0xb8;
	[tilespmem:$0x1FF20] =	vst v63  }
0x21: {  	_ = 	snop  }
0x22: {  	[tilespmem:s16], [sflag:$0x2] =	stream.indirect.gather [hbm4b:s5+s14], $0x80, s14, s14, $0xb8;
	[tilespmem:$0x1FF20] =	vst v63  }
0x23: {  	_ = 	snop  }
0x24: {  	[tilespmem:s18], [sflag:$0x3] =	stream.indirect.gather [hbm4b:s5+s14], $0x80, s17, s14, $0xb8;
	[tilespmem:$0x1FF20] =	vst v63  }
0x25: {  	_ =	swait.ge [sflag:s19], $0x2800  }
0x26: {  	[sflag:s19] =	ssyncset.done $0x0  }
0x27: {  	s0 =	simm.s32 $0x2710;
	[sflag:s19] =	ssyncadd.s32 $0xFFFFD800  }
0x28: {  	[spmem:s3] =	stream.indirect.scatter.add.f32 [tilespmem:s15], [sflag:$0x4], $0x80, s0, s14, $0xb8;
	[tilespmem:$0x1FF20] =	vst v63  }
0x29: {  	_ =	swait.ge [sflag:s10], $0x2800  }
0x2a: {  	[sflag:s10] =	ssyncset.done $0x0  }
0x2b: {  	s1 =	simm.s32 $0xF0;
	[sflag:s10] =	ssyncadd.s32 $0xFFFFD800  }
0x2c: {  	[tilespmem:s15], [sflag:$0x1] =	stream.indirect.gather [hbm4b:s5+s14], $0x80, s1, s14, $0xb8;
	[tilespmem:$0x1FF20] =	vst v63  }
0x2d: {  	_ =	swait.ge [sflag:s20], $0x2800  }
0x2e: {  	[sflag:s20] =	ssyncset.done $0x0  }
0x2f: {  	s1 =	simm.s32 $0x2760;
	[sflag:s20] =	ssyncadd.s32 $0xFFFFD800  }
0x30: {  	[spmem:s3] =	stream.indirect.scatter.add.f32 [tilespmem:s16], [sflag:$0x4], $0x80, s1, s14, $0xb8;
	[tilespmem:$0x1FF20] =	vst v63  }
0x31: {  	_ =	swait.ge [sflag:s10], $0x2800  }
0x32: {  	[sflag:s10] =	ssyncset.done $0x0  }
0x33: {  	s1 =	simm.s32 $0x140;
	[sflag:s10] =	ssyncadd.s32 $0xFFFFD800  }
0x34: {  	[tilespmem:s16], [sflag:$0x2] =	stream.indirect.gather [hbm4b:s5+s14], $0x80, s1, s14, $0xb8;
	[tilespmem:$0x1FF20] =	vst v63  }
0x35: {  	_ =	swait.ge [sflag:s21], $0x2800  }
0x36: {  	[sflag:s21] =	ssyncset.done $0x0  }
0x37: {  	s1 =	simm.s32 $0x27B0;
	[sflag:s21] =	ssyncadd.s32 $0xFFFFD800  }
0x38: {  	[spmem:s3] =	stream.indirect.scatter.add.f32 [tilespmem:s18], [sflag:$0x4], $0x80, s1, s14, $0xb8;
	[tilespmem:$0x1FF20] =	vst v63  }
0x39: {  	_ =	swait.ge [sflag:s10], $0x2800  }
0x3a: {  	[sflag:s10] =	ssyncset.done $0x0  }
0x3b: {  	s31 =	simm.s32 $0x3C0;
	s0 =	simm.s32 $0x190;
	[sflag:s10] =	ssyncadd.s32 $0xFFFFD800  }
.LBB2_2:
0x3c: {  	[tilespmem:s18], [sflag:$0x3] =	stream.indirect.gather [hbm4b:s5+s14], $0x80, s0, s14, $0xb8;
	[tilespmem:$0x1FF20] =	vst v63  }
0x3d: {  	s0 =	smov.u32 s31  }
0x3e: {  	p0 =	sne.s32 s31, $0x9240;
	s31 =	sadd.s32 $0x3C0, s31;
	_ =	swait.ge [sflag:s19], $0x2800  }
0x3f: {  	s0 =	sshra.s32 s0, $0x2;
	[sflag:s19] =	ssyncset.done $0x0  }
0x40: {  	s1 =	sadd.s32 $0x2710, s0;
	[sflag:s19] =	ssyncadd.s32 $0xFFFFD800  }
0x41: {  	[spmem:s3] =	stream.indirect.scatter.add.f32 [tilespmem:s15], [sflag:$0x4], $0x80, s1, s14, $0xb8;
	[tilespmem:$0x1FF20] =	vst v63  }
0x42: {  	_ =	swait.ge [sflag:s10], $0x2800  }
0x43: {  	[sflag:s10] =	ssyncset.done $0x0  }
0x44: {  	s1 =	sadd.s32 $0xF0, s0;
	[sflag:s10] =	ssyncadd.s32 $0xFFFFD800  }
0x45: {  	[tilespmem:s15], [sflag:$0x1] =	stream.indirect.gather [hbm4b:s5+s14], $0x80, s1, s14, $0xb8;
	[tilespmem:$0x1FF20] =	vst v63  }
0x46: {  	_ =	swait.ge [sflag:s20], $0x2800  }
0x47: {  	[sflag:s20] =	ssyncset.done $0x0  }
0x48: {  	s1 =	sadd.s32 $0x2760, s0;
	[sflag:s20] =	ssyncadd.s32 $0xFFFFD800  }
0x49: {  	[spmem:s3] =	stream.indirect.scatter.add.f32 [tilespmem:s16], [sflag:$0x4], $0x80, s1, s14, $0xb8;
	[tilespmem:$0x1FF20] =	vst v63  }
0x4a: {  	_ =	swait.ge [sflag:s10], $0x2800  }
0x4b: {  	[sflag:s10] =	ssyncset.done $0x0  }
0x4c: {  	s1 =	sadd.s32 $0x140, s0;
	[sflag:s10] =	ssyncadd.s32 $0xFFFFD800  }
0x4d: {  	[tilespmem:s16], [sflag:$0x2] =	stream.indirect.gather [hbm4b:s5+s14], $0x80, s1, s14, $0xb8;
	[tilespmem:$0x1FF20] =	vst v63  }
0x4e: {  	_ =	swait.ge [sflag:s21], $0x2800  }
0x4f: {  	[sflag:s21] =	ssyncset.done $0x0  }
.Ltmp0:
0x50: {  	s1 =	sadd.s32 $0x27B0, s0;
	[sflag:s21] =	ssyncadd.s32 $0xFFFFD800;
	(pc) =	sbr.rel @p0 .LBB2_2-.Ltmp0, $4  }
0x51: {  	[spmem:s3] =	stream.indirect.scatter.add.f32 [tilespmem:s18], [sflag:$0x4], $0x80, s1, s14, $0xb8;
	[tilespmem:$0x1FF20] =	vst v63  }
0x52: {  	_ =	swait.ge [sflag:s10], $0x2800  }
0x53: {  	[sflag:s10] =	ssyncset.done $0x0  }
0x54: {  	s0 =	sadd.s32 $0x190, s0;
	[sflag:s10] =	ssyncadd.s32 $0xFFFFD800  }
0x55: {  	[tilespmem:s18], [sflag:$0x3] =	stream.indirect.gather [hbm4b:s5+s14], $0x80, s0, s14, $0xb8;
	[tilespmem:$0x1FF20] =	vst v63  }
0x56: {  	_ =	swait.ge [sflag:s19], $0x2800  }
0x57: {  	[sflag:s19] =	ssyncset.done $0x0  }
0x58: {  	[sflag:s19] =	ssyncadd.s32 $0xFFFFD800  }
0x59: {  	[spmem:s3] =	stream.indirect.scatter.add.f32 [tilespmem:s15], [sflag:$0x4], $0x80, s22, s14, $0xb8;
	[tilespmem:$0x1FF20] =	vst v63  }
0x5a: {  	_ =	swait.ge [sflag:s10], $0x2800  }
0x5b: {  	[sflag:s10] =	ssyncset.done $0x0  }
0x5c: {  	[sflag:s10] =	ssyncadd.s32 $0xFFFFD800  }
0x5d: {  	[tilespmem:s15], [sflag:$0x1] =	stream.indirect.gather [hbm4b:s5+s14], $0x80, s23, s14, $0xb8;
	[tilespmem:$0x1FF20] =	vst v63  }
0x5e: {  	_ =	swait.ge [sflag:s20], $0x2800  }
0x5f: {  	[sflag:s20] =	ssyncset.done $0x0  }
0x60: {  	[sflag:s20] =	ssyncadd.s32 $0xFFFFD800  }
0x61: {  	[spmem:s3] =	stream.indirect.scatter.add.f32 [tilespmem:s16], [sflag:$0x4], $0x80, s24, s14, $0xb8;
	[tilespmem:$0x1FF20] =	vst v63  }
0x62: {  	_ =	swait.ge [sflag:s10], $0x2800  }
0x63: {  	[sflag:s10] =	ssyncset.done $0x0  }
0x64: {  	[sflag:s10] =	ssyncadd.s32 $0xFFFFD800  }
0x65: {  	[tilespmem:s16], [sflag:$0x2] =	stream.indirect.gather [hbm4b:s5+s14], $0x80, s25, s14, $0xb8;
	[tilespmem:$0x1FF20] =	vst v63  }
0x66: {  	_ =	swait.ge [sflag:s21], $0x2800  }
0x67: {  	[sflag:s21] =	ssyncset.done $0x0  }
0x68: {  	[sflag:s21] =	ssyncadd.s32 $0xFFFFD800  }
0x69: {  	[spmem:s3] =	stream.indirect.scatter.add.f32 [tilespmem:s18], [sflag:$0x4], $0x80, s26, s14, $0xb8;
	[tilespmem:$0x1FF20] =	vst v63  }
0x6a: {  	_ =	swait.ge [sflag:s10], $0x2800  }
0x6b: {  	[sflag:s10] =	ssyncset.done $0x0  }
0x6c: {  	[sflag:s10] =	ssyncadd.s32 $0xFFFFD800  }
0x6d: {  	_ =	swait.ge [sflag:s19], $0x2800  }
0x6e: {  	[sflag:s19] =	ssyncset.done $0x0  }
0x6f: {  	[sflag:s19] =	ssyncadd.s32 $0xFFFFD800  }
0x70: {  	[spmem:s3] =	stream.indirect.scatter.add.f32 [tilespmem:s15], [sflag:$0x4], $0x80, s28, s14, $0xb8;
	[tilespmem:$0x1FF20] =	vst v63  }
0x71: {  	_ =	swait.ge [sflag:s10], $0x2800  }
0x72: {  	[sflag:s10] =	ssyncset.done $0x0  }
0x73: {  	[sflag:s10] =	ssyncadd.s32 $0xFFFFD800  }
0x74: {  	_ =	swait.ge [sflag:s20], $0x2800  }
0x75: {  	[sflag:s20] =	ssyncset.done $0x0  }
0x76: {  	[sflag:s20] =	ssyncadd.s32 $0xFFFFD800  }
0x77: {  	[spmem:s3] =	stream.indirect.scatter.add.f32 [tilespmem:s16], [sflag:$0x4], $0x80, s29, s14, $0xb8;
	[tilespmem:$0x1FF20] =	vst v63  }
0x78: {  	_ =	swait.ge [sflag:s10], $0x2800  }
0x79: {  	s30 =	sadd.s32 $0x1, s30;
	[sflag:s10] =	ssyncset.done $0x0  }
0x7a: {  	p0 =	sne.s32 s30, s9;
	[sflag:s10] =	ssyncadd.s32 $0xFFFFD800  }
.Ltmp1:
0x7b: {  	[bflag:$0x0] =	sbarrier.arrive $0xFFFF;
	(pc) =	sbr.rel @p0 .LBB2_1-.Ltmp1, $4  }
0x7c: {  	[hbm:s8], [sflag:s12] =	dma.local [spmem:s13], $0x2720  }
0x7d: {  	_ =	swait.ge [sflag:s10], $0x2720  }
0x7e: {  	[sflag:s10] =	ssyncset.done $0x0  }
0x7f: {  	[sflag:s10] =	ssyncadd.s32 $0xFFFFD8E0  }
0x80: {  	_ =	sfence.sel $0x180000  }
0x81: {  	[bflag:$0x0] =	sbarrier.arrive $0xFFFF  }
0x82: {  	_ =	strace $0x9000004A  }
0x83: {  	s0 =	stileid.u32;
	[bflag:$0x2] =	sbarrier.arrive $0xFFFF  }
0x84: {  	p0 =	sne.s32 s0, $0x0;
	s0 =	rddreg [dreg:$0x3]  }
0x85: {  	s0 =	sadd.s32 @!p0 $0x100000, s0  }
0x86: {  	[sflag:s0] =	ssyncadd.tile.s32 @!p0 $0x1;
	_ =	shalt  }
.Lfunc_end2:
_tile_overlayer_lowered:
.L_overlay_start_2:
0x87: {  	(tag) =	ssettag $0x2  }
0x88: {  	s0 =	rddreg [dreg:$0x0];
	s2 =	stileid.u32  }
0x89: {  	s1 =	rddreg [dreg:$0x1];
	p0 =	sne.s32 s2, $0x0  }
0x8a: {  	s3 =	rddreg [dreg:$0x2];
	[bflag:$0x3] =	sbarrier.arrive $0xFFFF;
	s2 =	simm.s32 @!p0 $0x1C04  }
0x8b: {  	[timem:s3], [sflag:s2] =	dma.local @!p0 [hbm:s0], s1  }
0x8c: {  	s0 =	simm.s32 @!p0 $0x4  }
0x8d: {  	_ =	swait.ge @!p0 [sflag:s0], s1  }
0x8e: {  	s1 =	ssub.s32 @!p0 $0x0, s1;
	[sflag:s0] =	ssyncset.done @!p0 $0x0  }
0x8f: {  	[sflag:s0] =	ssyncadd.s32 @!p0 s1  }
0x90: {  	[bflag:$0x3] =	sbarrier.arrive $0xFFFF  }
0x91: {  	_ =	shalt  }

// kernel: kernel.17.cloned.1.call-start
scs
__scs_entry_jumppad:
0x0: {  	(pc) =	sbr.rel $0x88, $3  }
0x1: {  	(tag) =	ssettag $0x0;
	lr =	simm.s32 $0x1  }
0x2: {  	[smem:$0x3F87] =	sst lr;
	_ =	strace $0xD0000000  }
0x3: {  	_ = 	snop  }
0x4: {  	_ = 	snop  }
0x5: {  	_ = 	snop  }
0x6: {  	_ = 	snop  }
0x7: {  	_ = 	snop  }
__scs_overlays_trampoline_lowered:
0x8: {  	[smem:$0x3F96] =	sst s0  }
0x9: {  	[smem:$0x3F97] =	sst s1  }
0xa: {  	[smem:$0x3F98] =	sst s2  }
0xb: {  	[smem:$0x3F99] =	sst s3  }
0xc: {  	[smem:$0x3F9A] =	sst s4  }
0xd: {  	[smem:$0x3F9B] =	sst s5  }
0xe: {  	[smem:$0x3F9C] =	sst s6  }
0xf: {  	[smem:$0x3F9D] =	sst s7  }
0x10: {  	[smem:$0x3F9E] =	sst s8  }
0x11: {  	[smem:$0x3F9F] =	sst s9;
	s0 =	simm.s32 @!p0 $0x0  }
0x12: {  	s1 =	sld [smem:$0x3F85];
	s0 =	simm.s32 @p0 $0x1  }
0x13: {  	[smem:$0x3FA0] =	sst s0;
	s0 =	simm.s32 @!p1 $0x0  }
0x14: {  	s2 =	sld [smem:$0x3F84];
	s0 =	simm.s32 @p1 $0x1  }
0x15: {  	[smem:$0x3FA1] =	sst s0;
	s0 =	simm.s32 @!p2 $0x0  }
0x16: {  	s3 =	sld [smem:$0x3FDB];
	s0 =	simm.s32 @p2 $0x1  }
0x17: {  	s4 =	simm.s32 $0x1BF5;
	[smem:$0x3FA3] =	sst s0  }
0x18: {  	s0 =	sld [smem:$0x3F86];
	_ =	swait.ge [sflag:s4], $0x0  }
0x19: {  	s7 =	sld [smem:$0x3F87]  }
0x1a: {  	s8 =	sadd.s32 $0xFFFFE003, lr  }
0x1b: {  	s9 =	sadd.s32 $0xFFFFFEF7, lr;
	s5 =	simm.s32 $0xFFFFFFFF;
	p2 =	slt.u32 s8, $0xFFFFF086  }
0x1c: {  	p1 =	slt.u32 s9, $0xF7A;
	s5 =	simm.s32 @!p2 $0x0  }
0x1d: {  	s5 =	simm.s32 @p1 $0x1;
	p0 =	seq.s32 s7, s2  }
0x1e: {  	s7 =	smul.u32 @!p0 $0xF7A, s2;
	p2 =	seq.s32 @!p0 s5, $0x0  }
0x1f: {  	s9 =	smul.u32 $0xF7A, s1;
	s8 =	simm.s32 @!p0 $0x1BF5;
	p2 =	por !p2, p0  }
0x20: {  	[sflag:s8] =	ssyncset.s32 @!p0 $0xFFFFF086;
	s6 =	sadd.s32 @!p0 s3, s7;
	s7 =	simm.s32 @!p0 $0x108  }
0x21: {  	s3 =	sadd.s32 s3, s9;
	s6 =	sadd.s32 @!p0 $0x88, s6;
	s7 =	simm.s32 @p2 $0x1082  }
0x22: {  	[simem:s7], [sflag:s8] =	dma.local @!p0 [hbm:s6], $0xF7A  }
0x23: {  	s9 =	sor.u32 $0xD0000000, s2;
	s6 =	simm.s32 $0x108;
	_ =	swait.ge @!p0 [sflag:s8], $0x0  }
0x24: {  	s3 =	sadd.s32 $0x88, s3;
	s6 =	simm.s32 @!p1 $0x1082;
	[sflag:s4] =	ssyncset.s32 $0xFFFFF086  }
0x25: {  	[simem:s6], [sflag:s4] =	dma.local [hbm:s3], $0xF7A  }
0x26: {  	[smem:$0x3F87] =	sst s1;
	(tag) =	ssettag s2;
	_ =	strace s9  }
0x27: {  	s1 =	sld [smem:$0x3F97]  }
0x28: {  	s2 =	sld [smem:$0x3F98]  }
0x29: {  	s4 =	sld [smem:$0x3F9A]  }
0x2a: {  	p0 =	seq.s32 s5, $0x0;
	s5 =	sld [smem:$0x3F9B]  }
0x2b: {  	s6 =	sld [smem:$0x3F9C]  }
0x2c: {  	s7 =	sld [smem:$0x3F9D]  }
0x2d: {  	s3 =	simm.s32 $0x108;
	s8 =	sld [smem:$0x3F9E]  }
0x2e: {  	s3 =	simm.s32 @!p0 $0x1082;
	s9 =	sld [smem:$0x3F9F]  }
0x2f: {  	lr =	sadd.s32 s0, s3;
	s0 =	sld [smem:$0x3F96]  }
0x30: {  	s3 =	sld [smem:$0x3F99]  }
0x31: {  	[smem:$0x3FA2] =	sst s10  }
0x32: {  	s10 =	sld [smem:$0x3FA0];
	_ =	sdelay $0x3  }
0x33: {  	p0 =	seq.s32 s10, $0x1;
	s10 =	sld [smem:$0x3FA2];
	_ =	sdelay $0x3  }
0x34: {  	[smem:$0x3FA2] =	sst s10  }
0x35: {  	s10 =	sld [smem:$0x3FA1];
	_ =	sdelay $0x3  }
0x36: {  	p1 =	seq.s32 s10, $0x1;
	s10 =	sld [smem:$0x3FA2];
	_ =	sdelay $0x3  }
0x37: {  	[smem:$0x3FA2] =	sst s10  }
0x38: {  	s10 =	sld [smem:$0x3FA3]  }
0x39: {  	_ = 	snop;
	(pc) =	sbr.ind lr, $3  }
0x3a: {  	_ = 	snop  }
0x3b: {  	_ = 	snop  }
0x3c: {  	p2 =	seq.s32 s10, $0x1;
	s10 =	sld [smem:$0x3FA2]  }
0x3d: {  	_ =	shalt  }
0x3e: {  	_ =	shalt  }
0x3f: {  	_ =	shalt  }
0x40: {  	_ =	shalt  }
0x41: {  	_ =	shalt  }
0x42: {  	_ =	shalt  }
0x43: {  	_ =	shalt  }
0x44: {  	_ =	shalt  }
0x45: {  	_ =	shalt  }
0x46: {  	_ =	shalt  }
0x47: {  	_ =	shalt  }
0x48: {  	_ =	shalt  }
0x49: {  	_ =	shalt  }
0x4a: {  	_ =	shalt  }
0x4b: {  	_ =	shalt  }
0x4c: {  	_ =	shalt  }
0x4d: {  	_ =	shalt  }
0x4e: {  	_ =	shalt  }
0x4f: {  	_ =	shalt  }
0x50: {  	_ =	shalt  }
0x51: {  	_ =	shalt  }
0x52: {  	_ =	shalt  }
0x53: {  	_ =	shalt  }
0x54: {  	_ =	shalt  }
0x55: {  	_ =	shalt  }
0x56: {  	_ =	shalt  }
0x57: {  	_ =	shalt  }
0x58: {  	_ =	shalt  }
0x59: {  	_ =	shalt  }
0x5a: {  	_ =	shalt  }
0x5b: {  	_ =	shalt  }
0x5c: {  	_ =	shalt  }
0x5d: {  	_ =	shalt  }
0x5e: {  	_ =	shalt  }
0x5f: {  	_ =	shalt  }
0x60: {  	_ =	shalt  }
0x61: {  	_ =	shalt  }
0x62: {  	_ =	shalt  }
0x63: {  	_ =	shalt  }
0x64: {  	_ =	shalt  }
0x65: {  	_ =	shalt  }
0x66: {  	_ =	shalt  }
0x67: {  	_ =	shalt  }
0x68: {  	_ =	shalt  }
0x69: {  	_ =	shalt  }
0x6a: {  	_ =	shalt  }
0x6b: {  	_ =	shalt  }
0x6c: {  	_ =	shalt  }
0x6d: {  	_ =	shalt  }
0x6e: {  	_ =	shalt  }
0x6f: {  	_ =	shalt  }
0x70: {  	_ =	shalt  }
0x71: {  	_ =	shalt  }
0x72: {  	_ =	shalt  }
0x73: {  	_ =	shalt  }
0x74: {  	_ =	shalt  }
0x75: {  	_ =	shalt  }
0x76: {  	_ =	shalt  }
0x77: {  	_ =	shalt  }
0x78: {  	_ =	shalt  }
0x79: {  	_ =	shalt  }
0x7a: {  	_ =	shalt  }
0x7b: {  	_ =	shalt  }
0x7c: {  	_ =	shalt  }
0x7d: {  	_ =	shalt  }
0x7e: {  	_ =	shalt  }
0x7f: {  	_ =	shalt  }
0x80: {  	_ =	shalt  }
0x81: {  	_ =	shalt  }
0x82: {  	_ =	shalt  }
0x83: {  	_ =	shalt  }
0x84: {  	_ =	shalt  }
0x85: {  	_ =	shalt  }
0x86: {  	_ =	shalt  }
0x87: {  	_ =	shalt  }
.Lfunc_end0:
.L_simem_size_0:
called_computation.2_lowered:
.L_overlay_start_0:
0x88: {  	s2 =	sld [smem:$0x3FD9]  }
0x89: {  	s3 =	sld [smem:$0x3FFE];
	_ =	sdelay $0x1  }
0x8a: {  	s1 =	srdreg.scid  }
0x8b: {  	s0 =	sand.u32 $0x1, s1  }
0x8c: {  	s17 =	sshll.u32 s0, $0xA;
	s2 =	sadd.s32 s3, s2  }
0x8d: {  	s2 =	sadd.s32 s2, s17  }
0x8e: {  	[smem:$0x3FAE] =	sst s2  }
0x8f: {  	_ = 	snop  }
0x90: {  	s2 =	sld [smem:$0x3FD0];
	(tm) =	ssettm $0x1  }
0x91: {  	s18 =	sld [smem:$0x3FFB];
	_ =	sdelay $0x3  }
0x92: {  	_ =	strace s18  }
0x93: {  	s3 =	sld [smem:$0x3FFC];
	_ =	sdelay $0x3  }
0x94: {  	_ =	strace s3  }
0x95: {  	s3 =	sld [smem:$0x3FFD];
	_ =	sdelay $0x3  }
0x96: {  	_ =	strace s3  }
0x97: {  	_ =	strace $0x8FFFFFFF  }
0x98: {  	s19 =	sld [smem:$0x3FDB];
	_ =	sdelay $0x1  }
0x99: {  	s4 =	simm.s32 $_scs_section_size  }
0x9a: {  	s5 =	simm.s32 $_size__tile_overlayer_lowered;
	s6 =	simm.s32 $_tile_overlayer_lowered  }
0x9b: {  	s22 =	simm.s32 $0x1BFF;
	s21 =	sshll.u32 s6, $0x1;
	s3 =	sadd.s32 s4, s19  }
0x9c: {  	s7 =	simm.s32 $0x0;
	s20 =	sshll.u32 s5, $0x1;
	s5 =	sadd.s32 s21, s3  }
0x9d: {  	[timem:s7], [sflag:s22] =	dma.local [hbm:s5], s20  }
0x9e: {  	_ =	swait.ge [sflag:s22], s20  }
0x9f: {  	s4 =	ssub.s32 $0x0, s20;
	[sflag:s22] =	ssyncset.done $0x0  }
0xa0: {  	[sflag:s22] =	ssyncadd.s32 s4;
	_ =	sdelay $0x1  }
0xa1: {  	s23 =	simm.s32 $0x1B8B  }
0xa2: {  	_ =	swait.ge [sflag:s23], $0x1  }
0xa3: {  	[sflag:s23] =	ssyncset.done $0x0  }
0xa4: {  	s25 =	simm.s32 $0x1B8E;
	s24 =	sld [smem:$0x3FFE];
	[sflag:s23] =	ssyncadd.s32 $0xFFFFFFFF  }
0xa5: {  	s26 =	simm.s32 $execute0_lowered;
	[smem:$0x3FD2] =	sst s25  }
0xa6: {  	s5 =	sshll.u32 s26, $0x1;
	_ =	strace $0x8000004C;
	[dreg:$0x1] =	wrdreg $0xFFFFFFFF  }
0xa7: {  	s28 =	simm.s32 $_size_execute0_lowered;
	s3 =	sadd.s32 s3, s5;
	[dreg:$0x0] =	wrdreg $0x0  }
0xa8: {  	s5 =	sshll.u32 s28, $0x1;
	[dreg:$0x2] =	wrdreg s3  }
0xa9: {  	[dreg:$0x3] =	wrdreg s5  }
0xaa: {  	[dreg:$0x4] =	wrdreg $0xC0  }
0xab: {  	_ =	task [dreg:s7], $0x5FFFF  }
0xac: {  	[dreg:$0x1] =	wrdreg $0xFFFFFFFF  }
0xad: {  	[dreg:$0x0] =	wrdreg $0x60  }
0xae: {  	[dreg:$0x2] =	wrdreg s24  }
0xaf: {  	[dreg:$0x3] =	wrdreg s2  }
0xb0: {  	[dreg:$0x4] =	wrdreg $0xC6200  }
0xb1: {  	[dreg:$0x5] =	wrdreg $0xA  }
0xb2: {  	_ =	task.clear_ibuf [dreg:s7], $0x6FFFF;
	_ =	strace $0x9000004C  }
0xb3: {  	s29 =	simm.s32 $0xA;
	_ =	strace $0x8000004E  }
0xb4: {  	_ =	swait.ge [sflag:s29], $0x1  }
0xb5: {  	[sflag:s29] =	ssyncadd.s32 $0xFFFFFFFF  }
0xb6: {  	_ =	strace $0x9000004E  }
0xb7: {  	_ =	sfence  }
0xb8: {  	s30 =	sld [smem:$0x0];
	_ =	sdelay $0x2  }
0xb9: {  	s31 =	sshll.u32 s1, $0xD;
	s1 =	sshrl.u32 s1, $0x2  }
0xba: {  	s3 =	sand.u32 $0x4000, s31;
	s1 =	sadd.s32 s1, s30  }
0xbb: {  	s0 =	sor.u32 s3, s0;
	s1 =	sshll.u32 s1, $0x11  }
0xbc: {  	s0 =	sor.u32 s1, s0  }
0xbd: {  	s0 =	sadd.s32 $0x8F2B, s0  }
0xbe: {  	[sflag:s0] =	ssyncadd.remote.s32 $0x1  }
0xbf: {  	_ =	sfence.sel $0xFFFF  }
0xc0: {  	[dreg:$0x0] =	wrdreg $0xFFFFFFFF;
	(pc) =	sbr.abs _section_cstart, $3  }
0xc1: {  	[dreg:$0x1] =	wrdreg $0xFFFFFFFF  }
0xc2: {  	_ =	task.clear_ibuf [dreg:s7], $0x2FFFF;
	_ =	strace $0x9FFFFFFF  }
0xc3: {  	(tm) =	ssettm $0x7FFFFFFF  }
tec
execute0_lowered:
.L_overlay_start_1:
0x0: {  	(tag) =	ssettag $0x1  }
0x1: {  	s0 =	rddreg [dreg:$0x0]  }
0x2: {  	s2 =	rddreg [dreg:$0x1]  }
0x3: {  	s3 =	rddreg [dreg:$0x2]  }
0x4: {  	s4 =	srdreg.scid;
	s1 =	stileid.u32;
	s11 =	simm.s32 $0x2710  }
0x5: {  	s14 =	simm.s32 $0x50;
	s15 =	simm.s32 $0x4E20;
	s16 =	simm.s32 $0x7620  }
0x6: {  	s17 =	simm.s32 $0xA0;
	s18 =	simm.s32 $0x9E20;
	s19 =	simm.s32 $0x1  }
0x7: {  	s20 =	simm.s32 $0x2;
	s21 =	simm.s32 $0x3;
	s22 =	simm.s32 $0x4C90  }
0x8: {  	s23 =	simm.s32 $0x2670;
	s24 =	simm.s32 $0x4CE0;
	s25 =	simm.s32 $0x26C0  }
0x9: {  	s28 =	simm.s32 $0x4D80;
	s29 =	simm.s32 $0x4DD0;
	s30 =	simm.s32 $0x0  }
0xa: {  	s6 =	sand.u32 $0x1, s4;
	s8 =	smul.u32 $0x13900, s1;
	s4 =	simm.s32 $0x0  }
0xb: {  	s31 =	sshll.u32 s1, $0x6;
	s5 =	sshll.u32 s6, $0x4;
	s7 =	smul.u32 $0x139000, s6  }
0xc: {  	[smem:$0x7FF] =	sst s4;
	s6 =	ssub.s32 $0x2, s6;
	s12 =	sor.u32 $0x1C04, s31  }
0xd: {  	s5 =	sor.u32 s1, s5;
	_ =	strace $0x8000004D;
	s26 =	sshrl.u32 s6, $0x1  }
0xe: {  	s13 =	sadd.s32 s8, s3;
	s9 =	smul.u32 $0x4E2, s5;
	s7 =	sadd.s32 s8, s7  }
0xf: {  	s5 =	sadd.s32 $0x19400, s0;
	s10 =	ssub.s32 s6, s26;
	s13 =	sshrl.u32 s13, $0x3  }
0x10: {  	s26 =	simm.s32 $0x4D30;
	s7 =	sshrl.u32 s7, $0x3;
	s9 =	sadd.s32 s9, s0  }
0x11: {  	s0 =	sadd.s32 s7, s0;
	s6 =	sadd.s32 $0x5800, s9;
	s7 =	sadd.s32 $0xF600, s9  }
0x12: {  	s8 =	sadd.s32 $0x67800, s0;
	s9 =	smax.u32 s10, $0x1;
	s10 =	simm.s32 $0x4  }
.LBB2_1:
0x13: {  	[tilespmem:s4], [sflag:$0x4] =	stream.linear.gather [hbm4b:s6+s4], $0x2710, $0x38;
	[tilespmem:$0x1FF20] =	vst v63  }
0x14: {  	_ =	swait.ge [sflag:s10], $0x2710  }
0x15: {  	[sflag:s10] =	ssyncset.done $0x0  }
0x16: {  	[sflag:s10] =	ssyncadd.s32 $0xFFFFD8F0  }
0x17: {  	[tilespmem:s11], [sflag:$0x4] =	stream.linear.gather [hbm4b:s7+s4], $0x2710, $0x38;
	[tilespmem:$0x1FF20] =	vst v63  }
0x18: {  	_ =	swait.ge [sflag:s10], $0x2710  }
0x19: {  	[sflag:s10] =	ssyncset.done $0x0  }
0x1a: {  	[sflag:s10] =	ssyncadd.s32 $0xFFFFD8F0  }
0x1b: {  	[spmem:s13], [sflag:s12] =	dma.local [hbm:s2], $0x2720  }
0x1c: {  	_ =	swait.ge [sflag:s10], $0x2720  }
0x1d: {  	[sflag:s10] =	ssyncset.done $0x0  }
0x1e: {  	[sflag:s10] =	ssyncadd.s32 $0xFFFFD8E0  }
0x1f: {  	[bflag:$0x0] =	sbarrier.arrive $0xFFFF  }
0x20: {  	[tilespmem:s15], [sflag:$0x1] =	stream.indirect.gather [hbm4b:s5+s14], $0x80, s4, s14, $0xb8;
	[tilespmem:$0x1FF20] =	vst v63  }
0x21: {  	_ = 	snop  }
0x22: {  	[tilespmem:s16], [sflag:$0x2] =	stream.indirect.gather [hbm4b:s5+s14], $0x80, s14, s14, $0xb8;
	[tilespmem:$0x1FF20] =	vst v63  }
0x23: {  	_ = 	snop  }
0x24: {  	[tilespmem:s18], [sflag:$0x3] =	stream.indirect.gather [hbm4b:s5+s14], $0x80, s17, s14, $0xb8;
	[tilespmem:$0x1FF20] =	vst v63  }
0x25: {  	_ =	swait.ge [sflag:s19], $0x2800  }
0x26: {  	[sflag:s19] =	ssyncset.done $0x0  }
0x27: {  	s0 =	simm.s32 $0x2710;
	[sflag:s19] =	ssyncadd.s32 $0xFFFFD800  }
0x28: {  	[spmem:s3] =	stream.indirect.scatter.add.f32 [tilespmem:s15], [sflag:$0x4], $0x80, s0, s14, $0xb8;
	[tilespmem:$0x1FF20] =	vst v63  }
0x29: {  	_ =	swait.ge [sflag:s10], $0x2800  }
0x2a: {  	[sflag:s10] =	ssyncset.done $0x0  }
0x2b: {  	s1 =	simm.s32 $0xF0;
	[sflag:s10] =	ssyncadd.s32 $0xFFFFD800  }
0x2c: {  	[tilespmem:s15], [sflag:$0x1] =	stream.indirect.gather [hbm4b:s5+s14], $0x80, s1, s14, $0xb8;
	[tilespmem:$0x1FF20] =	vst v63  }
0x2d: {  	_ =	swait.ge [sflag:s20], $0x2800  }
0x2e: {  	[sflag:s20] =	ssyncset.done $0x0  }
0x2f: {  	s1 =	simm.s32 $0x2760;
	[sflag:s20] =	ssyncadd.s32 $0xFFFFD800  }
0x30: {  	[spmem:s3] =	stream.indirect.scatter.add.f32 [tilespmem:s16], [sflag:$0x4], $0x80, s1, s14, $0xb8;
	[tilespmem:$0x1FF20] =	vst v63  }
0x31: {  	_ =	swait.ge [sflag:s10], $0x2800  }
0x32: {  	[sflag:s10] =	ssyncset.done $0x0  }
0x33: {  	s1 =	simm.s32 $0x140;
	[sflag:s10] =	ssyncadd.s32 $0xFFFFD800  }
0x34: {  	[tilespmem:s16], [sflag:$0x2] =	stream.indirect.gather [hbm4b:s5+s14], $0x80, s1, s14, $0xb8;
	[tilespmem:$0x1FF20] =	vst v63  }
0x35: {  	_ =	swait.ge [sflag:s21], $0x2800  }
0x36: {  	[sflag:s21] =	ssyncset.done $0x0  }
0x37: {  	s1 =	simm.s32 $0x27B0;
	[sflag:s21] =	ssyncadd.s32 $0xFFFFD800  }
0x38: {  	[spmem:s3] =	stream.indirect.scatter.add.f32 [tilespmem:s18], [sflag:$0x4], $0x80, s1, s14, $0xb8;
	[tilespmem:$0x1FF20] =	vst v63  }
0x39: {  	_ =	swait.ge [sflag:s10], $0x2800  }
0x3a: {  	[sflag:s10] =	ssyncset.done $0x0  }
0x3b: {  	s31 =	simm.s32 $0x3C0;
	s0 =	simm.s32 $0x190;
	[sflag:s10] =	ssyncadd.s32 $0xFFFFD800  }
.LBB2_2:
0x3c: {  	[tilespmem:s18], [sflag:$0x3] =	stream.indirect.gather [hbm4b:s5+s14], $0x80, s0, s14, $0xb8;
	[tilespmem:$0x1FF20] =	vst v63  }
0x3d: {  	s0 =	smov.u32 s31  }
0x3e: {  	p0 =	sne.s32 s31, $0x9240;
	s31 =	sadd.s32 $0x3C0, s31;
	_ =	swait.ge [sflag:s19], $0x2800  }
0x3f: {  	s0 =	sshra.s32 s0, $0x2;
	[sflag:s19] =	ssyncset.done $0x0  }
0x40: {  	s1 =	sadd.s32 $0x2710, s0;
	[sflag:s19] =	ssyncadd.s32 $0xFFFFD800  }
0x41: {  	[spmem:s3] =	stream.indirect.scatter.add.f32 [tilespmem:s15], [sflag:$0x4], $0x80, s1, s14, $0xb8;
	[tilespmem:$0x1FF20] =	vst v63  }
0x42: {  	_ =	swait.ge [sflag:s10], $0x2800  }
0x43: {  	[sflag:s10] =	ssyncset.done $0x0  }
0x44: {  	s1 =	sadd.s32 $0xF0, s0;
	[sflag:s10] =	ssyncadd.s32 $0xFFFFD800  }
0x45: {  	[tilespmem:s15], [sflag:$0x1] =	stream.indirect.gather [hbm4b:s5+s14], $0x80, s1, s14, $0xb8;
	[tilespmem:$0x1FF20] =	vst v63  }
0x46: {  	_ =	swait.ge [sflag:s20], $0x2800  }
0x47: {  	[sflag:s20] =	ssyncset.done $0x0  }
0x48: {  	s1 =	sadd.s32 $0x2760, s0;
	[sflag:s20] =	ssyncadd.s32 $0xFFFFD800  }
0x49: {  	[spmem:s3] =	stream.indirect.scatter.add.f32 [tilespmem:s16], [sflag:$0x4], $0x80, s1, s14, $0xb8;
	[tilespmem:$0x1FF20] =	vst v63  }
0x4a: {  	_ =	swait.ge [sflag:s10], $0x2800  }
0x4b: {  	[sflag:s10] =	ssyncset.done $0x0  }
0x4c: {  	s1 =	sadd.s32 $0x140, s0;
	[sflag:s10] =	ssyncadd.s32 $0xFFFFD800  }
0x4d: {  	[tilespmem:s16], [sflag:$0x2] =	stream.indirect.gather [hbm4b:s5+s14], $0x80, s1, s14, $0xb8;
	[tilespmem:$0x1FF20] =	vst v63  }
0x4e: {  	_ =	swait.ge [sflag:s21], $0x2800  }
0x4f: {  	[sflag:s21] =	ssyncset.done $0x0  }
.Ltmp0:
0x50: {  	s1 =	sadd.s32 $0x27B0, s0;
	[sflag:s21] =	ssyncadd.s32 $0xFFFFD800;
	(pc) =	sbr.rel @p0 .LBB2_2-.Ltmp0, $4  }
0x51: {  	[spmem:s3] =	stream.indirect.scatter.add.f32 [tilespmem:s18], [sflag:$0x4], $0x80, s1, s14, $0xb8;
	[tilespmem:$0x1FF20] =	vst v63  }
0x52: {  	_ =	swait.ge [sflag:s10], $0x2800  }
0x53: {  	[sflag:s10] =	ssyncset.done $0x0  }
0x54: {  	s0 =	sadd.s32 $0x190, s0;
	[sflag:s10] =	ssyncadd.s32 $0xFFFFD800  }
0x55: {  	[tilespmem:s18], [sflag:$0x3] =	stream.indirect.gather [hbm4b:s5+s14], $0x80, s0, s14, $0xb8;
	[tilespmem:$0x1FF20] =	vst v63  }
0x56: {  	_ =	swait.ge [sflag:s19], $0x2800  }
0x57: {  	[sflag:s19] =	ssyncset.done $0x0  }
0x58: {  	[sflag:s19] =	ssyncadd.s32 $0xFFFFD800  }
0x59: {  	[spmem:s3] =	stream.indirect.scatter.add.f32 [tilespmem:s15], [sflag:$0x4], $0x80, s22, s14, $0xb8;
	[tilespmem:$0x1FF20] =	vst v63  }
0x5a: {  	_ =	swait.ge [sflag:s10], $0x2800  }
0x5b: {  	[sflag:s10] =	ssyncset.done $0x0  }
0x5c: {  	[sflag:s10] =	ssyncadd.s32 $0xFFFFD800  }
0x5d: {  	[tilespmem:s15], [sflag:$0x1] =	stream.indirect.gather [hbm4b:s5+s14], $0x80, s23, s14, $0xb8;
	[tilespmem:$0x1FF20] =	vst v63  }
0x5e: {  	_ =	swait.ge [sflag:s20], $0x2800  }
0x5f: {  	[sflag:s20] =	ssyncset.done $0x0  }
0x60: {  	[sflag:s20] =	ssyncadd.s32 $0xFFFFD800  }
0x61: {  	[spmem:s3] =	stream.indirect.scatter.add.f32 [tilespmem:s16], [sflag:$0x4], $0x80, s24, s14, $0xb8;
	[tilespmem:$0x1FF20] =	vst v63  }
0x62: {  	_ =	swait.ge [sflag:s10], $0x2800  }
0x63: {  	[sflag:s10] =	ssyncset.done $0x0  }
0x64: {  	[sflag:s10] =	ssyncadd.s32 $0xFFFFD800  }
0x65: {  	[tilespmem:s16], [sflag:$0x2] =	stream.indirect.gather [hbm4b:s5+s14], $0x80, s25, s14, $0xb8;
	[tilespmem:$0x1FF20] =	vst v63  }
0x66: {  	_ =	swait.ge [sflag:s21], $0x2800  }
0x67: {  	[sflag:s21] =	ssyncset.done $0x0  }
0x68: {  	[sflag:s21] =	ssyncadd.s32 $0xFFFFD800  }
0x69: {  	[spmem:s3] =	stream.indirect.scatter.add.f32 [tilespmem:s18], [sflag:$0x4], $0x80, s26, s14, $0xb8;
	[tilespmem:$0x1FF20] =	vst v63  }
0x6a: {  	_ =	swait.ge [sflag:s10], $0x2800  }
0x6b: {  	[sflag:s10] =	ssyncset.done $0x0  }
0x6c: {  	[sflag:s10] =	ssyncadd.s32 $0xFFFFD800  }
0x6d: {  	_ =	swait.ge [sflag:s19], $0x2800  }
0x6e: {  	[sflag:s19] =	ssyncset.done $0x0  }
0x6f: {  	[sflag:s19] =	ssyncadd.s32 $0xFFFFD800  }
0x70: {  	[spmem:s3] =	stream.indirect.scatter.add.f32 [tilespmem:s15], [sflag:$0x4], $0x80, s28, s14, $0xb8;
	[tilespmem:$0x1FF20] =	vst v63  }
0x71: {  	_ =	swait.ge [sflag:s10], $0x2800  }
0x72: {  	[sflag:s10] =	ssyncset.done $0x0  }
0x73: {  	[sflag:s10] =	ssyncadd.s32 $0xFFFFD800  }
0x74: {  	_ =	swait.ge [sflag:s20], $0x2800  }
0x75: {  	[sflag:s20] =	ssyncset.done $0x0  }
0x76: {  	[sflag:s20] =	ssyncadd.s32 $0xFFFFD800  }
0x77: {  	[spmem:s3] =	stream.indirect.scatter.add.f32 [tilespmem:s16], [sflag:$0x4], $0x80, s29, s14, $0xb8;
	[tilespmem:$0x1FF20] =	vst v63  }
0x78: {  	_ =	swait.ge [sflag:s10], $0x2800  }
0x79: {  	s30 =	sadd.s32 $0x1, s30;
	[sflag:s10] =	ssyncset.done $0x0  }
0x7a: {  	p0 =	sne.s32 s30, s9;
	[sflag:s10] =	ssyncadd.s32 $0xFFFFD800  }
.Ltmp1:
0x7b: {  	[bflag:$0x0] =	sbarrier.arrive $0xFFFF;
	(pc) =	sbr.rel @p0 .LBB2_1-.Ltmp1, $4  }
0x7c: {  	[hbm:s8], [sflag:s12] =	dma.local [spmem:s13], $0x2720  }
0x7d: {  	_ =	swait.ge [sflag:s10], $0x2720  }
0x7e: {  	[sflag:s10] =	ssyncset.done $0x0  }
0x7f: {  	[sflag:s10] =	ssyncadd.s32 $0xFFFFD8E0  }
0x80: {  	_ =	sfence.sel $0x180000  }
0x81: {  	[bflag:$0x0] =	sbarrier.arrive $0xFFFF  }
0x82: {  	_ =	strace $0x9000004D  }
0x83: {  	s0 =	stileid.u32;
	[bflag:$0x2] =	sbarrier.arrive $0xFFFF  }
0x84: {  	p0 =	sne.s32 s0, $0x0;
	s0 =	rddreg [dreg:$0x3]  }
0x85: {  	s0 =	sadd.s32 @!p0 $0x100000, s0  }
0x86: {  	[sflag:s0] =	ssyncadd.tile.s32 @!p0 $0x1;
	_ =	shalt  }
.Lfunc_end2:
_tile_overlayer_lowered:
.L_overlay_start_2:
0x87: {  	(tag) =	ssettag $0x2  }
0x88: {  	s0 =	rddreg [dreg:$0x0];
	s2 =	stileid.u32  }
0x89: {  	s1 =	rddreg [dreg:$0x1];
	p0 =	sne.s32 s2, $0x0  }
0x8a: {  	s3 =	rddreg [dreg:$0x2];
	[bflag:$0x3] =	sbarrier.arrive $0xFFFF;
	s2 =	simm.s32 @!p0 $0x1C04  }
0x8b: {  	[timem:s3], [sflag:s2] =	dma.local @!p0 [hbm:s0], s1  }
0x8c: {  	s0 =	simm.s32 @!p0 $0x4  }
0x8d: {  	_ =	swait.ge @!p0 [sflag:s0], s1  }
0x8e: {  	s1 =	ssub.s32 @!p0 $0x0, s1;
	[sflag:s0] =	ssyncset.done @!p0 $0x0  }
0x8f: {  	[sflag:s0] =	ssyncadd.s32 @!p0 s1  }
0x90: {  	[bflag:$0x3] =	sbarrier.arrive $0xFFFF  }
0x91: {  	_ =	shalt  }

// kernel: kernel.20.cloned.1.call-start
scs
__scs_entry_jumppad:
0x0: {  	(pc) =	sbr.rel $0x88, $3  }
0x1: {  	(tag) =	ssettag $0x0;
	lr =	simm.s32 $0x1  }
0x2: {  	[smem:$0x3F87] =	sst lr;
	_ =	strace $0xD0000000  }
0x3: {  	_ = 	snop  }
0x4: {  	_ = 	snop  }
0x5: {  	_ = 	snop  }
0x6: {  	_ = 	snop  }
0x7: {  	_ = 	snop  }
__scs_overlays_trampoline_lowered:
0x8: {  	[smem:$0x3F96] =	sst s0  }
0x9: {  	[smem:$0x3F97] =	sst s1  }
0xa: {  	[smem:$0x3F98] =	sst s2  }
0xb: {  	[smem:$0x3F99] =	sst s3  }
0xc: {  	[smem:$0x3F9A] =	sst s4  }
0xd: {  	[smem:$0x3F9B] =	sst s5  }
0xe: {  	[smem:$0x3F9C] =	sst s6  }
0xf: {  	[smem:$0x3F9D] =	sst s7  }
0x10: {  	[smem:$0x3F9E] =	sst s8  }
0x11: {  	[smem:$0x3F9F] =	sst s9;
	s0 =	simm.s32 @!p0 $0x0  }
0x12: {  	s1 =	sld [smem:$0x3F85];
	s0 =	simm.s32 @p0 $0x1  }
0x13: {  	[smem:$0x3FA0] =	sst s0;
	s0 =	simm.s32 @!p1 $0x0  }
0x14: {  	s2 =	sld [smem:$0x3F84];
	s0 =	simm.s32 @p1 $0x1  }
0x15: {  	[smem:$0x3FA1] =	sst s0;
	s0 =	simm.s32 @!p2 $0x0  }
0x16: {  	s3 =	sld [smem:$0x3FDB];
	s0 =	simm.s32 @p2 $0x1  }
0x17: {  	s4 =	simm.s32 $0x1BF5;
	[smem:$0x3FA3] =	sst s0  }
0x18: {  	s0 =	sld [smem:$0x3F86];
	_ =	swait.ge [sflag:s4], $0x0  }
0x19: {  	s7 =	sld [smem:$0x3F87]  }
0x1a: {  	s8 =	sadd.s32 $0xFFFFE003, lr  }
0x1b: {  	s9 =	sadd.s32 $0xFFFFFEF7, lr;
	s5 =	simm.s32 $0xFFFFFFFF;
	p2 =	slt.u32 s8, $0xFFFFF086  }
0x1c: {  	p1 =	slt.u32 s9, $0xF7A;
	s5 =	simm.s32 @!p2 $0x0  }
0x1d: {  	s5 =	simm.s32 @p1 $0x1;
	p0 =	seq.s32 s7, s2  }
0x1e: {  	s7 =	smul.u32 @!p0 $0xF7A, s2;
	p2 =	seq.s32 @!p0 s5, $0x0  }
0x1f: {  	s9 =	smul.u32 $0xF7A, s1;
	s8 =	simm.s32 @!p0 $0x1BF5;
	p2 =	por !p2, p0  }
0x20: {  	[sflag:s8] =	ssyncset.s32 @!p0 $0xFFFFF086;
	s6 =	sadd.s32 @!p0 s3, s7;
	s7 =	simm.s32 @!p0 $0x108  }
0x21: {  	s3 =	sadd.s32 s3, s9;
	s6 =	sadd.s32 @!p0 $0x88, s6;
	s7 =	simm.s32 @p2 $0x1082  }
0x22: {  	[simem:s7], [sflag:s8] =	dma.local @!p0 [hbm:s6], $0xF7A  }
0x23: {  	s9 =	sor.u32 $0xD0000000, s2;
	s6 =	simm.s32 $0x108;
	_ =	swait.ge @!p0 [sflag:s8], $0x0  }
0x24: {  	s3 =	sadd.s32 $0x88, s3;
	s6 =	simm.s32 @!p1 $0x1082;
	[sflag:s4] =	ssyncset.s32 $0xFFFFF086  }
0x25: {  	[simem:s6], [sflag:s4] =	dma.local [hbm:s3], $0xF7A  }
0x26: {  	[smem:$0x3F87] =	sst s1;
	(tag) =	ssettag s2;
	_ =	strace s9  }
0x27: {  	s1 =	sld [smem:$0x3F97]  }
0x28: {  	s2 =	sld [smem:$0x3F98]  }
0x29: {  	s4 =	sld [smem:$0x3F9A]  }
0x2a: {  	p0 =	seq.s32 s5, $0x0;
	s5 =	sld [smem:$0x3F9B]  }
0x2b: {  	s6 =	sld [smem:$0x3F9C]  }
0x2c: {  	s7 =	sld [smem:$0x3F9D]  }
0x2d: {  	s3 =	simm.s32 $0x108;
	s8 =	sld [smem:$0x3F9E]  }
0x2e: {  	s3 =	simm.s32 @!p0 $0x1082;
	s9 =	sld [smem:$0x3F9F]  }
0x2f: {  	lr =	sadd.s32 s0, s3;
	s0 =	sld [smem:$0x3F96]  }
0x30: {  	s3 =	sld [smem:$0x3F99]  }
0x31: {  	[smem:$0x3FA2] =	sst s10  }
0x32: {  	s10 =	sld [smem:$0x3FA0];
	_ =	sdelay $0x3  }
0x33: {  	p0 =	seq.s32 s10, $0x1;
	s10 =	sld [smem:$0x3FA2];
	_ =	sdelay $0x3  }
0x34: {  	[smem:$0x3FA2] =	sst s10  }
0x35: {  	s10 =	sld [smem:$0x3FA1];
	_ =	sdelay $0x3  }
0x36: {  	p1 =	seq.s32 s10, $0x1;
	s10 =	sld [smem:$0x3FA2];
	_ =	sdelay $0x3  }
0x37: {  	[smem:$0x3FA2] =	sst s10  }
0x38: {  	s10 =	sld [smem:$0x3FA3]  }
0x39: {  	_ = 	snop;
	(pc) =	sbr.ind lr, $3  }
0x3a: {  	_ = 	snop  }
0x3b: {  	_ = 	snop  }
0x3c: {  	p2 =	seq.s32 s10, $0x1;
	s10 =	sld [smem:$0x3FA2]  }
0x3d: {  	_ =	shalt  }
0x3e: {  	_ =	shalt  }
0x3f: {  	_ =	shalt  }
0x40: {  	_ =	shalt  }
0x41: {  	_ =	shalt  }
0x42: {  	_ =	shalt  }
0x43: {  	_ =	shalt  }
0x44: {  	_ =	shalt  }
0x45: {  	_ =	shalt  }
0x46: {  	_ =	shalt  }
0x47: {  	_ =	shalt  }
0x48: {  	_ =	shalt  }
0x49: {  	_ =	shalt  }
0x4a: {  	_ =	shalt  }
0x4b: {  	_ =	shalt  }
0x4c: {  	_ =	shalt  }
0x4d: {  	_ =	shalt  }
0x4e: {  	_ =	shalt  }
0x4f: {  	_ =	shalt  }
0x50: {  	_ =	shalt  }
0x51: {  	_ =	shalt  }
0x52: {  	_ =	shalt  }
0x53: {  	_ =	shalt  }
0x54: {  	_ =	shalt  }
0x55: {  	_ =	shalt  }
0x56: {  	_ =	shalt  }
0x57: {  	_ =	shalt  }
0x58: {  	_ =	shalt  }
0x59: {  	_ =	shalt  }
0x5a: {  	_ =	shalt  }
0x5b: {  	_ =	shalt  }
0x5c: {  	_ =	shalt  }
0x5d: {  	_ =	shalt  }
0x5e: {  	_ =	shalt  }
0x5f: {  	_ =	shalt  }
0x60: {  	_ =	shalt  }
0x61: {  	_ =	shalt  }
0x62: {  	_ =	shalt  }
0x63: {  	_ =	shalt  }
0x64: {  	_ =	shalt  }
0x65: {  	_ =	shalt  }
0x66: {  	_ =	shalt  }
0x67: {  	_ =	shalt  }
0x68: {  	_ =	shalt  }
0x69: {  	_ =	shalt  }
0x6a: {  	_ =	shalt  }
0x6b: {  	_ =	shalt  }
0x6c: {  	_ =	shalt  }
0x6d: {  	_ =	shalt  }
0x6e: {  	_ =	shalt  }
0x6f: {  	_ =	shalt  }
0x70: {  	_ =	shalt  }
0x71: {  	_ =	shalt  }
0x72: {  	_ =	shalt  }
0x73: {  	_ =	shalt  }
0x74: {  	_ =	shalt  }
0x75: {  	_ =	shalt  }
0x76: {  	_ =	shalt  }
0x77: {  	_ =	shalt  }
0x78: {  	_ =	shalt  }
0x79: {  	_ =	shalt  }
0x7a: {  	_ =	shalt  }
0x7b: {  	_ =	shalt  }
0x7c: {  	_ =	shalt  }
0x7d: {  	_ =	shalt  }
0x7e: {  	_ =	shalt  }
0x7f: {  	_ =	shalt  }
0x80: {  	_ =	shalt  }
0x81: {  	_ =	shalt  }
0x82: {  	_ =	shalt  }
0x83: {  	_ =	shalt  }
0x84: {  	_ =	shalt  }
0x85: {  	_ =	shalt  }
0x86: {  	_ =	shalt  }
0x87: {  	_ =	shalt  }
.Lfunc_end0:
.L_simem_size_0:
called_computation.3_lowered:
.L_overlay_start_0:
0x88: {  	s2 =	sld [smem:$0x3FD9]  }
0x89: {  	s3 =	sld [smem:$0x3FFE];
	_ =	sdelay $0x1  }
0x8a: {  	s1 =	srdreg.scid  }
0x8b: {  	s0 =	sand.u32 $0x1, s1  }
0x8c: {  	s17 =	sshll.u32 s0, $0xA;
	s2 =	sadd.s32 s3, s2  }
0x8d: {  	s2 =	sadd.s32 s2, s17  }
0x8e: {  	[smem:$0x3FAE] =	sst s2  }
0x8f: {  	_ = 	snop  }
0x90: {  	(tm) =	ssettm $0x1  }
0x91: {  	s18 =	sld [smem:$0x3FFB];
	_ =	sdelay $0x3  }
0x92: {  	_ =	strace s18  }
0x93: {  	s2 =	sld [smem:$0x3FFC];
	_ =	sdelay $0x3  }
0x94: {  	_ =	strace s2  }
0x95: {  	s2 =	sld [smem:$0x3FFD];
	_ =	sdelay $0x3  }
0x96: {  	_ =	strace s2  }
0x97: {  	_ =	strace $0x8FFFFFFF  }
0x98: {  	s19 =	sld [smem:$0x3FDB];
	_ =	sdelay $0x1  }
0x99: {  	s20 =	simm.s32 $_scs_section_size  }
0x9a: {  	s4 =	simm.s32 $_size__tile_overlayer_lowered;
	s5 =	simm.s32 $_tile_overlayer_lowered  }
0x9b: {  	s6 =	simm.s32 $0x1BFF;
	s21 =	sshll.u32 s5, $0x1;
	s3 =	sadd.s32 s20, s19  }
0x9c: {  	s22 =	simm.s32 $0x0;
	s4 =	sshll.u32 s4, $0x1;
	s5 =	sadd.s32 s21, s3  }
0x9d: {  	[timem:s22], [sflag:s6] =	dma.local [hbm:s5], s4  }
0x9e: {  	_ =	swait.ge [sflag:s6], s4  }
0x9f: {  	s4 =	ssub.s32 $0x0, s4;
	[sflag:s6] =	ssyncset.done $0x0  }
0xa0: {  	[sflag:s6] =	ssyncadd.s32 s4;
	_ =	sdelay $0x1  }
0xa1: {  	s23 =	simm.s32 $0x1B8B  }
0xa2: {  	_ =	swait.ge [sflag:s23], $0x1  }
0xa3: {  	[sflag:s23] =	ssyncset.done $0x0  }
0xa4: {  	[sflag:s23] =	ssyncadd.s32 $0xFFFFFFFF  }
0xa5: {  	s4 =	sld [smem:$0x0]  }
0xa6: {  	s5 =	sand.u32 $0xFFFFFFFE, s1  }
0xa7: {  	p0 =	sne.s32 s1, s5  }
0xa8: {  	s5 =	sshll.u32 @p0 s5, $0xE  }
0xa9: {  	s5 =	sadd.s32 @p0 $0x11B8D, s5;
	s6 =	sshll.u32 @p0 s4, $0x11  }
0xaa: {  	s5 =	sor.u32 @p0 s6, s5  }
0xab: {  	[sflag:s5] =	ssyncadd.remote.s32 @p0 $0x1;
	_ =	sdelay $0x1  }
0xac: {  	s5 =	simm.s32 @p0 $0x1B8D  }
0xad: {  	_ =	swait.eq @p0 [sflag:s5], $0x1  }
0xae: {  	[sflag:s5] =	ssyncadd.s32 @p0 $0xFFFFFFFF  }
0xaf: {  	s6 =	sshll.u32 @!p0 s1, $0xE  }
0xb0: {  	s6 =	sor.u32 @!p0 $0x4000, s6;
	s5 =	simm.s32 @!p0 $0x1B8D  }
0xb1: {  	s4 =	sshll.u32 @!p0 s4, $0x11;
	s6 =	sadd.s32 @!p0 $0x11B8D, s6;
	_ =	swait.eq @!p0 [sflag:s5], $0x1  }
0xb2: {  	s4 =	sor.u32 @!p0 s4, s6;
	[sflag:s5] =	ssyncadd.s32 @!p0 $0xFFFFFFFF  }
0xb3: {  	s25 =	simm.s32 $0x1B8E;
	s24 =	sld [smem:$0x3FFE];
	[sflag:s4] =	ssyncadd.remote.s32 @!p0 $0x1  }
0xb4: {  	s26 =	simm.s32 $execute0_lowered;
	[smem:$0x3FD2] =	sst s25  }
0xb5: {  	s5 =	sshll.u32 s26, $0x1;
	_ =	strace $0x80000052;
	[dreg:$0x1] =	wrdreg $0xFFFFFFFF  }
0xb6: {  	s28 =	simm.s32 $_size_execute0_lowered;
	s3 =	sadd.s32 s3, s5;
	[dreg:$0x0] =	wrdreg $0x0  }
0xb7: {  	s5 =	sshll.u32 s28, $0x1;
	[dreg:$0x2] =	wrdreg s3  }
0xb8: {  	[dreg:$0x3] =	wrdreg s5  }
0xb9: {  	[dreg:$0x4] =	wrdreg $0xC0  }
0xba: {  	_ =	task [dreg:s22], $0x5FFFF  }
0xbb: {  	[dreg:$0x1] =	wrdreg $0xFFFFFFFF  }
0xbc: {  	[dreg:$0x0] =	wrdreg $0x60  }
0xbd: {  	[dreg:$0x2] =	wrdreg s24  }
0xbe: {  	[dreg:$0x3] =	wrdreg $0xA  }
0xbf: {  	_ =	task.clear_ibuf [dreg:s22], $0x4FFFF;
	_ =	strace $0x90000052  }
0xc0: {  	s29 =	simm.s32 $0xA;
	_ =	strace $0x80000054  }
0xc1: {  	_ =	swait.ge [sflag:s29], $0x1  }
0xc2: {  	[sflag:s29] =	ssyncadd.s32 $0xFFFFFFFF  }
0xc3: {  	_ =	strace $0x90000054  }
0xc4: {  	_ =	sfence  }
0xc5: {  	s30 =	sld [smem:$0x0];
	_ =	sdelay $0x2  }
0xc6: {  	s31 =	sshll.u32 s1, $0xD;
	s1 =	sshrl.u32 s1, $0x2  }
0xc7: {  	s4 =	sand.u32 $0x4000, s31;
	s1 =	sadd.s32 s1, s30  }
0xc8: {  	s0 =	sor.u32 s4, s0;
	s1 =	sshll.u32 s1, $0x11  }
0xc9: {  	s0 =	sor.u32 s1, s0  }
0xca: {  	s0 =	sadd.s32 $0x8F2B, s0  }
0xcb: {  	[sflag:s0] =	ssyncadd.remote.s32 $0x1  }
0xcc: {  	_ =	sfence.sel $0xFFFF  }
0xcd: {  	[dreg:$0x0] =	wrdreg $0xFFFFFFFF;
	(pc) =	sbr.abs _section_cstart, $3  }
0xce: {  	[dreg:$0x1] =	wrdreg $0xFFFFFFFF  }
0xcf: {  	_ =	task.clear_ibuf [dreg:s22], $0x2FFFF;
	_ =	strace $0x9FFFFFFF  }
0xd0: {  	(tm) =	ssettm $0x7FFFFFFF  }
0xd1: {  	_ =	shalt  }
tec
execute0_lowered:
.L_overlay_start_1:
0x0: {  	(tag) =	ssettag $0x1  }
0x1: {  	s1 =	srdreg.scid  }
0x2: {  	s1 =	sand.u32 $0x1, s1  }
0x3: {  	p0 =	seq.s32 s1, $0x1  }
.Ltmp0:
0x4: {  	_ = 	snop;
	(pc) =	sbr.rel @p0 .LBB2_4-.Ltmp0, $4  }
0x5: {  	_ = 	snop  }
0x6: {  	s6 =	rddreg [dreg:$0x0];
	s2 =	simm.s32 $0x0  }
0x7: {  	[smem:$0x7FF] =	sst s2  }
0x8: {  	s0 =	rddreg [dreg:$0x1];
	_ =	strace $0x80000053;
	s1 =	stileid.u32  }
0x9: {  	s3 =	smul.u32 $0x1900, s1;
	_ =	sdelay $0x1  }
0xa: {  	s4 =	sadd.s32 $0xE6400, s6;
	s5 =	sshrl.u32 s3, $0x3  }
0xb: {  	s3 =	sadd.s32 s4, s5  }
0xc: {  	[tilespmem:s2], [sflag:$0x5] =	stream.linear.gather [hbm4b:s3+s2], $0x1900, $0x38;
	[tilespmem:$0xD200] =	vst v63  }
0xd: {  	s3 =	simm.s32 $0x5  }
0xe: {  	_ =	swait.ge [sflag:s3], $0x1900  }
0xf: {  	s23 =	sadd.s32 $0xE9600, s6;
	[sflag:s3] =	ssyncset.done $0x0  }
0x10: {  	s24 =	simm.s32 $0x1900;
	s4 =	sadd.s32 s23, s5;
	[sflag:s3] =	ssyncadd.s32 $0xFFFFE700  }
0x11: {  	[tilespmem:s24], [sflag:$0x5] =	stream.linear.gather [hbm4b:s4+s2], $0x1900, $0x38;
	[tilespmem:$0xD200] =	vst v63  }
0x12: {  	_ =	swait.ge [sflag:s3], $0x1900  }
0x13: {  	s9 =	simm.s32 $0x50;
	[sflag:s3] =	ssyncset.done $0x0  }
0x14: {  	s10 =	simm.s32 $0x3200;
	s4 =	sadd.s32 $0xBF200, s6;
	[sflag:s3] =	ssyncadd.s32 $0xFFFFE700  }
0x15: {  	[tilespmem:s10], [sflag:$0x1] =	stream.indirect.gather [hbm4b:s4+s9], $0x80, s2, s9, $0xb8;
	[tilespmem:$0xD200] =	vst v63  }
0x16: {  	s11 =	simm.s32 $0x5A00  }
0x17: {  	[tilespmem:s11], [sflag:$0x2] =	stream.indirect.gather [hbm4b:s4+s9], $0x80, s24, s9, $0xb8;
	[tilespmem:$0xD200] =	vst v63  }
0x18: {  	s7 =	simm.s32 $0x8200;
	s25 =	simm.s32 $0x50  }
0x19: {  	[tilespmem:s7], [sflag:$0x3] =	stream.indirect.gather [hbm4b:s4+s9], $0x80, s25, s9, $0xb8;
	[tilespmem:$0xD200] =	vst v63  }
0x1a: {  	s14 =	simm.s32 $0x1;
	s8 =	simm.s32 $0x1950;
	s5 =	simm.s32 $0xAA00  }
0x1b: {  	[tilespmem:s5], [sflag:$0x4] =	stream.indirect.gather [hbm4b:s4+s9], $0x80, s8, s9, $0xb8;
	[tilespmem:$0xD200] =	vst v63  }
0x1c: {  	_ =	swait.ge [sflag:s14], $0x2800  }
0x1d: {  	[sflag:s14] =	ssyncset.done $0x0  }
0x1e: {  	s15 =	simm.s32 $0x2;
	[sflag:s14] =	ssyncadd.s32 $0xFFFFD800  }
0x1f: {  	s26 =	smul.u32 $0x19000, s1;
	_ =	swait.ge [sflag:s15], $0x2800  }
0x20: {  	s18 =	sadd.s32 $0xEC800, s6;
	[sflag:s15] =	ssyncset.done $0x0  }
0x21: {  	s19 =	sadd.s32 s26, s18;
	[sflag:s15] =	ssyncadd.s32 $0xFFFFD800  }
0x22: {  	[hbm4b:s19+s2] =	stream.linear.scatter [tilespmem:s10], [sflag:$0x5], $0x2800, $0x38;
	[tilespmem:$0xD200] =	vst v63  }
0x23: {  	_ =	swait.ge [sflag:s3], $0x2800  }
0x24: {  	s28 =	sadd.s32 $0x27C800, s6;
	[sflag:s3] =	ssyncset.done $0x0  }
0x25: {  	s20 =	sadd.s32 s26, s28;
	[sflag:s3] =	ssyncadd.s32 $0xFFFFD800  }
0x26: {  	[hbm4b:s20+s2] =	stream.linear.scatter [tilespmem:s11], [sflag:$0x5], $0x2800, $0x38;
	[tilespmem:$0xD200] =	vst v63  }
0x27: {  	_ =	swait.ge [sflag:s3], $0x2800  }
0x28: {  	[sflag:s3] =	ssyncset.done $0x0  }
0x29: {  	s12 =	simm.s32 $0xA0;
	[sflag:s3] =	ssyncadd.s32 $0xFFFFD800  }
0x2a: {  	[tilespmem:s10], [sflag:$0x1] =	stream.indirect.gather [hbm4b:s4+s9], $0x80, s12, s9, $0xb8;
	[tilespmem:$0xD200] =	vst v63  }
0x2b: {  	s16 =	simm.s32 $0x3;
	s29 =	simm.s32 $0x19A0  }
0x2c: {  	[tilespmem:s11], [sflag:$0x2] =	stream.indirect.gather [hbm4b:s4+s9], $0x80, s29, s9, $0xb8;
	[tilespmem:$0xD200] =	vst v63  }
0x2d: {  	_ =	swait.ge [sflag:s16], $0x2800  }
0x2e: {  	[sflag:s16] =	ssyncset.done $0x0  }
0x2f: {  	s17 =	simm.s32 $0x4;
	[sflag:s16] =	ssyncadd.s32 $0xFFFFD800  }
0x30: {  	_ =	swait.ge [sflag:s17], $0x2800  }
0x31: {  	[sflag:s17] =	ssyncset.done $0x0  }
0x32: {  	s30 =	sadd.s32 $0x18600, s26;
	s13 =	sadd.s32 $0x500, s19;
	[sflag:s17] =	ssyncadd.s32 $0xFFFFD800  }
0x33: {  	[hbm4b:s13+s2] =	stream.linear.scatter [tilespmem:s7], [sflag:$0x5], $0x2800, $0x38;
	[tilespmem:$0xD200] =	vst v63  }
0x34: {  	s21 =	sadd.s32 $0x18B00, s26;
	s31 =	sadd.s32 $0x500, s20;
	_ =	swait.ge [sflag:s3], $0x2800  }
0x35: {  	s23 =	simm.s32 $0x500;
	s6 =	sadd.s32 s28, s21;
	[sflag:s3] =	ssyncset.done $0x0  }
0x36: {  	s8 =	sadd.s32 s18, s21;
	s19 =	sadd.s32 $0xA00, s19;
	[sflag:s3] =	ssyncadd.s32 $0xFFFFD800  }
0x37: {  	[hbm4b:s31+s2] =	stream.linear.scatter [tilespmem:s5], [sflag:$0x5], $0x2800, $0x38;
	[tilespmem:$0xD200] =	vst v63  }
0x38: {  	s12 =	sadd.s32 s28, s30;
	s13 =	sadd.s32 s18, s30;
	_ =	swait.ge [sflag:s3], $0x2800  }
0x39: {  	s18 =	sadd.s32 $0xA00, s20;
	s20 =	simm.s32 $0xA0;
	[sflag:s3] =	ssyncset.done $0x0  }
.LBB2_2:
0x3a: {  	s24 =	sadd.s32 $0x50, s20  }
0x3b: {  	[sflag:s3] =	ssyncadd.s32 $0xFFFFD800;
	s22 =	smov.u32 s23;
	s21 =	sadd.s32 $0x280, s23  }
0x3c: {  	[tilespmem:s7], [sflag:$0x3] =	stream.indirect.gather [hbm4b:s4+s9], $0x80, s24, s9, $0xb8;
	[tilespmem:$0xD200] =	vst v63  }
0x3d: {  	p0 =	sne.s32 s23, $0x5F00;
	s23 =	sadd.s32 $0x1950, s20  }
0x3e: {  	[tilespmem:s5], [sflag:$0x4] =	stream.indirect.gather [hbm4b:s4+s9], $0x80, s23, s9, $0xb8;
	[tilespmem:$0xD200] =	vst v63  }
0x3f: {  	_ =	swait.ge [sflag:s14], $0x2800  }
0x40: {  	[sflag:s14] =	ssyncset.done $0x0  }
0x41: {  	[sflag:s14] =	ssyncadd.s32 $0xFFFFD800  }
0x42: {  	_ =	swait.ge [sflag:s15], $0x2800  }
0x43: {  	[sflag:s15] =	ssyncset.done $0x0  }
0x44: {  	[sflag:s15] =	ssyncadd.s32 $0xFFFFD800  }
0x45: {  	[hbm4b:s19+s2] =	stream.linear.scatter [tilespmem:s10], [sflag:$0x5], $0x2800, $0x38;
	[tilespmem:$0xD200] =	vst v63  }
0x46: {  	_ =	swait.ge [sflag:s3], $0x2800  }
0x47: {  	[sflag:s3] =	ssyncset.done $0x0  }
0x48: {  	[sflag:s3] =	ssyncadd.s32 $0xFFFFD800  }
0x49: {  	[hbm4b:s18+s2] =	stream.linear.scatter [tilespmem:s11], [sflag:$0x5], $0x2800, $0x38;
	[tilespmem:$0xD200] =	vst v63  }
0x4a: {  	_ =	swait.ge [sflag:s3], $0x2800  }
0x4b: {  	[sflag:s3] =	ssyncset.done $0x0  }
0x4c: {  	s23 =	sadd.s32 $0xA0, s20;
	[sflag:s3] =	ssyncadd.s32 $0xFFFFD800  }
0x4d: {  	[tilespmem:s10], [sflag:$0x1] =	stream.indirect.gather [hbm4b:s4+s9], $0x80, s23, s9, $0xb8;
	[tilespmem:$0xD200] =	vst v63  }
0x4e: {  	s20 =	sadd.s32 $0x19A0, s20  }
0x4f: {  	[tilespmem:s11], [sflag:$0x2] =	stream.indirect.gather [hbm4b:s4+s9], $0x80, s20, s9, $0xb8;
	[tilespmem:$0xD200] =	vst v63  }
0x50: {  	_ =	swait.ge [sflag:s16], $0x2800  }
0x51: {  	[sflag:s16] =	ssyncset.done $0x0  }
0x52: {  	[sflag:s16] =	ssyncadd.s32 $0xFFFFD800  }
0x53: {  	_ =	swait.ge [sflag:s17], $0x2800  }
0x54: {  	[sflag:s17] =	ssyncset.done $0x0  }
0x55: {  	s20 =	sadd.s32 $0x500, s19;
	[sflag:s17] =	ssyncadd.s32 $0xFFFFD800  }
0x56: {  	[hbm4b:s20+s2] =	stream.linear.scatter [tilespmem:s7], [sflag:$0x5], $0x2800, $0x38;
	[tilespmem:$0xD200] =	vst v63  }
0x57: {  	_ =	swait.ge [sflag:s3], $0x2800  }
.Ltmp1:
0x58: {  	[sflag:s3] =	ssyncset.done $0x0;
	(pc) =	sbr.rel @p0 .LBB2_2-.Ltmp1, $4  }
0x59: {  	s20 =	sadd.s32 $0x500, s18;
	[sflag:s3] =	ssyncadd.s32 $0xFFFFD800  }
0x5a: {  	[hbm4b:s20+s2] =	stream.linear.scatter [tilespmem:s5], [sflag:$0x5], $0x2800, $0x38;
	[tilespmem:$0xD200] =	vst v63  }
0x5b: {  	s23 =	smov.u32 s21;
	s18 =	sadd.s32 $0xA00, s18;
	_ =	swait.ge [sflag:s3], $0x2800  }
0x5c: {  	s19 =	sadd.s32 $0xA00, s19;
	s20 =	sshra.s32 s22, $0x2;
	[sflag:s3] =	ssyncset.done $0x0  }
0x5d: {  	s21 =	sadd.s32 $0x50, s20;
	[sflag:s3] =	ssyncadd.s32 $0xFFFFD800  }
0x5e: {  	[tilespmem:s7], [sflag:$0x3] =	stream.indirect.gather [hbm4b:s4+s9], $0x80, s21, s9, $0xb8;
	[tilespmem:$0xD200] =	vst v63  }
0x5f: {  	s30 =	sadd.s32 $0x1950, s20  }
0x60: {  	[tilespmem:s5], [sflag:$0x4] =	stream.indirect.gather [hbm4b:s4+s9], $0x80, s30, s9, $0xb8;
	[tilespmem:$0xD200] =	vst v63  }
0x61: {  	_ =	swait.ge [sflag:s14], $0x2800  }
0x62: {  	[sflag:s14] =	ssyncset.done $0x0  }
0x63: {  	[sflag:s14] =	ssyncadd.s32 $0xFFFFD800  }
0x64: {  	_ =	swait.ge [sflag:s15], $0x2800  }
0x65: {  	[sflag:s15] =	ssyncset.done $0x0  }
0x66: {  	[sflag:s15] =	ssyncadd.s32 $0xFFFFD800  }
0x67: {  	[hbm4b:s19+s2] =	stream.linear.scatter [tilespmem:s10], [sflag:$0x5], $0x2800, $0x38;
	[tilespmem:$0xD200] =	vst v63  }
0x68: {  	_ =	swait.ge [sflag:s3], $0x2800  }
0x69: {  	[sflag:s3] =	ssyncset.done $0x0  }
0x6a: {  	[sflag:s3] =	ssyncadd.s32 $0xFFFFD800  }
0x6b: {  	[hbm4b:s18+s2] =	stream.linear.scatter [tilespmem:s11], [sflag:$0x5], $0x2800, $0x38;
	[tilespmem:$0xD200] =	vst v63  }
0x6c: {  	_ =	swait.ge [sflag:s3], $0x2800  }
0x6d: {  	[sflag:s3] =	ssyncset.done $0x0  }
0x6e: {  	s31 =	sadd.s32 $0xA0, s20;
	[sflag:s3] =	ssyncadd.s32 $0xFFFFD800  }
0x6f: {  	[tilespmem:s10], [sflag:$0x1] =	stream.indirect.gather [hbm4b:s4+s9], $0x80, s31, s9, $0xb8;
	[tilespmem:$0xD200] =	vst v63  }
0x70: {  	s15 =	sadd.s32 $0x19A0, s20  }
0x71: {  	[tilespmem:s11], [sflag:$0x2] =	stream.indirect.gather [hbm4b:s4+s9], $0x80, s15, s9, $0xb8;
	[tilespmem:$0xD200] =	vst v63  }
0x72: {  	_ =	swait.ge [sflag:s16], $0x2800  }
0x73: {  	[sflag:s16] =	ssyncset.done $0x0  }
0x74: {  	[sflag:s16] =	ssyncadd.s32 $0xFFFFD800  }
0x75: {  	_ =	swait.ge [sflag:s17], $0x2800  }
0x76: {  	[sflag:s17] =	ssyncset.done $0x0  }
0x77: {  	s16 =	sadd.s32 $0x500, s19;
	[sflag:s17] =	ssyncadd.s32 $0xFFFFD800  }
0x78: {  	[hbm4b:s16+s2] =	stream.linear.scatter [tilespmem:s7], [sflag:$0x5], $0x2800, $0x38;
	[tilespmem:$0xD200] =	vst v63  }
0x79: {  	_ =	swait.ge [sflag:s3], $0x2800  }
0x7a: {  	[sflag:s3] =	ssyncset.done $0x0  }
0x7b: {  	s17 =	sadd.s32 $0x500, s18;
	[sflag:s3] =	ssyncadd.s32 $0xFFFFD800  }
0x7c: {  	[hbm4b:s17+s2] =	stream.linear.scatter [tilespmem:s5], [sflag:$0x5], $0x2800, $0x38;
	[tilespmem:$0xD200] =	vst v63  }
0x7d: {  	_ =	swait.ge [sflag:s3], $0x2800  }
0x7e: {  	s20 =	simm.s32 $0x8200;
	[sflag:s3] =	ssyncset.done $0x0  }
0x7f: {  	s19 =	simm.s32 $0x18B0;
	s18 =	simm.s32 $0x50;
	[sflag:s3] =	ssyncadd.s32 $0xFFFFD800  }
0x80: {  	[tilespmem:s20], [sflag:$0x3] =	stream.indirect.gather [hbm4b:s4+s18], $0x80, s19, s18, $0xb8;
	[tilespmem:$0xD200] =	vst v63  }
0x81: {  	s22 =	simm.s32 $0xAA00;
	s23 =	simm.s32 $0x1;
	s21 =	simm.s32 $0x31B0  }
0x82: {  	[tilespmem:s22], [sflag:$0x4] =	stream.indirect.gather [hbm4b:s4+s18], $0x80, s21, s18, $0xb8;
	[tilespmem:$0xD200] =	vst v63  }
0x83: {  	_ =	swait.ge [sflag:s23], $0x2800  }
0x84: {  	[sflag:s23] =	ssyncset.done $0x0  }
0x85: {  	s24 =	simm.s32 $0x2;
	[sflag:s23] =	ssyncadd.s32 $0xFFFFD800  }
0x86: {  	_ =	swait.ge [sflag:s24], $0x2800  }
0x87: {  	s25 =	simm.s32 $0x0;
	[sflag:s24] =	ssyncset.done $0x0  }
0x88: {  	s26 =	simm.s32 $0x3200;
	s28 =	simm.s32 $0x5;
	[sflag:s24] =	ssyncadd.s32 $0xFFFFD800  }
0x89: {  	[hbm4b:s13+s25] =	stream.linear.scatter [tilespmem:s26], [sflag:$0x5], $0x2800, $0x38;
	[tilespmem:$0xD200] =	vst v63  }
0x8a: {  	_ =	swait.ge [sflag:s28], $0x2800  }
0x8b: {  	[sflag:s28] =	ssyncset.done $0x0  }
0x8c: {  	s29 =	simm.s32 $0x5A00;
	[sflag:s28] =	ssyncadd.s32 $0xFFFFD800  }
0x8d: {  	[hbm4b:s12+s25] =	stream.linear.scatter [tilespmem:s29], [sflag:$0x5], $0x2800, $0x38;
	[tilespmem:$0xD200] =	vst v63  }
0x8e: {  	_ =	swait.ge [sflag:s28], $0x2800  }
0x8f: {  	[sflag:s28] =	ssyncset.done $0x0  }
0x90: {  	s30 =	simm.s32 $0x3;
	[sflag:s28] =	ssyncadd.s32 $0xFFFFD800  }
0x91: {  	_ =	swait.ge [sflag:s30], $0x2800  }
0x92: {  	[sflag:s30] =	ssyncset.done $0x0  }
0x93: {  	s31 =	simm.s32 $0x4;
	[sflag:s30] =	ssyncadd.s32 $0xFFFFD800  }
0x94: {  	_ =	swait.ge [sflag:s31], $0x2800  }
0x95: {  	[sflag:s31] =	ssyncset.done $0x0  }
0x96: {  	[sflag:s31] =	ssyncadd.s32 $0xFFFFD800  }
0x97: {  	[hbm4b:s8+s25] =	stream.linear.scatter [tilespmem:s20], [sflag:$0x5], $0x2800, $0x38;
	[tilespmem:$0xD200] =	vst v63  }
0x98: {  	_ =	swait.ge [sflag:s28], $0x2800  }
0x99: {  	[sflag:s28] =	ssyncset.done $0x0  }
0x9a: {  	[sflag:s28] =	ssyncadd.s32 $0xFFFFD800  }
0x9b: {  	[hbm4b:s6+s25] =	stream.linear.scatter [tilespmem:s22], [sflag:$0x5], $0x2800, $0x38;
	[tilespmem:$0xD200] =	vst v63  }
0x9c: {  	_ =	swait.ge [sflag:s28], $0x2800  }
0x9d: {  	[sflag:s28] =	ssyncset.done $0x0  }
0x9e: {  	[sflag:s28] =	ssyncadd.s32 $0xFFFFD800  }
.LBB2_4:
0x9f: {  	_ =	sfence.sel $0x180000  }
0xa0: {  	[bflag:$0x0] =	sbarrier.arrive $0xFFFF  }
0xa1: {  	p0 =	sne.s32 s1, $0x0;
	_ =	strace $0x90000053  }
0xa2: {  	s0 =	sadd.s32 @!p0 $0x100000, s0;
	[bflag:$0x2] =	sbarrier.arrive $0xFFFF  }
0xa3: {  	[sflag:s0] =	ssyncadd.tile.s32 @!p0 $0x1;
	_ =	shalt  }
.Lfunc_end2:
_tile_overlayer_lowered:
.L_overlay_start_2:
0xa4: {  	(tag) =	ssettag $0x2  }
0xa5: {  	s0 =	rddreg [dreg:$0x0];
	s2 =	stileid.u32  }
0xa6: {  	s1 =	rddreg [dreg:$0x1];
	p0 =	sne.s32 s2, $0x0  }
0xa7: {  	s3 =	rddreg [dreg:$0x2];
	[bflag:$0x3] =	sbarrier.arrive $0xFFFF;
	s2 =	simm.s32 @!p0 $0x1C05  }
0xa8: {  	[timem:s3], [sflag:s2] =	dma.local @!p0 [hbm:s0], s1  }
0xa9: {  	s0 =	simm.s32 @!p0 $0x5  }
0xaa: {  	_ =	swait.ge @!p0 [sflag:s0], s1  }
0xab: {  	s1 =	ssub.s32 @!p0 $0x0, s1;
	[sflag:s0] =	ssyncset.done @!p0 $0x0  }
0xac: {  	[sflag:s0] =	ssyncadd.s32 @!p0 s1  }
0xad: {  	[bflag:$0x3] =	sbarrier.arrive $0xFFFF  }
0xae: {  	_ =	shalt  }

// kernel: kernel.23.cloned.1.call-start
scs
__scs_entry_jumppad:
0x0: {  	(pc) =	sbr.rel $0x88, $3  }
0x1: {  	(tag) =	ssettag $0x0;
	lr =	simm.s32 $0x1  }
0x2: {  	[smem:$0x3F87] =	sst lr;
	_ =	strace $0xD0000000  }
0x3: {  	_ = 	snop  }
0x4: {  	_ = 	snop  }
0x5: {  	_ = 	snop  }
0x6: {  	_ = 	snop  }
0x7: {  	_ = 	snop  }
__scs_overlays_trampoline_lowered:
0x8: {  	[smem:$0x3F96] =	sst s0  }
0x9: {  	[smem:$0x3F97] =	sst s1  }
0xa: {  	[smem:$0x3F98] =	sst s2  }
0xb: {  	[smem:$0x3F99] =	sst s3  }
0xc: {  	[smem:$0x3F9A] =	sst s4  }
0xd: {  	[smem:$0x3F9B] =	sst s5  }
0xe: {  	[smem:$0x3F9C] =	sst s6  }
0xf: {  	[smem:$0x3F9D] =	sst s7  }
0x10: {  	[smem:$0x3F9E] =	sst s8  }
0x11: {  	[smem:$0x3F9F] =	sst s9;
	s0 =	simm.s32 @!p0 $0x0  }
0x12: {  	s1 =	sld [smem:$0x3F85];
	s0 =	simm.s32 @p0 $0x1  }
0x13: {  	[smem:$0x3FA0] =	sst s0;
	s0 =	simm.s32 @!p1 $0x0  }
0x14: {  	s2 =	sld [smem:$0x3F84];
	s0 =	simm.s32 @p1 $0x1  }
0x15: {  	[smem:$0x3FA1] =	sst s0;
	s0 =	simm.s32 @!p2 $0x0  }
0x16: {  	s3 =	sld [smem:$0x3FDB];
	s0 =	simm.s32 @p2 $0x1  }
0x17: {  	s4 =	simm.s32 $0x1BF5;
	[smem:$0x3FA3] =	sst s0  }
0x18: {  	s0 =	sld [smem:$0x3F86];
	_ =	swait.ge [sflag:s4], $0x0  }
0x19: {  	s7 =	sld [smem:$0x3F87]  }
0x1a: {  	s8 =	sadd.s32 $0xFFFFE003, lr  }
0x1b: {  	s9 =	sadd.s32 $0xFFFFFEF7, lr;
	s5 =	simm.s32 $0xFFFFFFFF;
	p2 =	slt.u32 s8, $0xFFFFF086  }
0x1c: {  	p1 =	slt.u32 s9, $0xF7A;
	s5 =	simm.s32 @!p2 $0x0  }
0x1d: {  	s5 =	simm.s32 @p1 $0x1;
	p0 =	seq.s32 s7, s2  }
0x1e: {  	s7 =	smul.u32 @!p0 $0xF7A, s2;
	p2 =	seq.s32 @!p0 s5, $0x0  }
0x1f: {  	s9 =	smul.u32 $0xF7A, s1;
	s8 =	simm.s32 @!p0 $0x1BF5;
	p2 =	por !p2, p0  }
0x20: {  	[sflag:s8] =	ssyncset.s32 @!p0 $0xFFFFF086;
	s6 =	sadd.s32 @!p0 s3, s7;
	s7 =	simm.s32 @!p0 $0x108  }
0x21: {  	s3 =	sadd.s32 s3, s9;
	s6 =	sadd.s32 @!p0 $0x88, s6;
	s7 =	simm.s32 @p2 $0x1082  }
0x22: {  	[simem:s7], [sflag:s8] =	dma.local @!p0 [hbm:s6], $0xF7A  }
0x23: {  	s9 =	sor.u32 $0xD0000000, s2;
	s6 =	simm.s32 $0x108;
	_ =	swait.ge @!p0 [sflag:s8], $0x0  }
0x24: {  	s3 =	sadd.s32 $0x88, s3;
	s6 =	simm.s32 @!p1 $0x1082;
	[sflag:s4] =	ssyncset.s32 $0xFFFFF086  }
0x25: {  	[simem:s6], [sflag:s4] =	dma.local [hbm:s3], $0xF7A  }
0x26: {  	[smem:$0x3F87] =	sst s1;
	(tag) =	ssettag s2;
	_ =	strace s9  }
0x27: {  	s1 =	sld [smem:$0x3F97]  }
0x28: {  	s2 =	sld [smem:$0x3F98]  }
0x29: {  	s4 =	sld [smem:$0x3F9A]  }
0x2a: {  	p0 =	seq.s32 s5, $0x0;
	s5 =	sld [smem:$0x3F9B]  }
0x2b: {  	s6 =	sld [smem:$0x3F9C]  }
0x2c: {  	s7 =	sld [smem:$0x3F9D]  }
0x2d: {  	s3 =	simm.s32 $0x108;
	s8 =	sld [smem:$0x3F9E]  }
0x2e: {  	s3 =	simm.s32 @!p0 $0x1082;
	s9 =	sld [smem:$0x3F9F]  }
0x2f: {  	lr =	sadd.s32 s0, s3;
	s0 =	sld [smem:$0x3F96]  }
0x30: {  	s3 =	sld [smem:$0x3F99]  }
0x31: {  	[smem:$0x3FA2] =	sst s10  }
0x32: {  	s10 =	sld [smem:$0x3FA0];
	_ =	sdelay $0x3  }
0x33: {  	p0 =	seq.s32 s10, $0x1;
	s10 =	sld [smem:$0x3FA2];
	_ =	sdelay $0x3  }
0x34: {  	[smem:$0x3FA2] =	sst s10  }
0x35: {  	s10 =	sld [smem:$0x3FA1];
	_ =	sdelay $0x3  }
0x36: {  	p1 =	seq.s32 s10, $0x1;
	s10 =	sld [smem:$0x3FA2];
	_ =	sdelay $0x3  }
0x37: {  	[smem:$0x3FA2] =	sst s10  }
0x38: {  	s10 =	sld [smem:$0x3FA3]  }
0x39: {  	_ = 	snop;
	(pc) =	sbr.ind lr, $3  }
0x3a: {  	_ = 	snop  }
0x3b: {  	_ = 	snop  }
0x3c: {  	p2 =	seq.s32 s10, $0x1;
	s10 =	sld [smem:$0x3FA2]  }
0x3d: {  	_ =	shalt  }
0x3e: {  	_ =	shalt  }
0x3f: {  	_ =	shalt  }
0x40: {  	_ =	shalt  }
0x41: {  	_ =	shalt  }
0x42: {  	_ =	shalt  }
0x43: {  	_ =	shalt  }
0x44: {  	_ =	shalt  }
0x45: {  	_ =	shalt  }
0x46: {  	_ =	shalt  }
0x47: {  	_ =	shalt  }
0x48: {  	_ =	shalt  }
0x49: {  	_ =	shalt  }
0x4a: {  	_ =	shalt  }
0x4b: {  	_ =	shalt  }
0x4c: {  	_ =	shalt  }
0x4d: {  	_ =	shalt  }
0x4e: {  	_ =	shalt  }
0x4f: {  	_ =	shalt  }
0x50: {  	_ =	shalt  }
0x51: {  	_ =	shalt  }
0x52: {  	_ =	shalt  }
0x53: {  	_ =	shalt  }
0x54: {  	_ =	shalt  }
0x55: {  	_ =	shalt  }
0x56: {  	_ =	shalt  }
0x57: {  	_ =	shalt  }
0x58: {  	_ =	shalt  }
0x59: {  	_ =	shalt  }
0x5a: {  	_ =	shalt  }
0x5b: {  	_ =	shalt  }
0x5c: {  	_ =	shalt  }
0x5d: {  	_ =	shalt  }
0x5e: {  	_ =	shalt  }
0x5f: {  	_ =	shalt  }
0x60: {  	_ =	shalt  }
0x61: {  	_ =	shalt  }
0x62: {  	_ =	shalt  }
0x63: {  	_ =	shalt  }
0x64: {  	_ =	shalt  }
0x65: {  	_ =	shalt  }
0x66: {  	_ =	shalt  }
0x67: {  	_ =	shalt  }
0x68: {  	_ =	shalt  }
0x69: {  	_ =	shalt  }
0x6a: {  	_ =	shalt  }
0x6b: {  	_ =	shalt  }
0x6c: {  	_ =	shalt  }
0x6d: {  	_ =	shalt  }
0x6e: {  	_ =	shalt  }
0x6f: {  	_ =	shalt  }
0x70: {  	_ =	shalt  }
0x71: {  	_ =	shalt  }
0x72: {  	_ =	shalt  }
0x73: {  	_ =	shalt  }
0x74: {  	_ =	shalt  }
0x75: {  	_ =	shalt  }
0x76: {  	_ =	shalt  }
0x77: {  	_ =	shalt  }
0x78: {  	_ =	shalt  }
0x79: {  	_ =	shalt  }
0x7a: {  	_ =	shalt  }
0x7b: {  	_ =	shalt  }
0x7c: {  	_ =	shalt  }
0x7d: {  	_ =	shalt  }
0x7e: {  	_ =	shalt  }
0x7f: {  	_ =	shalt  }
0x80: {  	_ =	shalt  }
0x81: {  	_ =	shalt  }
0x82: {  	_ =	shalt  }
0x83: {  	_ =	shalt  }
0x84: {  	_ =	shalt  }
0x85: {  	_ =	shalt  }
0x86: {  	_ =	shalt  }
0x87: {  	_ =	shalt  }
.Lfunc_end0:
.L_simem_size_0:
called_computation.4_lowered:
.L_overlay_start_0:
0x88: {  	s2 =	sld [smem:$0x3FD9]  }
0x89: {  	s3 =	sld [smem:$0x3FFE];
	_ =	sdelay $0x1  }
0x8a: {  	s1 =	srdreg.scid  }
0x8b: {  	s0 =	sand.u32 $0x1, s1  }
0x8c: {  	s17 =	sshll.u32 s0, $0xA;
	s2 =	sadd.s32 s3, s2  }
0x8d: {  	s2 =	sadd.s32 s2, s17  }
0x8e: {  	[smem:$0x3FAE] =	sst s2  }
0x8f: {  	_ = 	snop  }
0x90: {  	s18 =	sld [smem:$0x3FBC]  }
0x91: {  	s4 =	sld [smem:$0x3FBB];
	(tm) =	ssettm $0x1  }
0x92: {  	s19 =	sld [smem:$0x3FFB];
	_ =	sdelay $0x3  }
0x93: {  	_ =	strace s19  }
0x94: {  	s2 =	sld [smem:$0x3FFC];
	_ =	sdelay $0x3  }
0x95: {  	_ =	strace s2  }
0x96: {  	s2 =	sld [smem:$0x3FFD];
	_ =	sdelay $0x3  }
0x97: {  	_ =	strace s2  }
0x98: {  	_ =	strace $0x8FFFFFFF  }
0x99: {  	s20 =	sld [smem:$0x3FDB];
	_ =	sdelay $0x1  }
0x9a: {  	s5 =	simm.s32 $_scs_section_size  }
0x9b: {  	s6 =	simm.s32 $_size__tile_overlayer_lowered;
	s7 =	simm.s32 $_tile_overlayer_lowered  }
0x9c: {  	s8 =	simm.s32 $0x1BFF;
	s21 =	sshll.u32 s7, $0x1;
	s5 =	sadd.s32 s5, s20  }
0x9d: {  	s22 =	simm.s32 $0x0;
	s6 =	sshll.u32 s6, $0x1;
	s7 =	sadd.s32 s21, s5  }
0x9e: {  	[timem:s22], [sflag:s8] =	dma.local [hbm:s7], s6  }
0x9f: {  	_ =	swait.ge [sflag:s8], s6  }
0xa0: {  	s6 =	ssub.s32 $0x0, s6;
	[sflag:s8] =	ssyncset.done $0x0  }
0xa1: {  	[sflag:s8] =	ssyncadd.s32 s6;
	_ =	sdelay $0x1  }
0xa2: {  	s23 =	simm.s32 $0x1B8B  }
0xa3: {  	_ =	swait.ge [sflag:s23], $0x1  }
0xa4: {  	[sflag:s23] =	ssyncset.done $0x0  }
0xa5: {  	[sflag:s23] =	ssyncadd.s32 $0xFFFFFFFF  }
0xa6: {  	s6 =	sld [smem:$0x0]  }
0xa7: {  	s7 =	sand.u32 $0xFFFFFFFE, s1  }
0xa8: {  	p0 =	sne.s32 s1, s7  }
0xa9: {  	s7 =	sshll.u32 @p0 s7, $0xE  }
0xaa: {  	s7 =	sadd.s32 @p0 $0x11B8D, s7;
	s8 =	sshll.u32 @p0 s6, $0x11  }
0xab: {  	s7 =	sor.u32 @p0 s8, s7  }
0xac: {  	[sflag:s7] =	ssyncadd.remote.s32 @p0 $0x1;
	_ =	sdelay $0x1  }
0xad: {  	s7 =	simm.s32 @p0 $0x1B8D  }
0xae: {  	_ =	swait.eq @p0 [sflag:s7], $0x1  }
0xaf: {  	[sflag:s7] =	ssyncadd.s32 @p0 $0xFFFFFFFF  }
0xb0: {  	s8 =	sshll.u32 @!p0 s1, $0xE  }
0xb1: {  	s8 =	sor.u32 @!p0 $0x4000, s8;
	s7 =	simm.s32 @!p0 $0x1B8D  }
0xb2: {  	s6 =	sshll.u32 @!p0 s6, $0x11;
	s8 =	sadd.s32 @!p0 $0x11B8D, s8;
	_ =	swait.eq @!p0 [sflag:s7], $0x1  }
0xb3: {  	s6 =	sor.u32 @!p0 s6, s8;
	[sflag:s7] =	ssyncadd.s32 @!p0 $0xFFFFFFFF  }
0xb4: {  	s25 =	simm.s32 $0x1B8E;
	s24 =	sld [smem:$0x3FFE];
	[sflag:s6] =	ssyncadd.remote.s32 @!p0 $0x1  }
0xb5: {  	s26 =	simm.s32 $execute0_lowered;
	[smem:$0x3FD2] =	sst s25  }
0xb6: {  	s7 =	sshll.u32 s26, $0x1;
	_ =	strace $0x8000004F;
	[dreg:$0x1] =	wrdreg $0xFFFFFFFF  }
0xb7: {  	s28 =	simm.s32 $_size_execute0_lowered;
	s5 =	sadd.s32 s5, s7;
	[dreg:$0x0] =	wrdreg $0x0  }
0xb8: {  	s7 =	sshll.u32 s28, $0x1;
	[dreg:$0x2] =	wrdreg s5  }
0xb9: {  	[dreg:$0x3] =	wrdreg s7  }
0xba: {  	[dreg:$0x4] =	wrdreg $0xC0  }
0xbb: {  	_ =	task [dreg:s22], $0x5FFFF  }
0xbc: {  	[dreg:$0x1] =	wrdreg $0xFFFFFFFF  }
0xbd: {  	[dreg:$0x0] =	wrdreg $0x60  }
0xbe: {  	[dreg:$0x2] =	wrdreg s18  }
0xbf: {  	[dreg:$0x3] =	wrdreg s4  }
0xc0: {  	[dreg:$0x4] =	wrdreg s24  }
0xc1: {  	[dreg:$0x5] =	wrdreg $0x9  }
0xc2: {  	_ =	task.clear_ibuf [dreg:s22], $0x6FFFF;
	_ =	strace $0x9000004F  }
0xc3: {  	s29 =	simm.s32 $0x9;
	_ =	strace $0x80000051  }
0xc4: {  	_ =	swait.ge [sflag:s29], $0x1  }
0xc5: {  	[sflag:s29] =	ssyncadd.s32 $0xFFFFFFFF  }
0xc6: {  	_ =	strace $0x90000051  }
0xc7: {  	_ =	sfence  }
0xc8: {  	s30 =	sld [smem:$0x0];
	_ =	sdelay $0x2  }
0xc9: {  	s31 =	sshll.u32 s1, $0xD;
	s1 =	sshrl.u32 s1, $0x2  }
0xca: {  	s4 =	sand.u32 $0x4000, s31;
	s1 =	sadd.s32 s1, s30  }
0xcb: {  	s0 =	sor.u32 s4, s0;
	s1 =	sshll.u32 s1, $0x11  }
0xcc: {  	s0 =	sor.u32 s1, s0  }
0xcd: {  	s0 =	sadd.s32 $0x8F2B, s0  }
0xce: {  	[sflag:s0] =	ssyncadd.remote.s32 $0x1  }
0xcf: {  	_ =	sfence.sel $0xFFFF  }
0xd0: {  	[dreg:$0x0] =	wrdreg $0xFFFFFFFF;
	(pc) =	sbr.abs _section_cstart, $3  }
0xd1: {  	[dreg:$0x1] =	wrdreg $0xFFFFFFFF  }
0xd2: {  	_ =	task.clear_ibuf [dreg:s22], $0x2FFFF;
	_ =	strace $0x9FFFFFFF  }
0xd3: {  	(tm) =	ssettm $0x7FFFFFFF  }
tec
execute0_lowered:
.L_overlay_start_1:
0x0: {  	(tag) =	ssettag $0x1  }
0x1: {  	s1 =	rddreg [dreg:$0x0]  }
0x2: {  	s3 =	rddreg [dreg:$0x1]  }
0x3: {  	s0 =	srdreg.scid;
	s6 =	rddreg [dreg:$0x2]  }
0x4: {  	s4 =	simm.s32 $0x0;
	s9 =	simm.s32 $0x186A0;
	s5 =	sand.u32 $0x1, s0  }
0x5: {  	s10 =	simm.s32 $0x1;
	s0 =	stileid.u32;
	s2 =	sshll.u32 s5, $0x4  }
0x6: {  	s11 =	simm.s32 $0x19320;
	s5 =	ssub.s32 $0x2, s5;
	s7 =	sor.u32 s0, s2  }
0x7: {  	[smem:$0x7FF] =	sst s4;
	s31 =	sshrl.u32 s5, $0x1;
	s7 =	smul.u32 $0x190, s7  }
0x8: {  	s12 =	simm.s32 $0x0;
	s2 =	rddreg [dreg:$0x3];
	s8 =	ssub.s32 s5, s31  }
0x9: {  	_ =	strace $0x80000050;
	s8 =	smax.u32 s8, $0x1;
	s7 =	sadd.s32 s7, s6  }
0xa: {  	s5 =	sadd.s32 $0xB5C00, s7;
	s6 =	sadd.s32 $0xB8E00, s7;
	s7 =	sadd.s32 $0xBC000, s7  }
.LBB2_1:
0xb: {  	[tilespmem:s9], [sflag:$0x1] =	stream.linear.gather [hbm4b:s5+s4], $0xC80, $0x38;
	[tilespmem:$0x19FA0] =	vst v63  }
0xc: {  	_ =	swait.ge [sflag:s10], $0xC80  }
0xd: {  	[sflag:s10] =	ssyncset.done $0x0  }
0xe: {  	[sflag:s10] =	ssyncadd.s32 $0xFFFFF380  }
0xf: {  	[tilespmem:s4], [sflag:$0x1] =	stream.linear.gather [hbm4b:s1+s4], $0x186A0, $0x38;
	[tilespmem:$0x19FA0] =	vst v63  }
0x10: {  	_ =	swait.ge [sflag:s10], $0x186A0  }
0x11: {  	[sflag:s10] =	ssyncset.done $0x0  }
0x12: {  	s13 =	simm.s32 $0x0;
	[sflag:s10] =	ssyncadd.s32 $0xFFFE7960  }
0x13: {  	v0 =	vld [tilespmem:s13+$0x186A0];
	_ =	sdelay $0x7  }
0x14: {  	s14 =	simm.s32 $0x10;
	s15 =	simm.s32 $0x80;
	v0 =	vld.idx.msk [tilespmem:v0+s4+$0x0], $0xffff  }
.LBB2_2:
0x15: {  	p0 =	sne.s32 s15, $0x31C0;
	v1 =	vld [tilespmem:s14+$0x186A0];
	_ =	sdelay $0x3  }
.Ltmp0:
0x16: {  	(pc) =	sbr.rel @p0 .LBB2_2-.Ltmp0, $2  }
0x17: {  	[tilespmem:s13+$0x19320] =	vst v0;
	s13 =	smov.u32 s14;
	_ =	sdelay $0x2  }
0x18: {  	s14 =	sshra.s32 s15, $0x2;
	s15 =	sadd.s32 $0x40, s15;
	v0 =	vld.idx.msk [tilespmem:v1+s4+$0x0], $0xffff  }
0x19: {  	v1 =	vld [tilespmem:s14+$0x186A0];
	_ =	sdelay $0x6  }
0x1a: {  	[tilespmem:s13+$0x19320] =	vst v0  }
0x1b: {  	v0 =	vld.idx.msk [tilespmem:v1+s4+$0x0], $0xffff;
	_ =	sdelay $0x4  }
0x1c: {  	s31 =	simm.s32 $0x0;
	[tilespmem:s14+$0x19320] =	vst v0  }
0x1d: {  	[hbm4b:s6+s31] =	stream.linear.scatter [tilespmem:s11], [sflag:$0x1], $0xC80, $0x38;
	[tilespmem:$0x19FA0] =	vst v63  }
0x1e: {  	_ =	swait.ge [sflag:s10], $0xC80  }
0x1f: {  	[sflag:s10] =	ssyncset.done $0x0  }
0x20: {  	[sflag:s10] =	ssyncadd.s32 $0xFFFFF380  }
0x21: {  	[tilespmem:s31], [sflag:$0x1] =	stream.linear.gather [hbm4b:s3+s31], $0x186A0, $0x38;
	[tilespmem:$0x19FA0] =	vst v63  }
0x22: {  	_ =	swait.ge [sflag:s10], $0x186A0  }
0x23: {  	[sflag:s10] =	ssyncset.done $0x0  }
0x24: {  	s13 =	simm.s32 $0x0;
	[sflag:s10] =	ssyncadd.s32 $0xFFFE7960  }
0x25: {  	v0 =	vld [tilespmem:s13+$0x186A0];
	_ =	sdelay $0x7  }
0x26: {  	s15 =	simm.s32 $0x80;
	s14 =	simm.s32 $0x10;
	v0 =	vld.idx.msk [tilespmem:v0+s4+$0x0], $0xffff  }
.LBB2_4:
0x27: {  	p0 =	sne.s32 s15, $0x31C0;
	v1 =	vld [tilespmem:s14+$0x186A0];
	_ =	sdelay $0x3  }
.Ltmp1:
0x28: {  	(pc) =	sbr.rel @p0 .LBB2_4-.Ltmp1, $2  }
0x29: {  	[tilespmem:s13+$0x19320] =	vst v0;
	s13 =	smov.u32 s14;
	_ =	sdelay $0x2  }
0x2a: {  	s14 =	sshra.s32 s15, $0x2;
	s15 =	sadd.s32 $0x40, s15;
	v0 =	vld.idx.msk [tilespmem:v1+s4+$0x0], $0xffff  }
0x2b: {  	v1 =	vld [tilespmem:s14+$0x186A0];
	_ =	sdelay $0x6  }
0x2c: {  	[tilespmem:s13+$0x19320] =	vst v0  }
0x2d: {  	v0 =	vld.idx.msk [tilespmem:v1+s4+$0x0], $0xffff;
	_ =	sdelay $0x2  }
0x2e: {  	s12 =	sadd.s32 $0x1, s12  }
0x2f: {  	p0 =	sne.s32 s12, s8  }
.Ltmp2:
0x30: {  	[tilespmem:s14+$0x19320] =	vst v0;
	(pc) =	sbr.rel @p0 .LBB2_1-.Ltmp2, $4  }
0x31: {  	[hbm4b:s7+s4] =	stream.linear.scatter [tilespmem:s11], [sflag:$0x1], $0xC80, $0x38;
	[tilespmem:$0x19FA0] =	vst v63  }
0x32: {  	_ =	swait.ge [sflag:s10], $0xC80  }
0x33: {  	[sflag:s10] =	ssyncset.done $0x0  }
0x34: {  	[sflag:s10] =	ssyncadd.s32 $0xFFFFF380  }
0x35: {  	_ =	sfence.sel $0x180000  }
0x36: {  	[bflag:$0x0] =	sbarrier.arrive $0xFFFF  }
0x37: {  	p0 =	sne.s32 s0, $0x0;
	_ =	strace $0x90000050  }
0x38: {  	s0 =	sadd.s32 @!p0 $0x100000, s2;
	[bflag:$0x2] =	sbarrier.arrive $0xFFFF  }
0x39: {  	[sflag:s0] =	ssyncadd.tile.s32 @!p0 $0x1;
	_ =	shalt  }
.Lfunc_end2:
_tile_overlayer_lowered:
.L_overlay_start_2:
0x3a: {  	(tag) =	ssettag $0x2  }
0x3b: {  	s0 =	rddreg [dreg:$0x0];
	s2 =	stileid.u32  }
0x3c: {  	s1 =	rddreg [dreg:$0x1];
	p0 =	sne.s32 s2, $0x0  }
0x3d: {  	s3 =	rddreg [dreg:$0x2];
	[bflag:$0x3] =	sbarrier.arrive $0xFFFF;
	s2 =	simm.s32 @!p0 $0x1C01  }
0x3e: {  	[timem:s3], [sflag:s2] =	dma.local @!p0 [hbm:s0], s1  }
0x3f: {  	s0 =	simm.s32 @!p0 $0x1  }
0x40: {  	_ =	swait.ge @!p0 [sflag:s0], s1  }
0x41: {  	s1 =	ssub.s32 @!p0 $0x0, s1;
	[sflag:s0] =	ssyncset.done @!p0 $0x0  }
0x42: {  	[sflag:s0] =	ssyncadd.s32 @!p0 s1  }
0x43: {  	[bflag:$0x3] =	sbarrier.arrive $0xFFFF  }
0x44: {  	_ =	shalt  }

</sc_bundles>
